<compile_context>
chip_gen: v7x
topology: tpu7x:2x2x1
jax: 0.10.2.dev20260603
libtpu: 0.0.44.dev20260713+nightly
codegen_flags: <defaults>
</compile_context>

<pallas_src>
import functools

import jax
import jax.numpy as jnp
from jax import lax
from jax.experimental import pallas as pl
from jax.experimental.pallas import tpu as pltpu
from jax.experimental.pallas import tpu_sc as plsc

N = 10000
E = 320000
D = 128

NC = 2
NS = 16
NW = NC * NS

K = 125
CH = 80
EPAD = NW * CH * K
NPAD = 10240
RPT = NPAD // NS
ZB = 128


def _sc_agg_body(h_hbm, src_hbm, dst_hbm, out_hbm,
                 idx_src, idx_dst, rows0, pooled, sem0):
    cid = lax.axis_index("c")
    sid = lax.axis_index("s")
    wid = sid * NC + cid

    def _zrow(i, _):
        for j in range(D // 16):
            rows0[i, pl.ds(j * 16, 16)] = jnp.zeros((16,), jnp.float32)
        return 0
    lax.fori_loop(0, ZB, _zrow, 0)
    for t in range(RPT // ZB):
        pltpu.sync_copy(rows0, pooled.at[pl.ds(sid * RPT + t * ZB, ZB)])
    plsc.subcore_barrier()

    pltpu.sync_copy(src_hbm.at[wid], idx_src)
    pltpu.sync_copy(dst_hbm.at[wid], idx_dst)

    def _chunk(j, _):
        pltpu.async_copy(h_hbm.at[idx_src.at[j]],
                         rows0.at[pl.ds(0, K)], sem0).wait()
        pltpu.sync_copy(rows0.at[pl.ds(0, K)],
                        pooled.at[idx_dst.at[j]], add=True)
        return 0
    lax.fori_loop(0, CH, _chunk, 0)
    plsc.subcore_barrier()

    for t in range(RPT // ZB):
        r0 = sid * RPT + t * ZB
        pltpu.sync_copy(pooled.at[pl.ds(r0, ZB)], rows0)
        pltpu.sync_copy(rows0, out_hbm.at[cid, pl.ds(r0, ZB)])


@functools.lru_cache(maxsize=None)
def _make_sc_agg():
    return pl.kernel(
        _sc_agg_body,
        out_type=jax.ShapeDtypeStruct((NC, NPAD, D), jnp.float32),
        mesh=plsc.VectorSubcoreMesh(core_axis_name="c", subcore_axis_name="s",
                                    num_cores=NC, num_subcores=NS),
        scratch_types=[
            pltpu.VMEM((CH, K), jnp.int32),
            pltpu.VMEM((CH, K), jnp.int32),
            pltpu.VMEM((ZB, D), jnp.float32),
            pltpu.VMEM_SHARED((NPAD, D), jnp.float32),
            pltpu.SemaphoreType.DMA,
        ],
    )


def _sc_agg(h, srcp, dstp):
    return _make_sc_agg()(h, srcp, dstp)


BM = 1000


def _dense_body(s_ref, h_ref, p_ref, w_ref, b_ref, o_ref):
    t = s_ref[0] * h_ref[...] + jnp.sum(p_ref[...], axis=0)
    o_ref[...] = jnp.maximum(
        jnp.dot(t, w_ref[...], preferred_element_type=jnp.float32)
        + b_ref[...], 0.0)


def _tc_dense(h, p, w, b, scale):
    return pl.pallas_call(
        _dense_body,
        grid=(N // BM,),
        in_specs=[
            pl.BlockSpec(memory_space=pltpu.SMEM),
            pl.BlockSpec((BM, D), lambda i: (i, 0)),
            pl.BlockSpec((NC, BM, D), lambda i: (0, i, 0)),
            pl.BlockSpec((D, D), lambda i: (0, 0)),
            pl.BlockSpec((1, D), lambda i: (0, 0)),
        ],
        out_specs=pl.BlockSpec((BM, D), lambda i: (i, 0)),
        out_shape=jax.ShapeDtypeStruct((N, D), jnp.float32),
    )(scale, h, p, w, b)


def _final_body(s_ref, h_ref, p_ref, w_ref, b_ref,
                fw1_ref, fb1_ref, fw2_ref, fb2_ref, o_ref, acc):
    i = pl.program_id(0)

    @pl.when(i == 0)
    def _():
        acc[...] = jnp.zeros_like(acc)

    t = s_ref[0] * h_ref[...] + jnp.sum(p_ref[...], axis=0)
    t = jnp.maximum(
        jnp.dot(t, w_ref[...], preferred_element_type=jnp.float32)
        + b_ref[...], 0.0)
    acc[...] += jnp.sum(t, axis=0, keepdims=True)

    @pl.when(i == pl.num_programs(0) - 1)
    def _():
        g = acc[...]
        t1 = jnp.maximum(
            jnp.dot(g, fw1_ref[...], preferred_element_type=jnp.float32)
            + fb1_ref[...], 0.0)
        logits = (jnp.dot(t1, fw2_ref[...], preferred_element_type=jnp.float32)
                  + fb2_ref[...])
        m = jnp.max(logits, axis=1, keepdims=True)
        e = jnp.exp(logits - m)
        o_ref[...] = e / jnp.sum(e, axis=1, keepdims=True)


def _tc_final(h, p, w, b, fw1, fb1, fw2p, fb2p, scale):
    return pl.pallas_call(
        _final_body,
        grid=(N // BM,),
        in_specs=[
            pl.BlockSpec(memory_space=pltpu.SMEM),
            pl.BlockSpec((BM, D), lambda i: (i, 0)),
            pl.BlockSpec((NC, BM, D), lambda i: (0, i, 0)),
            pl.BlockSpec((D, D), lambda i: (0, 0)),
            pl.BlockSpec((1, D), lambda i: (0, 0)),
            pl.BlockSpec((D, D), lambda i: (0, 0)),
            pl.BlockSpec((1, D), lambda i: (0, 0)),
            pl.BlockSpec((D, D), lambda i: (0, 0)),
            pl.BlockSpec((1, D), lambda i: (0, 0)),
        ],
        out_specs=pl.BlockSpec((1, D), lambda i: (0, 0)),
        out_shape=jax.ShapeDtypeStruct((1, D), jnp.float32),
        scratch_shapes=[pltpu.VMEM((1, D), jnp.float32)],
    )(scale, h, p, w, b, fw1, fb1, fw2p, fb2p)


def kernel(x, edge_index, eps, W0, b0, W1, b1, W2, b2, fcW1, fcb1, fcW2, fcb2):
    npad = EPAD - E
    src = jnp.concatenate([edge_index[0], jnp.zeros((npad,), jnp.int32)])
    pad_dst = N + (jnp.arange(npad, dtype=jnp.int32) % (NPAD - N))
    dst = jnp.concatenate([edge_index[1], pad_dst])
    srcp = src.reshape(NW, CH, K)
    dstp = dst.reshape(NW, CH, K)

    C = fcW2.shape[1]
    fw2p = jnp.zeros((D, D), jnp.float32).at[:, :C].set(fcW2)
    fb2p = jnp.full((1, D), -1e30, jnp.float32).at[0, :C].set(fcb2)

    b0r = b0.reshape(1, D)
    b1r = b1.reshape(1, D)
    b2r = b2.reshape(1, D)
    fb1r = fcb1.reshape(1, D)

    h = x
    layers = [(W0, b0r), (W1, b1r)]
    for i, (W, b) in enumerate(layers):
        p = _sc_agg(h, srcp, dstp)
        h = _tc_dense(h, p, W, b, (1.0 + eps[i]).reshape(1))
    p = _sc_agg(h, srcp, dstp)
    out = _tc_final(h, p, W2, b2r, fcW1, fb1r, fw2p, fb2p,
                    (1.0 + eps[2]).reshape(1))
    return out[0, :10]

# --- scband reference (transcript-rebuilt; emitter-appended) ---
"""Pipeline reference for scband-gin-30932354466309 (READ-ONLY COPY).

The authoritative reference and input builder live on the scoring server;
editing this copy changes nothing except your own understanding.
"""

import jax, jax.numpy as jnp
import numpy as np

N = 10000
E = 320000
D = 128      # n_feat
H = 128      # agg_hidden
FC = 128     # fc_hidden
C = 10       # n_class
L = 3        # n_layer


def setup_inputs(seed: int = 0) -> dict:
    key = jax.random.key(seed)
    ks = jax.random.split(key, 16)
    x = jax.random.normal(ks[0], (N, D), dtype=jnp.float32)
    edge_index = jax.random.randint(ks[1], (2, E), 0, N, dtype=jnp.int32)
    eps = jnp.zeros((L,), dtype=jnp.float32)
    s = 1.0 / np.sqrt(D)
    W0 = jax.random.uniform(ks[2], (D, H), jnp.float32, -s, s)
    b0 = jax.random.uniform(ks[3], (H,), jnp.float32, -s, s)
    s = 1.0 / np.sqrt(H)
    W1 = jax.random.uniform(ks[4], (H, H), jnp.float32, -s, s)
    b1 = jax.random.uniform(ks[5], (H,), jnp.float32, -s, s)
    W2 = jax.random.uniform(ks[6], (H, H), jnp.float32, -s, s)
    b2 = jax.random.uniform(ks[7], (H,), jnp.float32, -s, s)
    fcW1 = jax.random.uniform(ks[8], (H, FC), jnp.float32, -s, s)
    fcb1 = jax.random.uniform(ks[9], (FC,), jnp.float32, -s, s)
    sf = 1.0 / np.sqrt(FC)
    fcW2 = jax.random.uniform(ks[10], (FC, C), jnp.float32, -sf, sf)
    fcb2 = jax.random.uniform(ks[11], (C,), jnp.float32, -sf, sf)
    return {"x": x, "edge_index": edge_index, "eps": eps,
            "W0": W0, "b0": b0, "W1": W1, "b1": b1, "W2": W2, "b2": b2,
            "fcW1": fcW1, "fcb1": fcb1, "fcW2": fcW2, "fcb2": fcb2}


def reference(x, edge_index, eps, W0, b0, W1, b1, W2, b2, fcW1, fcb1, fcW2, fcb2):
    # GIN with learn_eps=True, neighbor_pooling_type='sum':
    #   pooled_v = sum_{u in N(v)} h_u   (sparse Adj @ h)
    #   h = relu(Linear((1 + eps_i) * h + pooled))
    src = edge_index[0]
    dst = edge_index[1]
    layers = [(W0, b0), (W1, b1), (W2, b2)]
    h = x
    for i, (W, b) in enumerate(layers):
        pooled = jnp.zeros((h.shape[0], h.shape[1]), h.dtype).at[dst].add(h[src])
        h = (1.0 + eps[i]) * h + pooled
        h = jax.nn.relu(h @ W + b)
        # dropout p=0.0 -> identity
    # graph readout: sum over all nodes (single-graph batch)
    g = jnp.sum(h, axis=0)
    g = jax.nn.relu(g @ fcW1 + fcb1)
    out = jax.nn.softmax(g @ fcW2 + fcb2)
    return out

if __name__ == "__main__":
    import jax
    _d = setup_inputs()
    print(jax.jit(kernel)(*tuple(_d.values())))

</pallas_src>

<mosaic_0001>
#map = affine_map<(d0, d1) -> (0, 0)>
#map1 = affine_map<(d0, d1) -> (0, 0, 0)>
module attributes {stable_mosaic.version = 14 : i64} {
  func.func @_sc_agg_body(%arg0: i32, %arg1: i32, %arg2: memref<10000x128xf32, #tpu.memory_space<hbm>>, %arg3: memref<32x80x125xi32, #tpu.memory_space<hbm>>, %arg4: memref<32x80x125xi32, #tpu.memory_space<hbm>>, %arg5: memref<2x10240x128xf32, #tpu.memory_space<hbm>>, %arg6: memref<80x125xi32, #tpu.memory_space<vmem>>, %arg7: memref<80x125xi32, #tpu.memory_space<vmem>>, %arg8: memref<128x128xf32, #tpu.memory_space<vmem>>, %arg9: memref<10240x128xf32, #tpu.memory_space<vmem_shared>>, %arg10: memref<!tpu.dma_semaphore, #tpu.memory_space<semaphore_mem>>) attributes {dimension_semantics = [#tpu.dimension_semantics<core_parallel>, #tpu.dimension_semantics<subcore_parallel>], iteration_bounds = array<i64: 2, 16>, scalar_prefetch = 0 : i64, scratch_operands = 5 : i64, tpu.core_type = #tpu.core_type<sc_vector_subcore>, window_params = [{transform_indices = #map}, {transform_indices = #map1}, {transform_indices = #map1}, {transform_indices = #map1}]} {
    %mul3A = arith.constant 2 : i32
    %mul3A_0 = arith.muli %arg1, %mul3A : i32
    %add3A = arith.addi %mul3A_0, %arg0 : i32
    %scan3A = arith.constant 0 : i32
    %scan3A_1 = arith.constant 0 : i32
    %scan3A_2 = arith.constant 128 : i32
    %scan3A_3 = arith.addi %scan3A_1, %scan3A_2 : i32
    %scan3A_4 = arith.constant 1 : i32
    %scan3A_5 = scf.for %scan3A_55 = %scan3A_1 to %scan3A_3 step %scan3A_4 iter_args(%scan3A_56 = %scan3A) -> (i32)  : i32 {
      %broadcast_in_dim3A = arith.constant 0.000000e+00 : f32
      %broadcast_in_dim3A_57 = vector.broadcast %broadcast_in_dim3A : f32 to vector<16xf32>
      %swap3A = arith.index_cast %scan3A_55 : i32 to index
      %swap3A_58 = arith.constant 0 : index
      %swap3A_59 = tpu.vector_load %arg8[%swap3A, %swap3A_58] {strides = array<i32>} : memref<128x128xf32, #tpu.memory_space<vmem>>, vector<1x16xf32>,
      %swap3A_60 = vector.shape_cast %swap3A_59 : vector<1x16xf32> to vector<16xf32>
      %swap3A_61 = vector.shape_cast %broadcast_in_dim3A_57 : vector<16xf32> to vector<1x16xf32>
      tpu.vector_store %arg8[%swap3A, %swap3A_58], %swap3A_61 {strides = array<i32>} : memref<128x128xf32, #tpu.memory_space<vmem>>, vector<1x16xf32>,
      %broadcast_in_dim3A_62 = arith.constant 0.000000e+00 : f32
      %broadcast_in_dim3A_63 = vector.broadcast %broadcast_in_dim3A_62 : f32 to vector<16xf32>
      %swap3A_64 = arith.index_cast %scan3A_55 : i32 to index
      %swap3A_65 = arith.constant 16 : index
      %swap3A_66 = tpu.vector_load %arg8[%swap3A_64, %swap3A_65] {strides = array<i32>} : memref<128x128xf32, #tpu.memory_space<vmem>>, vector<1x16xf32>,
      %swap3A_67 = vector.shape_cast %swap3A_66 : vector<1x16xf32> to vector<16xf32>
      %swap3A_68 = vector.shape_cast %broadcast_in_dim3A_63 : vector<16xf32> to vector<1x16xf32>
      tpu.vector_store %arg8[%swap3A_64, %swap3A_65], %swap3A_68 {strides = array<i32>} : memref<128x128xf32, #tpu.memory_space<vmem>>, vector<1x16xf32>,
      %broadcast_in_dim3A_69 = arith.constant 0.000000e+00 : f32
      %broadcast_in_dim3A_70 = vector.broadcast %broadcast_in_dim3A_69 : f32 to vector<16xf32>
      %swap3A_71 = arith.index_cast %scan3A_55 : i32 to index
      %swap3A_72 = arith.constant 32 : index
      %swap3A_73 = tpu.vector_load %arg8[%swap3A_71, %swap3A_72] {strides = array<i32>} : memref<128x128xf32, #tpu.memory_space<vmem>>, vector<1x16xf32>,
      %swap3A_74 = vector.shape_cast %swap3A_73 : vector<1x16xf32> to vector<16xf32>
      %swap3A_75 = vector.shape_cast %broadcast_in_dim3A_70 : vector<16xf32> to vector<1x16xf32>
      tpu.vector_store %arg8[%swap3A_71, %swap3A_72], %swap3A_75 {strides = array<i32>} : memref<128x128xf32, #tpu.memory_space<vmem>>, vector<1x16xf32>,
      %broadcast_in_dim3A_76 = arith.constant 0.000000e+00 : f32
      %broadcast_in_dim3A_77 = vector.broadcast %broadcast_in_dim3A_76 : f32 to vector<16xf32>
      %swap3A_78 = arith.index_cast %scan3A_55 : i32 to index
      %swap3A_79 = arith.constant 48 : index
      %swap3A_80 = tpu.vector_load %arg8[%swap3A_78, %swap3A_79] {strides = array<i32>} : memref<128x128xf32, #tpu.memory_space<vmem>>, vector<1x16xf32>,
      %swap3A_81 = vector.shape_cast %swap3A_80 : vector<1x16xf32> to vector<16xf32>
      %swap3A_82 = vector.shape_cast %broadcast_in_dim3A_77 : vector<16xf32> to vector<1x16xf32>
      tpu.vector_store %arg8[%swap3A_78, %swap3A_79], %swap3A_82 {strides = array<i32>} : memref<128x128xf32, #tpu.memory_space<vmem>>, vector<1x16xf32>,
      %broadcast_in_dim3A_83 = arith.constant 0.000000e+00 : f32
      %broadcast_in_dim3A_84 = vector.broadcast %broadcast_in_dim3A_83 : f32 to vector<16xf32>
      %swap3A_85 = arith.index_cast %scan3A_55 : i32 to index
      %swap3A_86 = arith.constant 64 : index
      %swap3A_87 = tpu.vector_load %arg8[%swap3A_85, %swap3A_86] {strides = array<i32>} : memref<128x128xf32, #tpu.memory_space<vmem>>, vector<1x16xf32>,
      %swap3A_88 = vector.shape_cast %swap3A_87 : vector<1x16xf32> to vector<16xf32>
      %swap3A_89 = vector.shape_cast %broadcast_in_dim3A_84 : vector<16xf32> to vector<1x16xf32>
      tpu.vector_store %arg8[%swap3A_85, %swap3A_86], %swap3A_89 {strides = array<i32>} : memref<128x128xf32, #tpu.memory_space<vmem>>, vector<1x16xf32>,
      %broadcast_in_dim3A_90 = arith.constant 0.000000e+00 : f32
      %broadcast_in_dim3A_91 = vector.broadcast %broadcast_in_dim3A_90 : f32 to vector<16xf32>
      %swap3A_92 = arith.index_cast %scan3A_55 : i32 to index
      %swap3A_93 = arith.constant 80 : index
      %swap3A_94 = tpu.vector_load %arg8[%swap3A_92, %swap3A_93] {strides = array<i32>} : memref<128x128xf32, #tpu.memory_space<vmem>>, vector<1x16xf32>,
      %swap3A_95 = vector.shape_cast %swap3A_94 : vector<1x16xf32> to vector<16xf32>
      %swap3A_96 = vector.shape_cast %broadcast_in_dim3A_91 : vector<16xf32> to vector<1x16xf32>
      tpu.vector_store %arg8[%swap3A_92, %swap3A_93], %swap3A_96 {strides = array<i32>} : memref<128x128xf32, #tpu.memory_space<vmem>>, vector<1x16xf32>,
      %broadcast_in_dim3A_97 = arith.constant 0.000000e+00 : f32
      %broadcast_in_dim3A_98 = vector.broadcast %broadcast_in_dim3A_97 : f32 to vector<16xf32>
      %swap3A_99 = arith.index_cast %scan3A_55 : i32 to index
      %swap3A_100 = arith.constant 96 : index
      %swap3A_101 = tpu.vector_load %arg8[%swap3A_99, %swap3A_100] {strides = array<i32>} : memref<128x128xf32, #tpu.memory_space<vmem>>, vector<1x16xf32>,
      %swap3A_102 = vector.shape_cast %swap3A_101 : vector<1x16xf32> to vector<16xf32>
      %swap3A_103 = vector.shape_cast %broadcast_in_dim3A_98 : vector<16xf32> to vector<1x16xf32>
      tpu.vector_store %arg8[%swap3A_99, %swap3A_100], %swap3A_103 {strides = array<i32>} : memref<128x128xf32, #tpu.memory_space<vmem>>, vector<1x16xf32>,
      %broadcast_in_dim3A_104 = arith.constant 0.000000e+00 : f32
      %broadcast_in_dim3A_105 = vector.broadcast %broadcast_in_dim3A_104 : f32 to vector<16xf32>
      %swap3A_106 = arith.index_cast %scan3A_55 : i32 to index
      %swap3A_107 = arith.constant 112 : index
      %swap3A_108 = tpu.vector_load %arg8[%swap3A_106, %swap3A_107] {strides = array<i32>} : memref<128x128xf32, #tpu.memory_space<vmem>>, vector<1x16xf32>,
      %swap3A_109 = vector.shape_cast %swap3A_108 : vector<1x16xf32> to vector<16xf32>
      %swap3A_110 = vector.shape_cast %broadcast_in_dim3A_105 : vector<16xf32> to vector<1x16xf32>
      tpu.vector_store %arg8[%swap3A_106, %swap3A_107], %swap3A_110 {strides = array<i32>} : memref<128x128xf32, #tpu.memory_space<vmem>>, vector<1x16xf32>,
      %scan3A_111 = arith.constant 0 : i32
      scf.yield %scan3A_111 : i32
    }
    %scan3A_6 = arith.constant 128 : i32
    %mul3A_7 = arith.constant 640 : i32
    %mul3A_8 = arith.muli %arg1, %mul3A_7 : i32
    %add3A_9 = arith.constant 0 : i32
    %add3A_10 = arith.addi %mul3A_8, %add3A_9 : i32
    "tpu.region"() ({
      %run_scoped3A = tpu.sem_alloc : memref<!tpu.dma_semaphore, #tpu.memory_space<semaphore_mem>>
      %dma_start3A = arith.constant 0 : i32
      %dma_start3A_55 = tpu.memref_slice %arg9[%add3A_10, %dma_start3A] : memref<10240x128xf32, #tpu.memory_space<vmem_shared>> -> memref<128x128xf32, #tpu.memory_space<vmem_shared>>
      %dma_start3A_56 = arith.constant 0 : i32
      %dma_start3A_57 = tpu.memref_slice %arg9[%add3A_10, %dma_start3A_56] : memref<10240x128xf32, #tpu.memory_space<vmem_shared>> -> memref<128x128xf32, #tpu.memory_space<vmem_shared>>
      tpu.enqueue_dma source(%arg8 : memref<128x128xf32, #tpu.memory_space<vmem>>) target(%dma_start3A_57 : memref<128x128xf32, #tpu.memory_space<vmem_shared>>) target_semaphore(%run_scoped3A : memref<!tpu.dma_semaphore, #tpu.memory_space<semaphore_mem>>)
      %dma_wait3A = arith.constant 0 : i32
      %dma_wait3A_58 = tpu.memref_slice %arg9[%add3A_10, %dma_wait3A] : memref<10240x128xf32, #tpu.memory_space<vmem_shared>> -> memref<128x128xf32, #tpu.memory_space<vmem_shared>>
      %dma_wait3A_59 = arith.constant 0 : i32
      %dma_wait3A_60 = tpu.memref_slice %arg9[%add3A_10, %dma_wait3A_59] : memref<10240x128xf32, #tpu.memory_space<vmem_shared>> -> memref<128x128xf32, #tpu.memory_space<vmem_shared>>
      tpu.wait_dma2 semaphore(%run_scoped3A : memref<!tpu.dma_semaphore, #tpu.memory_space<semaphore_mem>>) src(%arg8 : memref<128x128xf32, #tpu.memory_space<vmem>>) dst(%dma_wait3A_60 : memref<128x128xf32, #tpu.memory_space<vmem_shared>>)
      tpu.yield
    }) : () -> ()
    %mul3A_11 = arith.constant 640 : i32
    %mul3A_12 = arith.muli %arg1, %mul3A_11 : i32
    %add3A_13 = arith.constant 128 : i32
    %add3A_14 = arith.addi %mul3A_12, %add3A_13 : i32
    "tpu.region"() ({
      %run_scoped3A = tpu.sem_alloc : memref<!tpu.dma_semaphore, #tpu.memory_space<semaphore_mem>>
      %dma_start3A = arith.constant 0 : i32
      %dma_start3A_55 = tpu.memref_slice %arg9[%add3A_14, %dma_start3A] : memref<10240x128xf32, #tpu.memory_space<vmem_shared>> -> memref<128x128xf32, #tpu.memory_space<vmem_shared>>
      %dma_start3A_56 = arith.constant 0 : i32
      %dma_start3A_57 = tpu.memref_slice %arg9[%add3A_14, %dma_start3A_56] : memref<10240x128xf32, #tpu.memory_space<vmem_shared>> -> memref<128x128xf32, #tpu.memory_space<vmem_shared>>
      tpu.enqueue_dma source(%arg8 : memref<128x128xf32, #tpu.memory_space<vmem>>) target(%dma_start3A_57 : memref<128x128xf32, #tpu.memory_space<vmem_shared>>) target_semaphore(%run_scoped3A : memref<!tpu.dma_semaphore, #tpu.memory_space<semaphore_mem>>)
      %dma_wait3A = arith.constant 0 : i32
      %dma_wait3A_58 = tpu.memref_slice %arg9[%add3A_14, %dma_wait3A] : memref<10240x128xf32, #tpu.memory_space<vmem_shared>> -> memref<128x128xf32, #tpu.memory_space<vmem_shared>>
      %dma_wait3A_59 = arith.constant 0 : i32
      %dma_wait3A_60 = tpu.memref_slice %arg9[%add3A_14, %dma_wait3A_59] : memref<10240x128xf32, #tpu.memory_space<vmem_shared>> -> memref<128x128xf32, #tpu.memory_space<vmem_shared>>
      tpu.wait_dma2 semaphore(%run_scoped3A : memref<!tpu.dma_semaphore, #tpu.memory_space<semaphore_mem>>) src(%arg8 : memref<128x128xf32, #tpu.memory_space<vmem>>) dst(%dma_wait3A_60 : memref<128x128xf32, #tpu.memory_space<vmem_shared>>)
      tpu.yield
    }) : () -> ()
    %mul3A_15 = arith.constant 640 : i32
    %mul3A_16 = arith.muli %arg1, %mul3A_15 : i32
    %add3A_17 = arith.constant 256 : i32
    %add3A_18 = arith.addi %mul3A_16, %add3A_17 : i32
    "tpu.region"() ({
      %run_scoped3A = tpu.sem_alloc : memref<!tpu.dma_semaphore, #tpu.memory_space<semaphore_mem>>
      %dma_start3A = arith.constant 0 : i32
      %dma_start3A_55 = tpu.memref_slice %arg9[%add3A_18, %dma_start3A] : memref<10240x128xf32, #tpu.memory_space<vmem_shared>> -> memref<128x128xf32, #tpu.memory_space<vmem_shared>>
      %dma_start3A_56 = arith.constant 0 : i32
      %dma_start3A_57 = tpu.memref_slice %arg9[%add3A_18, %dma_start3A_56] : memref<10240x128xf32, #tpu.memory_space<vmem_shared>> -> memref<128x128xf32, #tpu.memory_space<vmem_shared>>
      tpu.enqueue_dma source(%arg8 : memref<128x128xf32, #tpu.memory_space<vmem>>) target(%dma_start3A_57 : memref<128x128xf32, #tpu.memory_space<vmem_shared>>) target_semaphore(%run_scoped3A : memref<!tpu.dma_semaphore, #tpu.memory_space<semaphore_mem>>)
      %dma_wait3A = arith.constant 0 : i32
      %dma_wait3A_58 = tpu.memref_slice %arg9[%add3A_18, %dma_wait3A] : memref<10240x128xf32, #tpu.memory_space<vmem_shared>> -> memref<128x128xf32, #tpu.memory_space<vmem_shared>>
      %dma_wait3A_59 = arith.constant 0 : i32
      %dma_wait3A_60 = tpu.memref_slice %arg9[%add3A_18, %dma_wait3A_59] : memref<10240x128xf32, #tpu.memory_space<vmem_shared>> -> memref<128x128xf32, #tpu.memory_space<vmem_shared>>
      tpu.wait_dma2 semaphore(%run_scoped3A : memref<!tpu.dma_semaphore, #tpu.memory_space<semaphore_mem>>) src(%arg8 : memref<128x128xf32, #tpu.memory_space<vmem>>) dst(%dma_wait3A_60 : memref<128x128xf32, #tpu.memory_space<vmem_shared>>)
      tpu.yield
    }) : () -> ()
    %mul3A_19 = arith.constant 640 : i32
    %mul3A_20 = arith.muli %arg1, %mul3A_19 : i32
    %add3A_21 = arith.constant 384 : i32
    %add3A_22 = arith.addi %mul3A_20, %add3A_21 : i32
    "tpu.region"() ({
      %run_scoped3A = tpu.sem_alloc : memref<!tpu.dma_semaphore, #tpu.memory_space<semaphore_mem>>
      %dma_start3A = arith.constant 0 : i32
      %dma_start3A_55 = tpu.memref_slice %arg9[%add3A_22, %dma_start3A] : memref<10240x128xf32, #tpu.memory_space<vmem_shared>> -> memref<128x128xf32, #tpu.memory_space<vmem_shared>>
      %dma_start3A_56 = arith.constant 0 : i32
      %dma_start3A_57 = tpu.memref_slice %arg9[%add3A_22, %dma_start3A_56] : memref<10240x128xf32, #tpu.memory_space<vmem_shared>> -> memref<128x128xf32, #tpu.memory_space<vmem_shared>>
      tpu.enqueue_dma source(%arg8 : memref<128x128xf32, #tpu.memory_space<vmem>>) target(%dma_start3A_57 : memref<128x128xf32, #tpu.memory_space<vmem_shared>>) target_semaphore(%run_scoped3A : memref<!tpu.dma_semaphore, #tpu.memory_space<semaphore_mem>>)
      %dma_wait3A = arith.constant 0 : i32
      %dma_wait3A_58 = tpu.memref_slice %arg9[%add3A_22, %dma_wait3A] : memref<10240x128xf32, #tpu.memory_space<vmem_shared>> -> memref<128x128xf32, #tpu.memory_space<vmem_shared>>
      %dma_wait3A_59 = arith.constant 0 : i32
      %dma_wait3A_60 = tpu.memref_slice %arg9[%add3A_22, %dma_wait3A_59] : memref<10240x128xf32, #tpu.memory_space<vmem_shared>> -> memref<128x128xf32, #tpu.memory_space<vmem_shared>>
      tpu.wait_dma2 semaphore(%run_scoped3A : memref<!tpu.dma_semaphore, #tpu.memory_space<semaphore_mem>>) src(%arg8 : memref<128x128xf32, #tpu.memory_space<vmem>>) dst(%dma_wait3A_60 : memref<128x128xf32, #tpu.memory_space<vmem_shared>>)
      tpu.yield
    }) : () -> ()
    %mul3A_23 = arith.constant 640 : i32
    %mul3A_24 = arith.muli %arg1, %mul3A_23 : i32
    %add3A_25 = arith.constant 512 : i32
    %add3A_26 = arith.addi %mul3A_24, %add3A_25 : i32
    "tpu.region"() ({
      %run_scoped3A = tpu.sem_alloc : memref<!tpu.dma_semaphore, #tpu.memory_space<semaphore_mem>>
      %dma_start3A = arith.constant 0 : i32
      %dma_start3A_55 = tpu.memref_slice %arg9[%add3A_26, %dma_start3A] : memref<10240x128xf32, #tpu.memory_space<vmem_shared>> -> memref<128x128xf32, #tpu.memory_space<vmem_shared>>
      %dma_start3A_56 = arith.constant 0 : i32
      %dma_start3A_57 = tpu.memref_slice %arg9[%add3A_26, %dma_start3A_56] : memref<10240x128xf32, #tpu.memory_space<vmem_shared>> -> memref<128x128xf32, #tpu.memory_space<vmem_shared>>
      tpu.enqueue_dma source(%arg8 : memref<128x128xf32, #tpu.memory_space<vmem>>) target(%dma_start3A_57 : memref<128x128xf32, #tpu.memory_space<vmem_shared>>) target_semaphore(%run_scoped3A : memref<!tpu.dma_semaphore, #tpu.memory_space<semaphore_mem>>)
      %dma_wait3A = arith.constant 0 : i32
      %dma_wait3A_58 = tpu.memref_slice %arg9[%add3A_26, %dma_wait3A] : memref<10240x128xf32, #tpu.memory_space<vmem_shared>> -> memref<128x128xf32, #tpu.memory_space<vmem_shared>>
      %dma_wait3A_59 = arith.constant 0 : i32
      %dma_wait3A_60 = tpu.memref_slice %arg9[%add3A_26, %dma_wait3A_59] : memref<10240x128xf32, #tpu.memory_space<vmem_shared>> -> memref<128x128xf32, #tpu.memory_space<vmem_shared>>
      tpu.wait_dma2 semaphore(%run_scoped3A : memref<!tpu.dma_semaphore, #tpu.memory_space<semaphore_mem>>) src(%arg8 : memref<128x128xf32, #tpu.memory_space<vmem>>) dst(%dma_wait3A_60 : memref<128x128xf32, #tpu.memory_space<vmem_shared>>)
      tpu.yield
    }) : () -> ()
    %barrier3A = arith.constant 0 : index
    tpu.barrier barrier_id(%barrier3A)
    "tpu.region"() ({
      %run_scoped3A = tpu.sem_alloc : memref<!tpu.dma_semaphore, #tpu.memory_space<semaphore_mem>>
      %dma_start3A = arith.constant 0 : i32
      %dma_start3A_55 = arith.constant 0 : i32
      %dma_start3A_56 = tpu.memref_slice %arg3[%add3A, %dma_start3A, %dma_start3A_55] : memref<32x80x125xi32, #tpu.memory_space<hbm>> -> memref<1x80x125xi32, #tpu.memory_space<hbm>>
      %dma_start3A_57 = tpu.memref_squeeze %dma_start3A_56 : memref<1x80x125xi32, #tpu.memory_space<hbm>> -> memref<80x125xi32, #tpu.memory_space<hbm>>
      %dma_start3A_58 = arith.constant 0 : i32
      %dma_start3A_59 = arith.constant 0 : i32
      %dma_start3A_60 = tpu.memref_slice %arg3[%add3A, %dma_start3A_58, %dma_start3A_59] : memref<32x80x125xi32, #tpu.memory_space<hbm>> -> memref<1x80x125xi32, #tpu.memory_space<hbm>>
      %dma_start3A_61 = tpu.memref_squeeze %dma_start3A_60 : memref<1x80x125xi32, #tpu.memory_space<hbm>> -> memref<80x125xi32, #tpu.memory_space<hbm>>
      tpu.enqueue_dma source(%dma_start3A_61 : memref<80x125xi32, #tpu.memory_space<hbm>>) target(%arg6 : memref<80x125xi32, #tpu.memory_space<vmem>>) target_semaphore(%run_scoped3A : memref<!tpu.dma_semaphore, #tpu.memory_space<semaphore_mem>>)
      %dma_wait3A = arith.constant 0 : i32
      %dma_wait3A_62 = arith.constant 0 : i32
      %dma_wait3A_63 = tpu.memref_slice %arg3[%add3A, %dma_wait3A, %dma_wait3A_62] : memref<32x80x125xi32, #tpu.memory_space<hbm>> -> memref<1x80x125xi32, #tpu.memory_space<hbm>>
      %dma_wait3A_64 = tpu.memref_squeeze %dma_wait3A_63 : memref<1x80x125xi32, #tpu.memory_space<hbm>> -> memref<80x125xi32, #tpu.memory_space<hbm>>
      %dma_wait3A_65 = arith.constant 0 : i32
      %dma_wait3A_66 = arith.constant 0 : i32
      %dma_wait3A_67 = tpu.memref_slice %arg3[%add3A, %dma_wait3A_65, %dma_wait3A_66] : memref<32x80x125xi32, #tpu.memory_space<hbm>> -> memref<1x80x125xi32, #tpu.memory_space<hbm>>
      %dma_wait3A_68 = tpu.memref_squeeze %dma_wait3A_67 : memref<1x80x125xi32, #tpu.memory_space<hbm>> -> memref<80x125xi32, #tpu.memory_space<hbm>>
      tpu.wait_dma2 semaphore(%run_scoped3A : memref<!tpu.dma_semaphore, #tpu.memory_space<semaphore_mem>>) src(%dma_wait3A_68 : memref<80x125xi32, #tpu.memory_space<hbm>>) dst(%arg6 : memref<80x125xi32, #tpu.memory_space<vmem>>)
      tpu.yield
    }) : () -> ()
    "tpu.region"() ({
      %run_scoped3A = tpu.sem_alloc : memref<!tpu.dma_semaphore, #tpu.memory_space<semaphore_mem>>
      %dma_start3A = arith.constant 0 : i32
      %dma_start3A_55 = arith.constant 0 : i32
      %dma_start3A_56 = tpu.memref_slice %arg4[%add3A, %dma_start3A, %dma_start3A_55] : memref<32x80x125xi32, #tpu.memory_space<hbm>> -> memref<1x80x125xi32, #tpu.memory_space<hbm>>
      %dma_start3A_57 = tpu.memref_squeeze %dma_start3A_56 : memref<1x80x125xi32, #tpu.memory_space<hbm>> -> memref<80x125xi32, #tpu.memory_space<hbm>>
      %dma_start3A_58 = arith.constant 0 : i32
      %dma_start3A_59 = arith.constant 0 : i32
      %dma_start3A_60 = tpu.memref_slice %arg4[%add3A, %dma_start3A_58, %dma_start3A_59] : memref<32x80x125xi32, #tpu.memory_space<hbm>> -> memref<1x80x125xi32, #tpu.memory_space<hbm>>
      %dma_start3A_61 = tpu.memref_squeeze %dma_start3A_60 : memref<1x80x125xi32, #tpu.memory_space<hbm>> -> memref<80x125xi32, #tpu.memory_space<hbm>>
      tpu.enqueue_dma source(%dma_start3A_61 : memref<80x125xi32, #tpu.memory_space<hbm>>) target(%arg7 : memref<80x125xi32, #tpu.memory_space<vmem>>) target_semaphore(%run_scoped3A : memref<!tpu.dma_semaphore, #tpu.memory_space<semaphore_mem>>)
      %dma_wait3A = arith.constant 0 : i32
      %dma_wait3A_62 = arith.constant 0 : i32
      %dma_wait3A_63 = tpu.memref_slice %arg4[%add3A, %dma_wait3A, %dma_wait3A_62] : memref<32x80x125xi32, #tpu.memory_space<hbm>> -> memref<1x80x125xi32, #tpu.memory_space<hbm>>
      %dma_wait3A_64 = tpu.memref_squeeze %dma_wait3A_63 : memref<1x80x125xi32, #tpu.memory_space<hbm>> -> memref<80x125xi32, #tpu.memory_space<hbm>>
      %dma_wait3A_65 = arith.constant 0 : i32
      %dma_wait3A_66 = arith.constant 0 : i32
      %dma_wait3A_67 = tpu.memref_slice %arg4[%add3A, %dma_wait3A_65, %dma_wait3A_66] : memref<32x80x125xi32, #tpu.memory_space<hbm>> -> memref<1x80x125xi32, #tpu.memory_space<hbm>>
      %dma_wait3A_68 = tpu.memref_squeeze %dma_wait3A_67 : memref<1x80x125xi32, #tpu.memory_space<hbm>> -> memref<80x125xi32, #tpu.memory_space<hbm>>
      tpu.wait_dma2 semaphore(%run_scoped3A : memref<!tpu.dma_semaphore, #tpu.memory_space<semaphore_mem>>) src(%dma_wait3A_68 : memref<80x125xi32, #tpu.memory_space<hbm>>) dst(%arg7 : memref<80x125xi32, #tpu.memory_space<vmem>>)
      tpu.yield
    }) : () -> ()
    %scan3A_27 = arith.constant 0 : i32
    %scan3A_28 = arith.constant 0 : i32
    %scan3A_29 = arith.constant 80 : i32
    %scan3A_30 = arith.addi %scan3A_28, %scan3A_29 : i32
    %scan3A_31 = arith.constant 1 : i32
    %scan3A_32 = scf.for %scan3A_55 = %scan3A_28 to %scan3A_30 step %scan3A_31 iter_args(%scan3A_56 = %scan3A_27) -> (i32)  : i32 {
      %dma_start3A = arith.constant 0 : i32
      %dma_start3A_57 = arith.constant 0 : i32
      %dma_start3A_58 = tpu.memref_slice %arg8[%dma_start3A, %dma_start3A_57] : memref<128x128xf32, #tpu.memory_space<vmem>> -> memref<125x128xf32, #tpu.memory_space<vmem>>
      %dma_start3A_59 = arith.constant 0 : i32
      %dma_start3A_60 = tpu.memref_slice %arg6[%scan3A_55, %dma_start3A_59] : memref<80x125xi32, #tpu.memory_space<vmem>> -> memref<1x125xi32, #tpu.memory_space<vmem>>
      %dma_start3A_61 = tpu.memref_squeeze %dma_start3A_60 : memref<1x125xi32, #tpu.memory_space<vmem>> -> memref<125xi32, #tpu.memory_space<vmem>>
      %dma_start3A_62 = arith.constant 0 : i32
      %dma_start3A_63 = arith.constant 0 : i32
      %dma_start3A_64 = tpu.memref_slice %arg2[%dma_start3A_62, %dma_start3A_63] : memref<10000x128xf32, #tpu.memory_space<hbm>> -> memref<10000x128xf32, #tpu.memory_space<hbm>>
      tpu.enqueue_indirect_dma source(%dma_start3A_64 : memref<10000x128xf32, #tpu.memory_space<hbm>>) target(%dma_start3A_58 : memref<125x128xf32, #tpu.memory_space<vmem>>) offsets(%dma_start3A_61 : memref<125xi32, #tpu.memory_space<vmem>>) semaphore(%arg10 : memref<!tpu.dma_semaphore, #tpu.memory_space<semaphore_mem>>)
      %dma_wait3A = arith.constant 0 : i32
      %dma_wait3A_65 = arith.constant 0 : i32
      %dma_wait3A_66 = tpu.memref_slice %arg8[%dma_wait3A, %dma_wait3A_65] : memref<128x128xf32, #tpu.memory_space<vmem>> -> memref<125x128xf32, #tpu.memory_space<vmem>>
      %dma_wait3A_67 = arith.constant 0 : i32
      %dma_wait3A_68 = tpu.memref_slice %arg6[%scan3A_55, %dma_wait3A_67] : memref<80x125xi32, #tpu.memory_space<vmem>> -> memref<1x125xi32, #tpu.memory_space<vmem>>
      %dma_wait3A_69 = tpu.memref_squeeze %dma_wait3A_68 : memref<1x125xi32, #tpu.memory_space<vmem>> -> memref<125xi32, #tpu.memory_space<vmem>>
      %dma_wait3A_70 = arith.constant 0 : i32
      %dma_wait3A_71 = arith.constant 0 : i32
      %dma_wait3A_72 = tpu.memref_slice %arg2[%dma_wait3A_70, %dma_wait3A_71] : memref<10000x128xf32, #tpu.memory_space<hbm>> -> memref<10000x128xf32, #tpu.memory_space<hbm>>
      tpu.wait_indirect_dma semaphore(%arg10 : memref<!tpu.dma_semaphore, #tpu.memory_space<semaphore_mem>>) src(%dma_wait3A_72 : memref<10000x128xf32, #tpu.memory_space<hbm>>) dst(%dma_wait3A_66 : memref<125x128xf32, #tpu.memory_space<vmem>>)
      "tpu.region"() ({
        %run_scoped3A = tpu.sem_alloc : memref<!tpu.dma_semaphore, #tpu.memory_space<semaphore_mem>>
        %dma_start3A_74 = arith.constant 0 : i32
        %dma_start3A_75 = arith.constant 0 : i32
        %dma_start3A_76 = tpu.memref_slice %arg8[%dma_start3A_74, %dma_start3A_75] : memref<128x128xf32, #tpu.memory_space<vmem>> -> memref<125x128xf32, #tpu.memory_space<vmem>>
        %dma_start3A_77 = arith.constant 0 : i32
        %dma_start3A_78 = tpu.memref_slice %arg7[%scan3A_55, %dma_start3A_77] : memref<80x125xi32, #tpu.memory_space<vmem>> -> memref<1x125xi32, #tpu.memory_space<vmem>>
        %dma_start3A_79 = tpu.memref_squeeze %dma_start3A_78 : memref<1x125xi32, #tpu.memory_space<vmem>> -> memref<125xi32, #tpu.memory_space<vmem>>
        %dma_start3A_80 = arith.constant 0 : i32
        %dma_start3A_81 = arith.constant 0 : i32
        %dma_start3A_82 = tpu.memref_slice %arg9[%dma_start3A_80, %dma_start3A_81] : memref<10240x128xf32, #tpu.memory_space<vmem_shared>> -> memref<10240x128xf32, #tpu.memory_space<vmem_shared>>
        tpu.enqueue_indirect_dma source(%dma_start3A_76 : memref<125x128xf32, #tpu.memory_space<vmem>>) target(%dma_start3A_82 : memref<10240x128xf32, #tpu.memory_space<vmem_shared>>) offsets(%dma_start3A_79 : memref<125xi32, #tpu.memory_space<vmem>>) semaphore(%run_scoped3A : memref<!tpu.dma_semaphore, #tpu.memory_space<semaphore_mem>>) {add = true}
        %dma_wait3A_83 = arith.constant 0 : i32
        %dma_wait3A_84 = arith.constant 0 : i32
        %dma_wait3A_85 = tpu.memref_slice %arg8[%dma_wait3A_83, %dma_wait3A_84] : memref<128x128xf32, #tpu.memory_space<vmem>> -> memref<125x128xf32, #tpu.memory_space<vmem>>
        %dma_wait3A_86 = arith.constant 0 : i32
        %dma_wait3A_87 = tpu.memref_slice %arg7[%scan3A_55, %dma_wait3A_86] : memref<80x125xi32, #tpu.memory_space<vmem>> -> memref<1x125xi32, #tpu.memory_space<vmem>>
        %dma_wait3A_88 = tpu.memref_squeeze %dma_wait3A_87 : memref<1x125xi32, #tpu.memory_space<vmem>> -> memref<125xi32, #tpu.memory_space<vmem>>
        %dma_wait3A_89 = arith.constant 0 : i32
        %dma_wait3A_90 = arith.constant 0 : i32
        %dma_wait3A_91 = tpu.memref_slice %arg9[%dma_wait3A_89, %dma_wait3A_90] : memref<10240x128xf32, #tpu.memory_space<vmem_shared>> -> memref<10240x128xf32, #tpu.memory_space<vmem_shared>>
        tpu.wait_indirect_dma semaphore(%run_scoped3A : memref<!tpu.dma_semaphore, #tpu.memory_space<semaphore_mem>>) src(%dma_wait3A_85 : memref<125x128xf32, #tpu.memory_space<vmem>>) dst(%dma_wait3A_91 : memref<10240x128xf32, #tpu.memory_space<vmem_shared>>)
        tpu.yield
      }) : () -> ()
      %scan3A_73 = arith.constant 0 : i32
      scf.yield %scan3A_73 : i32
    }
    %scan3A_33 = arith.constant 80 : i32
    %barrier3A_34 = arith.constant 0 : index
    tpu.barrier barrier_id(%barrier3A_34)
    %mul3A_35 = arith.constant 640 : i32
    %mul3A_36 = arith.muli %arg1, %mul3A_35 : i32
    %add3A_37 = arith.constant 0 : i32
    %add3A_38 = arith.addi %mul3A_36, %add3A_37 : i32
    "tpu.region"() ({
      %run_scoped3A = tpu.sem_alloc : memref<!tpu.dma_semaphore, #tpu.memory_space<semaphore_mem>>
      %dma_start3A = arith.constant 0 : i32
      %dma_start3A_55 = tpu.memref_slice %arg9[%add3A_38, %dma_start3A] : memref<10240x128xf32, #tpu.memory_space<vmem_shared>> -> memref<128x128xf32, #tpu.memory_space<vmem_shared>>
      %dma_start3A_56 = arith.constant 0 : i32
      %dma_start3A_57 = tpu.memref_slice %arg9[%add3A_38, %dma_start3A_56] : memref<10240x128xf32, #tpu.memory_space<vmem_shared>> -> memref<128x128xf32, #tpu.memory_space<vmem_shared>>
      tpu.enqueue_dma source(%dma_start3A_57 : memref<128x128xf32, #tpu.memory_space<vmem_shared>>) target(%arg8 : memref<128x128xf32, #tpu.memory_space<vmem>>) target_semaphore(%run_scoped3A : memref<!tpu.dma_semaphore, #tpu.memory_space<semaphore_mem>>)
      %dma_wait3A = arith.constant 0 : i32
      %dma_wait3A_58 = tpu.memref_slice %arg9[%add3A_38, %dma_wait3A] : memref<10240x128xf32, #tpu.memory_space<vmem_shared>> -> memref<128x128xf32, #tpu.memory_space<vmem_shared>>
      %dma_wait3A_59 = arith.constant 0 : i32
      %dma_wait3A_60 = tpu.memref_slice %arg9[%add3A_38, %dma_wait3A_59] : memref<10240x128xf32, #tpu.memory_space<vmem_shared>> -> memref<128x128xf32, #tpu.memory_space<vmem_shared>>
      tpu.wait_dma2 semaphore(%run_scoped3A : memref<!tpu.dma_semaphore, #tpu.memory_space<semaphore_mem>>) src(%dma_wait3A_60 : memref<128x128xf32, #tpu.memory_space<vmem_shared>>) dst(%arg8 : memref<128x128xf32, #tpu.memory_space<vmem>>)
      tpu.yield
    }) : () -> ()
    "tpu.region"() ({
      %run_scoped3A = tpu.sem_alloc : memref<!tpu.dma_semaphore, #tpu.memory_space<semaphore_mem>>
      %dma_start3A = arith.constant 0 : i32
      %dma_start3A_55 = tpu.memref_slice %arg5[%arg0, %add3A_38, %dma_start3A] : memref<2x10240x128xf32, #tpu.memory_space<hbm>> -> memref<1x128x128xf32, #tpu.memory_space<hbm>>
      %dma_start3A_56 = tpu.memref_squeeze %dma_start3A_55 : memref<1x128x128xf32, #tpu.memory_space<hbm>> -> memref<128x128xf32, #tpu.memory_space<hbm>>
      %dma_start3A_57 = arith.constant 0 : i32
      %dma_start3A_58 = tpu.memref_slice %arg5[%arg0, %add3A_38, %dma_start3A_57] : memref<2x10240x128xf32, #tpu.memory_space<hbm>> -> memref<1x128x128xf32, #tpu.memory_space<hbm>>
      %dma_start3A_59 = tpu.memref_squeeze %dma_start3A_58 : memref<1x128x128xf32, #tpu.memory_space<hbm>> -> memref<128x128xf32, #tpu.memory_space<hbm>>
      tpu.enqueue_dma source(%arg8 : memref<128x128xf32, #tpu.memory_space<vmem>>) target(%dma_start3A_59 : memref<128x128xf32, #tpu.memory_space<hbm>>) target_semaphore(%run_scoped3A : memref<!tpu.dma_semaphore, #tpu.memory_space<semaphore_mem>>)
      %dma_wait3A = arith.constant 0 : i32
      %dma_wait3A_60 = tpu.memref_slice %arg5[%arg0, %add3A_38, %dma_wait3A] : memref<2x10240x128xf32, #tpu.memory_space<hbm>> -> memref<1x128x128xf32, #tpu.memory_space<hbm>>
      %dma_wait3A_61 = tpu.memref_squeeze %dma_wait3A_60 : memref<1x128x128xf32, #tpu.memory_space<hbm>> -> memref<128x128xf32, #tpu.memory_space<hbm>>
      %dma_wait3A_62 = arith.constant 0 : i32
      %dma_wait3A_63 = tpu.memref_slice %arg5[%arg0, %add3A_38, %dma_wait3A_62] : memref<2x10240x128xf32, #tpu.memory_space<hbm>> -> memref<1x128x128xf32, #tpu.memory_space<hbm>>
      %dma_wait3A_64 = tpu.memref_squeeze %dma_wait3A_63 : memref<1x128x128xf32, #tpu.memory_space<hbm>> -> memref<128x128xf32, #tpu.memory_space<hbm>>
      tpu.wait_dma2 semaphore(%run_scoped3A : memref<!tpu.dma_semaphore, #tpu.memory_space<semaphore_mem>>) src(%arg8 : memref<128x128xf32, #tpu.memory_space<vmem>>) dst(%dma_wait3A_64 : memref<128x128xf32, #tpu.memory_space<hbm>>)
      tpu.yield
    }) : () -> ()
    %mul3A_39 = arith.constant 640 : i32
    %mul3A_40 = arith.muli %arg1, %mul3A_39 : i32
    %add3A_41 = arith.constant 128 : i32
    %add3A_42 = arith.addi %mul3A_40, %add3A_41 : i32
    "tpu.region"() ({
      %run_scoped3A = tpu.sem_alloc : memref<!tpu.dma_semaphore, #tpu.memory_space<semaphore_mem>>
      %dma_start3A = arith.constant 0 : i32
      %dma_start3A_55 = tpu.memref_slice %arg9[%add3A_42, %dma_start3A] : memref<10240x128xf32, #tpu.memory_space<vmem_shared>> -> memref<128x128xf32, #tpu.memory_space<vmem_shared>>
      %dma_start3A_56 = arith.constant 0 : i32
      %dma_start3A_57 = tpu.memref_slice %arg9[%add3A_42, %dma_start3A_56] : memref<10240x128xf32, #tpu.memory_space<vmem_shared>> -> memref<128x128xf32, #tpu.memory_space<vmem_shared>>
      tpu.enqueue_dma source(%dma_start3A_57 : memref<128x128xf32, #tpu.memory_space<vmem_shared>>) target(%arg8 : memref<128x128xf32, #tpu.memory_space<vmem>>) target_semaphore(%run_scoped3A : memref<!tpu.dma_semaphore, #tpu.memory_space<semaphore_mem>>)
      %dma_wait3A = arith.constant 0 : i32
      %dma_wait3A_58 = tpu.memref_slice %arg9[%add3A_42, %dma_wait3A] : memref<10240x128xf32, #tpu.memory_space<vmem_shared>> -> memref<128x128xf32, #tpu.memory_space<vmem_shared>>
      %dma_wait3A_59 = arith.constant 0 : i32
      %dma_wait3A_60 = tpu.memref_slice %arg9[%add3A_42, %dma_wait3A_59] : memref<10240x128xf32, #tpu.memory_space<vmem_shared>> -> memref<128x128xf32, #tpu.memory_space<vmem_shared>>
      tpu.wait_dma2 semaphore(%run_scoped3A : memref<!tpu.dma_semaphore, #tpu.memory_space<semaphore_mem>>) src(%dma_wait3A_60 : memref<128x128xf32, #tpu.memory_space<vmem_shared>>) dst(%arg8 : memref<128x128xf32, #tpu.memory_space<vmem>>)
      tpu.yield
    }) : () -> ()
    "tpu.region"() ({
      %run_scoped3A = tpu.sem_alloc : memref<!tpu.dma_semaphore, #tpu.memory_space<semaphore_mem>>
      %dma_start3A = arith.constant 0 : i32
      %dma_start3A_55 = tpu.memref_slice %arg5[%arg0, %add3A_42, %dma_start3A] : memref<2x10240x128xf32, #tpu.memory_space<hbm>> -> memref<1x128x128xf32, #tpu.memory_space<hbm>>
      %dma_start3A_56 = tpu.memref_squeeze %dma_start3A_55 : memref<1x128x128xf32, #tpu.memory_space<hbm>> -> memref<128x128xf32, #tpu.memory_space<hbm>>
      %dma_start3A_57 = arith.constant 0 : i32
      %dma_start3A_58 = tpu.memref_slice %arg5[%arg0, %add3A_42, %dma_start3A_57] : memref<2x10240x128xf32, #tpu.memory_space<hbm>> -> memref<1x128x128xf32, #tpu.memory_space<hbm>>
      %dma_start3A_59 = tpu.memref_squeeze %dma_start3A_58 : memref<1x128x128xf32, #tpu.memory_space<hbm>> -> memref<128x128xf32, #tpu.memory_space<hbm>>
      tpu.enqueue_dma source(%arg8 : memref<128x128xf32, #tpu.memory_space<vmem>>) target(%dma_start3A_59 : memref<128x128xf32, #tpu.memory_space<hbm>>) target_semaphore(%run_scoped3A : memref<!tpu.dma_semaphore, #tpu.memory_space<semaphore_mem>>)
      %dma_wait3A = arith.constant 0 : i32
      %dma_wait3A_60 = tpu.memref_slice %arg5[%arg0, %add3A_42, %dma_wait3A] : memref<2x10240x128xf32, #tpu.memory_space<hbm>> -> memref<1x128x128xf32, #tpu.memory_space<hbm>>
      %dma_wait3A_61 = tpu.memref_squeeze %dma_wait3A_60 : memref<1x128x128xf32, #tpu.memory_space<hbm>> -> memref<128x128xf32, #tpu.memory_space<hbm>>
      %dma_wait3A_62 = arith.constant 0 : i32
      %dma_wait3A_63 = tpu.memref_slice %arg5[%arg0, %add3A_42, %dma_wait3A_62] : memref<2x10240x128xf32, #tpu.memory_space<hbm>> -> memref<1x128x128xf32, #tpu.memory_space<hbm>>
      %dma_wait3A_64 = tpu.memref_squeeze %dma_wait3A_63 : memref<1x128x128xf32, #tpu.memory_space<hbm>> -> memref<128x128xf32, #tpu.memory_space<hbm>>
      tpu.wait_dma2 semaphore(%run_scoped3A : memref<!tpu.dma_semaphore, #tpu.memory_space<semaphore_mem>>) src(%arg8 : memref<128x128xf32, #tpu.memory_space<vmem>>) dst(%dma_wait3A_64 : memref<128x128xf32, #tpu.memory_space<hbm>>)
      tpu.yield
    }) : () -> ()
    %mul3A_43 = arith.constant 640 : i32
    %mul3A_44 = arith.muli %arg1, %mul3A_43 : i32
    %add3A_45 = arith.constant 256 : i32
    %add3A_46 = arith.addi %mul3A_44, %add3A_45 : i32
    "tpu.region"() ({
      %run_scoped3A = tpu.sem_alloc : memref<!tpu.dma_semaphore, #tpu.memory_space<semaphore_mem>>
      %dma_start3A = arith.constant 0 : i32
      %dma_start3A_55 = tpu.memref_slice %arg9[%add3A_46, %dma_start3A] : memref<10240x128xf32, #tpu.memory_space<vmem_shared>> -> memref<128x128xf32, #tpu.memory_space<vmem_shared>>
      %dma_start3A_56 = arith.constant 0 : i32
      %dma_start3A_57 = tpu.memref_slice %arg9[%add3A_46, %dma_start3A_56] : memref<10240x128xf32, #tpu.memory_space<vmem_shared>> -> memref<128x128xf32, #tpu.memory_space<vmem_shared>>
      tpu.enqueue_dma source(%dma_start3A_57 : memref<128x128xf32, #tpu.memory_space<vmem_shared>>) target(%arg8 : memref<128x128xf32, #tpu.memory_space<vmem>>) target_semaphore(%run_scoped3A : memref<!tpu.dma_semaphore, #tpu.memory_space<semaphore_mem>>)
      %dma_wait3A = arith.constant 0 : i32
      %dma_wait3A_58 = tpu.memref_slice %arg9[%add3A_46, %dma_wait3A] : memref<10240x128xf32, #tpu.memory_space<vmem_shared>> -> memref<128x128xf32, #tpu.memory_space<vmem_shared>>
      %dma_wait3A_59 = arith.constant 0 : i32
      %dma_wait3A_60 = tpu.memref_slice %arg9[%add3A_46, %dma_wait3A_59] : memref<10240x128xf32, #tpu.memory_space<vmem_shared>> -> memref<128x128xf32, #tpu.memory_space<vmem_shared>>
      tpu.wait_dma2 semaphore(%run_scoped3A : memref<!tpu.dma_semaphore, #tpu.memory_space<semaphore_mem>>) src(%dma_wait3A_60 : memref<128x128xf32, #tpu.memory_space<vmem_shared>>) dst(%arg8 : memref<128x128xf32, #tpu.memory_space<vmem>>)
      tpu.yield
    }) : () -> ()
    "tpu.region"() ({
      %run_scoped3A = tpu.sem_alloc : memref<!tpu.dma_semaphore, #tpu.memory_space<semaphore_mem>>
      %dma_start3A = arith.constant 0 : i32
      %dma_start3A_55 = tpu.memref_slice %arg5[%arg0, %add3A_46, %dma_start3A] : memref<2x10240x128xf32, #tpu.memory_space<hbm>> -> memref<1x128x128xf32, #tpu.memory_space<hbm>>
      %dma_start3A_56 = tpu.memref_squeeze %dma_start3A_55 : memref<1x128x128xf32, #tpu.memory_space<hbm>> -> memref<128x128xf32, #tpu.memory_space<hbm>>
      %dma_start3A_57 = arith.constant 0 : i32
      %dma_start3A_58 = tpu.memref_slice %arg5[%arg0, %add3A_46, %dma_start3A_57] : memref<2x10240x128xf32, #tpu.memory_space<hbm>> -> memref<1x128x128xf32, #tpu.memory_space<hbm>>
      %dma_start3A_59 = tpu.memref_squeeze %dma_start3A_58 : memref<1x128x128xf32, #tpu.memory_space<hbm>> -> memref<128x128xf32, #tpu.memory_space<hbm>>
      tpu.enqueue_dma source(%arg8 : memref<128x128xf32, #tpu.memory_space<vmem>>) target(%dma_start3A_59 : memref<128x128xf32, #tpu.memory_space<hbm>>) target_semaphore(%run_scoped3A : memref<!tpu.dma_semaphore, #tpu.memory_space<semaphore_mem>>)
      %dma_wait3A = arith.constant 0 : i32
      %dma_wait3A_60 = tpu.memref_slice %arg5[%arg0, %add3A_46, %dma_wait3A] : memref<2x10240x128xf32, #tpu.memory_space<hbm>> -> memref<1x128x128xf32, #tpu.memory_space<hbm>>
      %dma_wait3A_61 = tpu.memref_squeeze %dma_wait3A_60 : memref<1x128x128xf32, #tpu.memory_space<hbm>> -> memref<128x128xf32, #tpu.memory_space<hbm>>
      %dma_wait3A_62 = arith.constant 0 : i32
      %dma_wait3A_63 = tpu.memref_slice %arg5[%arg0, %add3A_46, %dma_wait3A_62] : memref<2x10240x128xf32, #tpu.memory_space<hbm>> -> memref<1x128x128xf32, #tpu.memory_space<hbm>>
      %dma_wait3A_64 = tpu.memref_squeeze %dma_wait3A_63 : memref<1x128x128xf32, #tpu.memory_space<hbm>> -> memref<128x128xf32, #tpu.memory_space<hbm>>
      tpu.wait_dma2 semaphore(%run_scoped3A : memref<!tpu.dma_semaphore, #tpu.memory_space<semaphore_mem>>) src(%arg8 : memref<128x128xf32, #tpu.memory_space<vmem>>) dst(%dma_wait3A_64 : memref<128x128xf32, #tpu.memory_space<hbm>>)
      tpu.yield
    }) : () -> ()
    %mul3A_47 = arith.constant 640 : i32
    %mul3A_48 = arith.muli %arg1, %mul3A_47 : i32
    %add3A_49 = arith.constant 384 : i32
    %add3A_50 = arith.addi %mul3A_48, %add3A_49 : i32
    "tpu.region"() ({
      %run_scoped3A = tpu.sem_alloc : memref<!tpu.dma_semaphore, #tpu.memory_space<semaphore_mem>>
      %dma_start3A = arith.constant 0 : i32
      %dma_start3A_55 = tpu.memref_slice %arg9[%add3A_50, %dma_start3A] : memref<10240x128xf32, #tpu.memory_space<vmem_shared>> -> memref<128x128xf32, #tpu.memory_space<vmem_shared>>
      %dma_start3A_56 = arith.constant 0 : i32
      %dma_start3A_57 = tpu.memref_slice %arg9[%add3A_50, %dma_start3A_56] : memref<10240x128xf32, #tpu.memory_space<vmem_shared>> -> memref<128x128xf32, #tpu.memory_space<vmem_shared>>
      tpu.enqueue_dma source(%dma_start3A_57 : memref<128x128xf32, #tpu.memory_space<vmem_shared>>) target(%arg8 : memref<128x128xf32, #tpu.memory_space<vmem>>) target_semaphore(%run_scoped3A : memref<!tpu.dma_semaphore, #tpu.memory_space<semaphore_mem>>)
      %dma_wait3A = arith.constant 0 : i32
      %dma_wait3A_58 = tpu.memref_slice %arg9[%add3A_50, %dma_wait3A] : memref<10240x128xf32, #tpu.memory_space<vmem_shared>> -> memref<128x128xf32, #tpu.memory_space<vmem_shared>>
      %dma_wait3A_59 = arith.constant 0 : i32
      %dma_wait3A_60 = tpu.memref_slice %arg9[%add3A_50, %dma_wait3A_59] : memref<10240x128xf32, #tpu.memory_space<vmem_shared>> -> memref<128x128xf32, #tpu.memory_space<vmem_shared>>
      tpu.wait_dma2 semaphore(%run_scoped3A : memref<!tpu.dma_semaphore, #tpu.memory_space<semaphore_mem>>) src(%dma_wait3A_60 : memref<128x128xf32, #tpu.memory_space<vmem_shared>>) dst(%arg8 : memref<128x128xf32, #tpu.memory_space<vmem>>)
      tpu.yield
    }) : () -> ()
    "tpu.region"() ({
      %run_scoped3A = tpu.sem_alloc : memref<!tpu.dma_semaphore, #tpu.memory_space<semaphore_mem>>
      %dma_start3A = arith.constant 0 : i32
      %dma_start3A_55 = tpu.memref_slice %arg5[%arg0, %add3A_50, %dma_start3A] : memref<2x10240x128xf32, #tpu.memory_space<hbm>> -> memref<1x128x128xf32, #tpu.memory_space<hbm>>
      %dma_start3A_56 = tpu.memref_squeeze %dma_start3A_55 : memref<1x128x128xf32, #tpu.memory_space<hbm>> -> memref<128x128xf32, #tpu.memory_space<hbm>>
      %dma_start3A_57 = arith.constant 0 : i32
      %dma_start3A_58 = tpu.memref_slice %arg5[%arg0, %add3A_50, %dma_start3A_57] : memref<2x10240x128xf32, #tpu.memory_space<hbm>> -> memref<1x128x128xf32, #tpu.memory_space<hbm>>
      %dma_start3A_59 = tpu.memref_squeeze %dma_start3A_58 : memref<1x128x128xf32, #tpu.memory_space<hbm>> -> memref<128x128xf32, #tpu.memory_space<hbm>>
      tpu.enqueue_dma source(%arg8 : memref<128x128xf32, #tpu.memory_space<vmem>>) target(%dma_start3A_59 : memref<128x128xf32, #tpu.memory_space<hbm>>) target_semaphore(%run_scoped3A : memref<!tpu.dma_semaphore, #tpu.memory_space<semaphore_mem>>)
      %dma_wait3A = arith.constant 0 : i32
      %dma_wait3A_60 = tpu.memref_slice %arg5[%arg0, %add3A_50, %dma_wait3A] : memref<2x10240x128xf32, #tpu.memory_space<hbm>> -> memref<1x128x128xf32, #tpu.memory_space<hbm>>
      %dma_wait3A_61 = tpu.memref_squeeze %dma_wait3A_60 : memref<1x128x128xf32, #tpu.memory_space<hbm>> -> memref<128x128xf32, #tpu.memory_space<hbm>>
      %dma_wait3A_62 = arith.constant 0 : i32
      %dma_wait3A_63 = tpu.memref_slice %arg5[%arg0, %add3A_50, %dma_wait3A_62] : memref<2x10240x128xf32, #tpu.memory_space<hbm>> -> memref<1x128x128xf32, #tpu.memory_space<hbm>>
      %dma_wait3A_64 = tpu.memref_squeeze %dma_wait3A_63 : memref<1x128x128xf32, #tpu.memory_space<hbm>> -> memref<128x128xf32, #tpu.memory_space<hbm>>
      tpu.wait_dma2 semaphore(%run_scoped3A : memref<!tpu.dma_semaphore, #tpu.memory_space<semaphore_mem>>) src(%arg8 : memref<128x128xf32, #tpu.memory_space<vmem>>) dst(%dma_wait3A_64 : memref<128x128xf32, #tpu.memory_space<hbm>>)
      tpu.yield
    }) : () -> ()
    %mul3A_51 = arith.constant 640 : i32
    %mul3A_52 = arith.muli %arg1, %mul3A_51 : i32
    %add3A_53 = arith.constant 512 : i32
    %add3A_54 = arith.addi %mul3A_52, %add3A_53 : i32
    "tpu.region"() ({
      %run_scoped3A = tpu.sem_alloc : memref<!tpu.dma_semaphore, #tpu.memory_space<semaphore_mem>>
      %dma_start3A = arith.constant 0 : i32
      %dma_start3A_55 = tpu.memref_slice %arg9[%add3A_54, %dma_start3A] : memref<10240x128xf32, #tpu.memory_space<vmem_shared>> -> memref<128x128xf32, #tpu.memory_space<vmem_shared>>
      %dma_start3A_56 = arith.constant 0 : i32
      %dma_start3A_57 = tpu.memref_slice %arg9[%add3A_54, %dma_start3A_56] : memref<10240x128xf32, #tpu.memory_space<vmem_shared>> -> memref<128x128xf32, #tpu.memory_space<vmem_shared>>
      tpu.enqueue_dma source(%dma_start3A_57 : memref<128x128xf32, #tpu.memory_space<vmem_shared>>) target(%arg8 : memref<128x128xf32, #tpu.memory_space<vmem>>) target_semaphore(%run_scoped3A : memref<!tpu.dma_semaphore, #tpu.memory_space<semaphore_mem>>)
      %dma_wait3A = arith.constant 0 : i32
      %dma_wait3A_58 = tpu.memref_slice %arg9[%add3A_54, %dma_wait3A] : memref<10240x128xf32, #tpu.memory_space<vmem_shared>> -> memref<128x128xf32, #tpu.memory_space<vmem_shared>>
      %dma_wait3A_59 = arith.constant 0 : i32
      %dma_wait3A_60 = tpu.memref_slice %arg9[%add3A_54, %dma_wait3A_59] : memref<10240x128xf32, #tpu.memory_space<vmem_shared>> -> memref<128x128xf32, #tpu.memory_space<vmem_shared>>
      tpu.wait_dma2 semaphore(%run_scoped3A : memref<!tpu.dma_semaphore, #tpu.memory_space<semaphore_mem>>) src(%dma_wait3A_60 : memref<128x128xf32, #tpu.memory_space<vmem_shared>>) dst(%arg8 : memref<128x128xf32, #tpu.memory_space<vmem>>)
      tpu.yield
    }) : () -> ()
    "tpu.region"() ({
      %run_scoped3A = tpu.sem_alloc : memref<!tpu.dma_semaphore, #tpu.memory_space<semaphore_mem>>
      %dma_start3A = arith.constant 0 : i32
      %dma_start3A_55 = tpu.memref_slice %arg5[%arg0, %add3A_54, %dma_start3A] : memref<2x10240x128xf32, #tpu.memory_space<hbm>> -> memref<1x128x128xf32, #tpu.memory_space<hbm>>
      %dma_start3A_56 = tpu.memref_squeeze %dma_start3A_55 : memref<1x128x128xf32, #tpu.memory_space<hbm>> -> memref<128x128xf32, #tpu.memory_space<hbm>>
      %dma_start3A_57 = arith.constant 0 : i32
      %dma_start3A_58 = tpu.memref_slice %arg5[%arg0, %add3A_54, %dma_start3A_57] : memref<2x10240x128xf32, #tpu.memory_space<hbm>> -> memref<1x128x128xf32, #tpu.memory_space<hbm>>
      %dma_start3A_59 = tpu.memref_squeeze %dma_start3A_58 : memref<1x128x128xf32, #tpu.memory_space<hbm>> -> memref<128x128xf32, #tpu.memory_space<hbm>>
      tpu.enqueue_dma source(%arg8 : memref<128x128xf32, #tpu.memory_space<vmem>>) target(%dma_start3A_59 : memref<128x128xf32, #tpu.memory_space<hbm>>) target_semaphore(%run_scoped3A : memref<!tpu.dma_semaphore, #tpu.memory_space<semaphore_mem>>)
      %dma_wait3A = arith.constant 0 : i32
      %dma_wait3A_60 = tpu.memref_slice %arg5[%arg0, %add3A_54, %dma_wait3A] : memref<2x10240x128xf32, #tpu.memory_space<hbm>> -> memref<1x128x128xf32, #tpu.memory_space<hbm>>
      %dma_wait3A_61 = tpu.memref_squeeze %dma_wait3A_60 : memref<1x128x128xf32, #tpu.memory_space<hbm>> -> memref<128x128xf32, #tpu.memory_space<hbm>>
      %dma_wait3A_62 = arith.constant 0 : i32
      %dma_wait3A_63 = tpu.memref_slice %arg5[%arg0, %add3A_54, %dma_wait3A_62] : memref<2x10240x128xf32, #tpu.memory_space<hbm>> -> memref<1x128x128xf32, #tpu.memory_space<hbm>>
      %dma_wait3A_64 = tpu.memref_squeeze %dma_wait3A_63 : memref<1x128x128xf32, #tpu.memory_space<hbm>> -> memref<128x128xf32, #tpu.memory_space<hbm>>
      tpu.wait_dma2 semaphore(%run_scoped3A : memref<!tpu.dma_semaphore, #tpu.memory_space<semaphore_mem>>) src(%arg8 : memref<128x128xf32, #tpu.memory_space<vmem>>) dst(%dma_wait3A_64 : memref<128x128xf32, #tpu.memory_space<hbm>>)
      tpu.yield
    }) : () -> ()
    return
  }
}

#map = affine_map<(d0, d1) -> (0, 0)>
#map1 = affine_map<(d0, d1) -> (0, 0, 0)>
module attributes {stable_mosaic.version = 14 : i64} {
  func.func @_sc_agg_body(%arg0: i32, %arg1: i32, %arg2: memref<10000x128xf32, #tpu.memory_space<hbm>>, %arg3: memref<32x80x125xi32, #tpu.memory_space<hbm>>, %arg4: memref<32x80x125xi32, #tpu.memory_space<hbm>>, %arg5: memref<2x10240x128xf32, #tpu.memory_space<hbm>>, %arg6: memref<80x125xi32, #tpu.memory_space<vmem>>, %arg7: memref<80x125xi32, #tpu.memory_space<vmem>>, %arg8: memref<128x128xf32, #tpu.memory_space<vmem>>, %arg9: memref<10240x128xf32, #tpu.memory_space<vmem_shared>>, %arg10: memref<!tpu.dma_semaphore, #tpu.memory_space<semaphore_mem>>) attributes {dimension_semantics = [#tpu.dimension_semantics<core_parallel>, #tpu.dimension_semantics<subcore_parallel>], iteration_bounds = array<i64: 2, 16>, scalar_prefetch = 0 : i64, scratch_operands = 5 : i64, tpu.core_type = #tpu.core_type<sc_vector_subcore>, window_params = [{transform_indices = #map}, {transform_indices = #map1}, {transform_indices = #map1}, {transform_indices = #map1}]} {
    %mul3A = arith.constant 2 : i32
    %mul3A_0 = arith.muli %arg1, %mul3A : i32
    %add3A = arith.addi %mul3A_0, %arg0 : i32
    %scan3A = arith.constant 0 : i32
    %scan3A_1 = arith.constant 0 : i32
    %scan3A_2 = arith.constant 128 : i32
    %scan3A_3 = arith.addi %scan3A_1, %scan3A_2 : i32
    %scan3A_4 = arith.constant 1 : i32
    %scan3A_5 = scf.for %scan3A_55 = %scan3A_1 to %scan3A_3 step %scan3A_4 iter_args(%scan3A_56 = %scan3A) -> (i32)  : i32 {
      %broadcast_in_dim3A = arith.constant 0.000000e+00 : f32
      %broadcast_in_dim3A_57 = vector.broadcast %broadcast_in_dim3A : f32 to vector<16xf32>
      %swap3A = arith.index_cast %scan3A_55 : i32 to index
      %swap3A_58 = arith.constant 0 : index
      %swap3A_59 = tpu.vector_load %arg8[%swap3A, %swap3A_58] {strides = array<i32>} : memref<128x128xf32, #tpu.memory_space<vmem>>, vector<1x16xf32>,
      %swap3A_60 = vector.shape_cast %swap3A_59 : vector<1x16xf32> to vector<16xf32>
      %swap3A_61 = vector.shape_cast %broadcast_in_dim3A_57 : vector<16xf32> to vector<1x16xf32>
      tpu.vector_store %arg8[%swap3A, %swap3A_58], %swap3A_61 {strides = array<i32>} : memref<128x128xf32, #tpu.memory_space<vmem>>, vector<1x16xf32>,
      %broadcast_in_dim3A_62 = arith.constant 0.000000e+00 : f32
      %broadcast_in_dim3A_63 = vector.broadcast %broadcast_in_dim3A_62 : f32 to vector<16xf32>
      %swap3A_64 = arith.index_cast %scan3A_55 : i32 to index
      %swap3A_65 = arith.constant 16 : index
      %swap3A_66 = tpu.vector_load %arg8[%swap3A_64, %swap3A_65] {strides = array<i32>} : memref<128x128xf32, #tpu.memory_space<vmem>>, vector<1x16xf32>,
      %swap3A_67 = vector.shape_cast %swap3A_66 : vector<1x16xf32> to vector<16xf32>
      %swap3A_68 = vector.shape_cast %broadcast_in_dim3A_63 : vector<16xf32> to vector<1x16xf32>
      tpu.vector_store %arg8[%swap3A_64, %swap3A_65], %swap3A_68 {strides = array<i32>} : memref<128x128xf32, #tpu.memory_space<vmem>>, vector<1x16xf32>,
      %broadcast_in_dim3A_69 = arith.constant 0.000000e+00 : f32
      %broadcast_in_dim3A_70 = vector.broadcast %broadcast_in_dim3A_69 : f32 to vector<16xf32>
      %swap3A_71 = arith.index_cast %scan3A_55 : i32 to index
      %swap3A_72 = arith.constant 32 : index
      %swap3A_73 = tpu.vector_load %arg8[%swap3A_71, %swap3A_72] {strides = array<i32>} : memref<128x128xf32, #tpu.memory_space<vmem>>, vector<1x16xf32>,
      %swap3A_74 = vector.shape_cast %swap3A_73 : vector<1x16xf32> to vector<16xf32>
      %swap3A_75 = vector.shape_cast %broadcast_in_dim3A_70 : vector<16xf32> to vector<1x16xf32>
      tpu.vector_store %arg8[%swap3A_71, %swap3A_72], %swap3A_75 {strides = array<i32>} : memref<128x128xf32, #tpu.memory_space<vmem>>, vector<1x16xf32>,
      %broadcast_in_dim3A_76 = arith.constant 0.000000e+00 : f32
      %broadcast_in_dim3A_77 = vector.broadcast %broadcast_in_dim3A_76 : f32 to vector<16xf32>
      %swap3A_78 = arith.index_cast %scan3A_55 : i32 to index
      %swap3A_79 = arith.constant 48 : index
      %swap3A_80 = tpu.vector_load %arg8[%swap3A_78, %swap3A_79] {strides = array<i32>} : memref<128x128xf32, #tpu.memory_space<vmem>>, vector<1x16xf32>,
      %swap3A_81 = vector.shape_cast %swap3A_80 : vector<1x16xf32> to vector<16xf32>
      %swap3A_82 = vector.shape_cast %broadcast_in_dim3A_77 : vector<16xf32> to vector<1x16xf32>
      tpu.vector_store %arg8[%swap3A_78, %swap3A_79], %swap3A_82 {strides = array<i32>} : memref<128x128xf32, #tpu.memory_space<vmem>>, vector<1x16xf32>,
      %broadcast_in_dim3A_83 = arith.constant 0.000000e+00 : f32
      %broadcast_in_dim3A_84 = vector.broadcast %broadcast_in_dim3A_83 : f32 to vector<16xf32>
      %swap3A_85 = arith.index_cast %scan3A_55 : i32 to index
      %swap3A_86 = arith.constant 64 : index
      %swap3A_87 = tpu.vector_load %arg8[%swap3A_85, %swap3A_86] {strides = array<i32>} : memref<128x128xf32, #tpu.memory_space<vmem>>, vector<1x16xf32>,
      %swap3A_88 = vector.shape_cast %swap3A_87 : vector<1x16xf32> to vector<16xf32>
      %swap3A_89 = vector.shape_cast %broadcast_in_dim3A_84 : vector<16xf32> to vector<1x16xf32>
      tpu.vector_store %arg8[%swap3A_85, %swap3A_86], %swap3A_89 {strides = array<i32>} : memref<128x128xf32, #tpu.memory_space<vmem>>, vector<1x16xf32>,
      %broadcast_in_dim3A_90 = arith.constant 0.000000e+00 : f32
      %broadcast_in_dim3A_91 = vector.broadcast %broadcast_in_dim3A_90 : f32 to vector<16xf32>
      %swap3A_92 = arith.index_cast %scan3A_55 : i32 to index
      %swap3A_93 = arith.constant 80 : index
      %swap3A_94 = tpu.vector_load %arg8[%swap3A_92, %swap3A_93] {strides = array<i32>} : memref<128x128xf32, #tpu.memory_space<vmem>>, vector<1x16xf32>,
      %swap3A_95 = vector.shape_cast %swap3A_94 : vector<1x16xf32> to vector<16xf32>
      %swap3A_96 = vector.shape_cast %broadcast_in_dim3A_91 : vector<16xf32> to vector<1x16xf32>
      tpu.vector_store %arg8[%swap3A_92, %swap3A_93], %swap3A_96 {strides = array<i32>} : memref<128x128xf32, #tpu.memory_space<vmem>>, vector<1x16xf32>,
      %broadcast_in_dim3A_97 = arith.constant 0.000000e+00 : f32
      %broadcast_in_dim3A_98 = vector.broadcast %broadcast_in_dim3A_97 : f32 to vector<16xf32>
      %swap3A_99 = arith.index_cast %scan3A_55 : i32 to index
      %swap3A_100 = arith.constant 96 : index
      %swap3A_101 = tpu.vector_load %arg8[%swap3A_99, %swap3A_100] {strides = array<i32>} : memref<128x128xf32, #tpu.memory_space<vmem>>, vector<1x16xf32>,
      %swap3A_102 = vector.shape_cast %swap3A_101 : vector<1x16xf32> to vector<16xf32>
      %swap3A_103 = vector.shape_cast %broadcast_in_dim3A_98 : vector<16xf32> to vector<1x16xf32>
      tpu.vector_store %arg8[%swap3A_99, %swap3A_100], %swap3A_103 {strides = array<i32>} : memref<128x128xf32, #tpu.memory_space<vmem>>, vector<1x16xf32>,
      %broadcast_in_dim3A_104 = arith.constant 0.000000e+00 : f32
      %broadcast_in_dim3A_105 = vector.broadcast %broadcast_in_dim3A_104 : f32 to vector<16xf32>
      %swap3A_106 = arith.index_cast %scan3A_55 : i32 to index
      %swap3A_107 = arith.constant 112 : index
      %swap3A_108 = tpu.vector_load %arg8[%swap3A_106, %swap3A_107] {strides = array<i32>} : memref<128x128xf32, #tpu.memory_space<vmem>>, vector<1x16xf32>,
      %swap3A_109 = vector.shape_cast %swap3A_108 : vector<1x16xf32> to vector<16xf32>
      %swap3A_110 = vector.shape_cast %broadcast_in_dim3A_105 : vector<16xf32> to vector<1x16xf32>
      tpu.vector_store %arg8[%swap3A_106, %swap3A_107], %swap3A_110 {strides = array<i32>} : memref<128x128xf32, #tpu.memory_space<vmem>>, vector<1x16xf32>,
      %scan3A_111 = arith.constant 0 : i32
      scf.yield %scan3A_111 : i32
    }
    %scan3A_6 = arith.constant 128 : i32
    %mul3A_7 = arith.constant 640 : i32
    %mul3A_8 = arith.muli %arg1, %mul3A_7 : i32
    %add3A_9 = arith.constant 0 : i32
    %add3A_10 = arith.addi %mul3A_8, %add3A_9 : i32
    "tpu.region"() ({
      %run_scoped3A = tpu.sem_alloc : memref<!tpu.dma_semaphore, #tpu.memory_space<semaphore_mem>>
      %dma_start3A = arith.constant 0 : i32
      %dma_start3A_55 = tpu.memref_slice %arg9[%add3A_10, %dma_start3A] : memref<10240x128xf32, #tpu.memory_space<vmem_shared>> -> memref<128x128xf32, #tpu.memory_space<vmem_shared>>
      %dma_start3A_56 = arith.constant 0 : i32
      %dma_start3A_57 = tpu.memref_slice %arg9[%add3A_10, %dma_start3A_56] : memref<10240x128xf32, #tpu.memory_space<vmem_shared>> -> memref<128x128xf32, #tpu.memory_space<vmem_shared>>
      tpu.enqueue_dma source(%arg8 : memref<128x128xf32, #tpu.memory_space<vmem>>) target(%dma_start3A_57 : memref<128x128xf32, #tpu.memory_space<vmem_shared>>) target_semaphore(%run_scoped3A : memref<!tpu.dma_semaphore, #tpu.memory_space<semaphore_mem>>)
      %dma_wait3A = arith.constant 0 : i32
      %dma_wait3A_58 = tpu.memref_slice %arg9[%add3A_10, %dma_wait3A] : memref<10240x128xf32, #tpu.memory_space<vmem_shared>> -> memref<128x128xf32, #tpu.memory_space<vmem_shared>>
      %dma_wait3A_59 = arith.constant 0 : i32
      %dma_wait3A_60 = tpu.memref_slice %arg9[%add3A_10, %dma_wait3A_59] : memref<10240x128xf32, #tpu.memory_space<vmem_shared>> -> memref<128x128xf32, #tpu.memory_space<vmem_shared>>
      tpu.wait_dma2 semaphore(%run_scoped3A : memref<!tpu.dma_semaphore, #tpu.memory_space<semaphore_mem>>) src(%arg8 : memref<128x128xf32, #tpu.memory_space<vmem>>) dst(%dma_wait3A_60 : memref<128x128xf32, #tpu.memory_space<vmem_shared>>)
      tpu.yield
    }) : () -> ()
    %mul3A_11 = arith.constant 640 : i32
    %mul3A_12 = arith.muli %arg1, %mul3A_11 : i32
    %add3A_13 = arith.constant 128 : i32
    %add3A_14 = arith.addi %mul3A_12, %add3A_13 : i32
    "tpu.region"() ({
      %run_scoped3A = tpu.sem_alloc : memref<!tpu.dma_semaphore, #tpu.memory_space<semaphore_mem>>
      %dma_start3A = arith.constant 0 : i32
      %dma_start3A_55 = tpu.memref_slice %arg9[%add3A_14, %dma_start3A] : memref<10240x128xf32, #tpu.memory_space<vmem_shared>> -> memref<128x128xf32, #tpu.memory_space<vmem_shared>>
      %dma_start3A_56 = arith.constant 0 : i32
      %dma_start3A_57 = tpu.memref_slice %arg9[%add3A_14, %dma_start3A_56] : memref<10240x128xf32, #tpu.memory_space<vmem_shared>> -> memref<128x128xf32, #tpu.memory_space<vmem_shared>>
      tpu.enqueue_dma source(%arg8 : memref<128x128xf32, #tpu.memory_space<vmem>>) target(%dma_start3A_57 : memref<128x128xf32, #tpu.memory_space<vmem_shared>>) target_semaphore(%run_scoped3A : memref<!tpu.dma_semaphore, #tpu.memory_space<semaphore_mem>>)
      %dma_wait3A = arith.constant 0 : i32
      %dma_wait3A_58 = tpu.memref_slice %arg9[%add3A_14, %dma_wait3A] : memref<10240x128xf32, #tpu.memory_space<vmem_shared>> -> memref<128x128xf32, #tpu.memory_space<vmem_shared>>
      %dma_wait3A_59 = arith.constant 0 : i32
      %dma_wait3A_60 = tpu.memref_slice %arg9[%add3A_14, %dma_wait3A_59] : memref<10240x128xf32, #tpu.memory_space<vmem_shared>> -> memref<128x128xf32, #tpu.memory_space<vmem_shared>>
      tpu.wait_dma2 semaphore(%run_scoped3A : memref<!tpu.dma_semaphore, #tpu.memory_space<semaphore_mem>>) src(%arg8 : memref<128x128xf32, #tpu.memory_space<vmem>>) dst(%dma_wait3A_60 : memref<128x128xf32, #tpu.memory_space<vmem_shared>>)
      tpu.yield
    }) : () -> ()
    %mul3A_15 = arith.constant 640 : i32
    %mul3A_16 = arith.muli %arg1, %mul3A_15 : i32
    %add3A_17 = arith.constant 256 : i32
    %add3A_18 = arith.addi %mul3A_16, %add3A_17 : i32
    "tpu.region"() ({
      %run_scoped3A = tpu.sem_alloc : memref<!tpu.dma_semaphore, #tpu.memory_space<semaphore_mem>>
      %dma_start3A = arith.constant 0 : i32
      %dma_start3A_55 = tpu.memref_slice %arg9[%add3A_18, %dma_start3A] : memref<10240x128xf32, #tpu.memory_space<vmem_shared>> -> memref<128x128xf32, #tpu.memory_space<vmem_shared>>
      %dma_start3A_56 = arith.constant 0 : i32
      %dma_start3A_57 = tpu.memref_slice %arg9[%add3A_18, %dma_start3A_56] : memref<10240x128xf32, #tpu.memory_space<vmem_shared>> -> memref<128x128xf32, #tpu.memory_space<vmem_shared>>
      tpu.enqueue_dma source(%arg8 : memref<128x128xf32, #tpu.memory_space<vmem>>) target(%dma_start3A_57 : memref<128x128xf32, #tpu.memory_space<vmem_shared>>) target_semaphore(%run_scoped3A : memref<!tpu.dma_semaphore, #tpu.memory_space<semaphore_mem>>)
      %dma_wait3A = arith.constant 0 : i32
      %dma_wait3A_58 = tpu.memref_slice %arg9[%add3A_18, %dma_wait3A] : memref<10240x128xf32, #tpu.memory_space<vmem_shared>> -> memref<128x128xf32, #tpu.memory_space<vmem_shared>>
      %dma_wait3A_59 = arith.constant 0 : i32
      %dma_wait3A_60 = tpu.memref_slice %arg9[%add3A_18, %dma_wait3A_59] : memref<10240x128xf32, #tpu.memory_space<vmem_shared>> -> memref<128x128xf32, #tpu.memory_space<vmem_shared>>
      tpu.wait_dma2 semaphore(%run_scoped3A : memref<!tpu.dma_semaphore, #tpu.memory_space<semaphore_mem>>) src(%arg8 : memref<128x128xf32, #tpu.memory_space<vmem>>) dst(%dma_wait3A_60 : memref<128x128xf32, #tpu.memory_space<vmem_shared>>)
      tpu.yield
    }) : () -> ()
    %mul3A_19 = arith.constant 640 : i32
    %mul3A_20 = arith.muli %arg1, %mul3A_19 : i32
    %add3A_21 = arith.constant 384 : i32
    %add3A_22 = arith.addi %mul3A_20, %add3A_21 : i32
    "tpu.region"() ({
      %run_scoped3A = tpu.sem_alloc : memref<!tpu.dma_semaphore, #tpu.memory_space<semaphore_mem>>
      %dma_start3A = arith.constant 0 : i32
      %dma_start3A_55 = tpu.memref_slice %arg9[%add3A_22, %dma_start3A] : memref<10240x128xf32, #tpu.memory_space<vmem_shared>> -> memref<128x128xf32, #tpu.memory_space<vmem_shared>>
      %dma_start3A_56 = arith.constant 0 : i32
      %dma_start3A_57 = tpu.memref_slice %arg9[%add3A_22, %dma_start3A_56] : memref<10240x128xf32, #tpu.memory_space<vmem_shared>> -> memref<128x128xf32, #tpu.memory_space<vmem_shared>>
      tpu.enqueue_dma source(%arg8 : memref<128x128xf32, #tpu.memory_space<vmem>>) target(%dma_start3A_57 : memref<128x128xf32, #tpu.memory_space<vmem_shared>>) target_semaphore(%run_scoped3A : memref<!tpu.dma_semaphore, #tpu.memory_space<semaphore_mem>>)
      %dma_wait3A = arith.constant 0 : i32
      %dma_wait3A_58 = tpu.memref_slice %arg9[%add3A_22, %dma_wait3A] : memref<10240x128xf32, #tpu.memory_space<vmem_shared>> -> memref<128x128xf32, #tpu.memory_space<vmem_shared>>
      %dma_wait3A_59 = arith.constant 0 : i32
      %dma_wait3A_60 = tpu.memref_slice %arg9[%add3A_22, %dma_wait3A_59] : memref<10240x128xf32, #tpu.memory_space<vmem_shared>> -> memref<128x128xf32, #tpu.memory_space<vmem_shared>>
      tpu.wait_dma2 semaphore(%run_scoped3A : memref<!tpu.dma_semaphore, #tpu.memory_space<semaphore_mem>>) src(%arg8 : memref<128x128xf32, #tpu.memory_space<vmem>>) dst(%dma_wait3A_60 : memref<128x128xf32, #tpu.memory_space<vmem_shared>>)
      tpu.yield
    }) : () -> ()
    %mul3A_23 = arith.constant 640 : i32
    %mul3A_24 = arith.muli %arg1, %mul3A_23 : i32
    %add3A_25 = arith.constant 512 : i32
    %add3A_26 = arith.addi %mul3A_24, %add3A_25 : i32
    "tpu.region"() ({
      %run_scoped3A = tpu.sem_alloc : memref<!tpu.dma_semaphore, #tpu.memory_space<semaphore_mem>>
      %dma_start3A = arith.constant 0 : i32
      %dma_start3A_55 = tpu.memref_slice %arg9[%add3A_26, %dma_start3A] : memref<10240x128xf32, #tpu.memory_space<vmem_shared>> -> memref<128x128xf32, #tpu.memory_space<vmem_shared>>
      %dma_start3A_56 = arith.constant 0 : i32
      %dma_start3A_57 = tpu.memref_slice %arg9[%add3A_26, %dma_start3A_56] : memref<10240x128xf32, #tpu.memory_space<vmem_shared>> -> memref<128x128xf32, #tpu.memory_space<vmem_shared>>
      tpu.enqueue_dma source(%arg8 : memref<128x128xf32, #tpu.memory_space<vmem>>) target(%dma_start3A_57 : memref<128x128xf32, #tpu.memory_space<vmem_shared>>) target_semaphore(%run_scoped3A : memref<!tpu.dma_semaphore, #tpu.memory_space<semaphore_mem>>)
      %dma_wait3A = arith.constant 0 : i32
      %dma_wait3A_58 = tpu.memref_slice %arg9[%add3A_26, %dma_wait3A] : memref<10240x128xf32, #tpu.memory_space<vmem_shared>> -> memref<128x128xf32, #tpu.memory_space<vmem_shared>>
      %dma_wait3A_59 = arith.constant 0 : i32
      %dma_wait3A_60 = tpu.memref_slice %arg9[%add3A_26, %dma_wait3A_59] : memref<10240x128xf32, #tpu.memory_space<vmem_shared>> -> memref<128x128xf32, #tpu.memory_space<vmem_shared>>
      tpu.wait_dma2 semaphore(%run_scoped3A : memref<!tpu.dma_semaphore, #tpu.memory_space<semaphore_mem>>) src(%arg8 : memref<128x128xf32, #tpu.memory_space<vmem>>) dst(%dma_wait3A_60 : memref<128x128xf32, #tpu.memory_space<vmem_shared>>)
      tpu.yield
    }) : () -> ()
    %barrier3A = arith.constant 0 : index
    tpu.barrier barrier_id(%barrier3A)
    "tpu.region"() ({
      %run_scoped3A = tpu.sem_alloc : memref<!tpu.dma_semaphore, #tpu.memory_space<semaphore_mem>>
      %dma_start3A = arith.constant 0 : i32
      %dma_start3A_55 = arith.constant 0 : i32
      %dma_start3A_56 = tpu.memref_slice %arg3[%add3A, %dma_start3A, %dma_start3A_55] : memref<32x80x125xi32, #tpu.memory_space<hbm>> -> memref<1x80x125xi32, #tpu.memory_space<hbm>>
      %dma_start3A_57 = tpu.memref_squeeze %dma_start3A_56 : memref<1x80x125xi32, #tpu.memory_space<hbm>> -> memref<80x125xi32, #tpu.memory_space<hbm>>
      %dma_start3A_58 = arith.constant 0 : i32
      %dma_start3A_59 = arith.constant 0 : i32
      %dma_start3A_60 = tpu.memref_slice %arg3[%add3A, %dma_start3A_58, %dma_start3A_59] : memref<32x80x125xi32, #tpu.memory_space<hbm>> -> memref<1x80x125xi32, #tpu.memory_space<hbm>>
      %dma_start3A_61 = tpu.memref_squeeze %dma_start3A_60 : memref<1x80x125xi32, #tpu.memory_space<hbm>> -> memref<80x125xi32, #tpu.memory_space<hbm>>
      tpu.enqueue_dma source(%dma_start3A_61 : memref<80x125xi32, #tpu.memory_space<hbm>>) target(%arg6 : memref<80x125xi32, #tpu.memory_space<vmem>>) target_semaphore(%run_scoped3A : memref<!tpu.dma_semaphore, #tpu.memory_space<semaphore_mem>>)
      %dma_wait3A = arith.constant 0 : i32
      %dma_wait3A_62 = arith.constant 0 : i32
      %dma_wait3A_63 = tpu.memref_slice %arg3[%add3A, %dma_wait3A, %dma_wait3A_62] : memref<32x80x125xi32, #tpu.memory_space<hbm>> -> memref<1x80x125xi32, #tpu.memory_space<hbm>>
      %dma_wait3A_64 = tpu.memref_squeeze %dma_wait3A_63 : memref<1x80x125xi32, #tpu.memory_space<hbm>> -> memref<80x125xi32, #tpu.memory_space<hbm>>
      %dma_wait3A_65 = arith.constant 0 : i32
      %dma_wait3A_66 = arith.constant 0 : i32
      %dma_wait3A_67 = tpu.memref_slice %arg3[%add3A, %dma_wait3A_65, %dma_wait3A_66] : memref<32x80x125xi32, #tpu.memory_space<hbm>> -> memref<1x80x125xi32, #tpu.memory_space<hbm>>
      %dma_wait3A_68 = tpu.memref_squeeze %dma_wait3A_67 : memref<1x80x125xi32, #tpu.memory_space<hbm>> -> memref<80x125xi32, #tpu.memory_space<hbm>>
      tpu.wait_dma2 semaphore(%run_scoped3A : memref<!tpu.dma_semaphore, #tpu.memory_space<semaphore_mem>>) src(%dma_wait3A_68 : memref<80x125xi32, #tpu.memory_space<hbm>>) dst(%arg6 : memref<80x125xi32, #tpu.memory_space<vmem>>)
      tpu.yield
    }) : () -> ()
    "tpu.region"() ({
      %run_scoped3A = tpu.sem_alloc : memref<!tpu.dma_semaphore, #tpu.memory_space<semaphore_mem>>
      %dma_start3A = arith.constant 0 : i32
      %dma_start3A_55 = arith.constant 0 : i32
      %dma_start3A_56 = tpu.memref_slice %arg4[%add3A, %dma_start3A, %dma_start3A_55] : memref<32x80x125xi32, #tpu.memory_space<hbm>> -> memref<1x80x125xi32, #tpu.memory_space<hbm>>
      %dma_start3A_57 = tpu.memref_squeeze %dma_start3A_56 : memref<1x80x125xi32, #tpu.memory_space<hbm>> -> memref<80x125xi32, #tpu.memory_space<hbm>>
      %dma_start3A_58 = arith.constant 0 : i32
      %dma_start3A_59 = arith.constant 0 : i32
      %dma_start3A_60 = tpu.memref_slice %arg4[%add3A, %dma_start3A_58, %dma_start3A_59] : memref<32x80x125xi32, #tpu.memory_space<hbm>> -> memref<1x80x125xi32, #tpu.memory_space<hbm>>
      %dma_start3A_61 = tpu.memref_squeeze %dma_start3A_60 : memref<1x80x125xi32, #tpu.memory_space<hbm>> -> memref<80x125xi32, #tpu.memory_space<hbm>>
      tpu.enqueue_dma source(%dma_start3A_61 : memref<80x125xi32, #tpu.memory_space<hbm>>) target(%arg7 : memref<80x125xi32, #tpu.memory_space<vmem>>) target_semaphore(%run_scoped3A : memref<!tpu.dma_semaphore, #tpu.memory_space<semaphore_mem>>)
      %dma_wait3A = arith.constant 0 : i32
      %dma_wait3A_62 = arith.constant 0 : i32
      %dma_wait3A_63 = tpu.memref_slice %arg4[%add3A, %dma_wait3A, %dma_wait3A_62] : memref<32x80x125xi32, #tpu.memory_space<hbm>> -> memref<1x80x125xi32, #tpu.memory_space<hbm>>
      %dma_wait3A_64 = tpu.memref_squeeze %dma_wait3A_63 : memref<1x80x125xi32, #tpu.memory_space<hbm>> -> memref<80x125xi32, #tpu.memory_space<hbm>>
      %dma_wait3A_65 = arith.constant 0 : i32
      %dma_wait3A_66 = arith.constant 0 : i32
      %dma_wait3A_67 = tpu.memref_slice %arg4[%add3A, %dma_wait3A_65, %dma_wait3A_66] : memref<32x80x125xi32, #tpu.memory_space<hbm>> -> memref<1x80x125xi32, #tpu.memory_space<hbm>>
      %dma_wait3A_68 = tpu.memref_squeeze %dma_wait3A_67 : memref<1x80x125xi32, #tpu.memory_space<hbm>> -> memref<80x125xi32, #tpu.memory_space<hbm>>
      tpu.wait_dma2 semaphore(%run_scoped3A : memref<!tpu.dma_semaphore, #tpu.memory_space<semaphore_mem>>) src(%dma_wait3A_68 : memref<80x125xi32, #tpu.memory_space<hbm>>) dst(%arg7 : memref<80x125xi32, #tpu.memory_space<vmem>>)
      tpu.yield
    }) : () -> ()
    %scan3A_27 = arith.constant 0 : i32
    %scan3A_28 = arith.constant 0 : i32
    %scan3A_29 = arith.constant 80 : i32
    %scan3A_30 = arith.addi %scan3A_28, %scan3A_29 : i32
    %scan3A_31 = arith.constant 1 : i32
    %scan3A_32 = scf.for %scan3A_55 = %scan3A_28 to %scan3A_30 step %scan3A_31 iter_args(%scan3A_56 = %scan3A_27) -> (i32)  : i32 {
      %dma_start3A = arith.constant 0 : i32
      %dma_start3A_57 = arith.constant 0 : i32
      %dma_start3A_58 = tpu.memref_slice %arg8[%dma_start3A, %dma_start3A_57] : memref<128x128xf32, #tpu.memory_space<vmem>> -> memref<125x128xf32, #tpu.memory_space<vmem>>
      %dma_start3A_59 = arith.constant 0 : i32
      %dma_start3A_60 = tpu.memref_slice %arg6[%scan3A_55, %dma_start3A_59] : memref<80x125xi32, #tpu.memory_space<vmem>> -> memref<1x125xi32, #tpu.memory_space<vmem>>
      %dma_start3A_61 = tpu.memref_squeeze %dma_start3A_60 : memref<1x125xi32, #tpu.memory_space<vmem>> -> memref<125xi32, #tpu.memory_space<vmem>>
      %dma_start3A_62 = arith.constant 0 : i32
      %dma_start3A_63 = arith.constant 0 : i32
      %dma_start3A_64 = tpu.memref_slice %arg2[%dma_start3A_62, %dma_start3A_63] : memref<10000x128xf32, #tpu.memory_space<hbm>> -> memref<10000x128xf32, #tpu.memory_space<hbm>>
      tpu.enqueue_indirect_dma source(%dma_start3A_64 : memref<10000x128xf32, #tpu.memory_space<hbm>>) target(%dma_start3A_58 : memref<125x128xf32, #tpu.memory_space<vmem>>) offsets(%dma_start3A_61 : memref<125xi32, #tpu.memory_space<vmem>>) semaphore(%arg10 : memref<!tpu.dma_semaphore, #tpu.memory_space<semaphore_mem>>)
      %dma_wait3A = arith.constant 0 : i32
      %dma_wait3A_65 = arith.constant 0 : i32
      %dma_wait3A_66 = tpu.memref_slice %arg8[%dma_wait3A, %dma_wait3A_65] : memref<128x128xf32, #tpu.memory_space<vmem>> -> memref<125x128xf32, #tpu.memory_space<vmem>>
      %dma_wait3A_67 = arith.constant 0 : i32
      %dma_wait3A_68 = tpu.memref_slice %arg6[%scan3A_55, %dma_wait3A_67] : memref<80x125xi32, #tpu.memory_space<vmem>> -> memref<1x125xi32, #tpu.memory_space<vmem>>
      %dma_wait3A_69 = tpu.memref_squeeze %dma_wait3A_68 : memref<1x125xi32, #tpu.memory_space<vmem>> -> memref<125xi32, #tpu.memory_space<vmem>>
      %dma_wait3A_70 = arith.constant 0 : i32
      %dma_wait3A_71 = arith.constant 0 : i32
      %dma_wait3A_72 = tpu.memref_slice %arg2[%dma_wait3A_70, %dma_wait3A_71] : memref<10000x128xf32, #tpu.memory_space<hbm>> -> memref<10000x128xf32, #tpu.memory_space<hbm>>
      tpu.wait_indirect_dma semaphore(%arg10 : memref<!tpu.dma_semaphore, #tpu.memory_space<semaphore_mem>>) src(%dma_wait3A_72 : memref<10000x128xf32, #tpu.memory_space<hbm>>) dst(%dma_wait3A_66 : memref<125x128xf32, #tpu.memory_space<vmem>>)
      "tpu.region"() ({
        %run_scoped3A = tpu.sem_alloc : memref<!tpu.dma_semaphore, #tpu.memory_space<semaphore_mem>>
        %dma_start3A_74 = arith.constant 0 : i32
        %dma_start3A_75 = arith.constant 0 : i32
        %dma_start3A_76 = tpu.memref_slice %arg8[%dma_start3A_74, %dma_start3A_75] : memref<128x128xf32, #tpu.memory_space<vmem>> -> memref<125x128xf32, #tpu.memory_space<vmem>>
        %dma_start3A_77 = arith.constant 0 : i32
        %dma_start3A_78 = tpu.memref_slice %arg7[%scan3A_55, %dma_start3A_77] : memref<80x125xi32, #tpu.memory_space<vmem>> -> memref<1x125xi32, #tpu.memory_space<vmem>>
        %dma_start3A_79 = tpu.memref_squeeze %dma_start3A_78 : memref<1x125xi32, #tpu.memory_space<vmem>> -> memref<125xi32, #tpu.memory_space<vmem>>
        %dma_start3A_80 = arith.constant 0 : i32
        %dma_start3A_81 = arith.constant 0 : i32
        %dma_start3A_82 = tpu.memref_slice %arg9[%dma_start3A_80, %dma_start3A_81] : memref<10240x128xf32, #tpu.memory_space<vmem_shared>> -> memref<10240x128xf32, #tpu.memory_space<vmem_shared>>
        tpu.enqueue_indirect_dma source(%dma_start3A_76 : memref<125x128xf32, #tpu.memory_space<vmem>>) target(%dma_start3A_82 : memref<10240x128xf32, #tpu.memory_space<vmem_shared>>) offsets(%dma_start3A_79 : memref<125xi32, #tpu.memory_space<vmem>>) semaphore(%run_scoped3A : memref<!tpu.dma_semaphore, #tpu.memory_space<semaphore_mem>>) {add = true}
        %dma_wait3A_83 = arith.constant 0 : i32
        %dma_wait3A_84 = arith.constant 0 : i32
        %dma_wait3A_85 = tpu.memref_slice %arg8[%dma_wait3A_83, %dma_wait3A_84] : memref<128x128xf32, #tpu.memory_space<vmem>> -> memref<125x128xf32, #tpu.memory_space<vmem>>
        %dma_wait3A_86 = arith.constant 0 : i32
        %dma_wait3A_87 = tpu.memref_slice %arg7[%scan3A_55, %dma_wait3A_86] : memref<80x125xi32, #tpu.memory_space<vmem>> -> memref<1x125xi32, #tpu.memory_space<vmem>>
        %dma_wait3A_88 = tpu.memref_squeeze %dma_wait3A_87 : memref<1x125xi32, #tpu.memory_space<vmem>> -> memref<125xi32, #tpu.memory_space<vmem>>
        %dma_wait3A_89 = arith.constant 0 : i32
        %dma_wait3A_90 = arith.constant 0 : i32
        %dma_wait3A_91 = tpu.memref_slice %arg9[%dma_wait3A_89, %dma_wait3A_90] : memref<10240x128xf32, #tpu.memory_space<vmem_shared>> -> memref<10240x128xf32, #tpu.memory_space<vmem_shared>>
        tpu.wait_indirect_dma semaphore(%run_scoped3A : memref<!tpu.dma_semaphore, #tpu.memory_space<semaphore_mem>>) src(%dma_wait3A_85 : memref<125x128xf32, #tpu.memory_space<vmem>>) dst(%dma_wait3A_91 : memref<10240x128xf32, #tpu.memory_space<vmem_shared>>)
        tpu.yield
      }) : () -> ()
      %scan3A_73 = arith.constant 0 : i32
      scf.yield %scan3A_73 : i32
    }
    %scan3A_33 = arith.constant 80 : i32
    %barrier3A_34 = arith.constant 0 : index
    tpu.barrier barrier_id(%barrier3A_34)
    %mul3A_35 = arith.constant 640 : i32
    %mul3A_36 = arith.muli %arg1, %mul3A_35 : i32
    %add3A_37 = arith.constant 0 : i32
    %add3A_38 = arith.addi %mul3A_36, %add3A_37 : i32
    "tpu.region"() ({
      %run_scoped3A = tpu.sem_alloc : memref<!tpu.dma_semaphore, #tpu.memory_space<semaphore_mem>>
      %dma_start3A = arith.constant 0 : i32
      %dma_start3A_55 = tpu.memref_slice %arg9[%add3A_38, %dma_start3A] : memref<10240x128xf32, #tpu.memory_space<vmem_shared>> -> memref<128x128xf32, #tpu.memory_space<vmem_shared>>
      %dma_start3A_56 = arith.constant 0 : i32
      %dma_start3A_57 = tpu.memref_slice %arg9[%add3A_38, %dma_start3A_56] : memref<10240x128xf32, #tpu.memory_space<vmem_shared>> -> memref<128x128xf32, #tpu.memory_space<vmem_shared>>
      tpu.enqueue_dma source(%dma_start3A_57 : memref<128x128xf32, #tpu.memory_space<vmem_shared>>) target(%arg8 : memref<128x128xf32, #tpu.memory_space<vmem>>) target_semaphore(%run_scoped3A : memref<!tpu.dma_semaphore, #tpu.memory_space<semaphore_mem>>)
      %dma_wait3A = arith.constant 0 : i32
      %dma_wait3A_58 = tpu.memref_slice %arg9[%add3A_38, %dma_wait3A] : memref<10240x128xf32, #tpu.memory_space<vmem_shared>> -> memref<128x128xf32, #tpu.memory_space<vmem_shared>>
      %dma_wait3A_59 = arith.constant 0 : i32
      %dma_wait3A_60 = tpu.memref_slice %arg9[%add3A_38, %dma_wait3A_59] : memref<10240x128xf32, #tpu.memory_space<vmem_shared>> -> memref<128x128xf32, #tpu.memory_space<vmem_shared>>
      tpu.wait_dma2 semaphore(%run_scoped3A : memref<!tpu.dma_semaphore, #tpu.memory_space<semaphore_mem>>) src(%dma_wait3A_60 : memref<128x128xf32, #tpu.memory_space<vmem_shared>>) dst(%arg8 : memref<128x128xf32, #tpu.memory_space<vmem>>)
      tpu.yield
    }) : () -> ()
    "tpu.region"() ({
      %run_scoped3A = tpu.sem_alloc : memref<!tpu.dma_semaphore, #tpu.memory_space<semaphore_mem>>
      %dma_start3A = arith.constant 0 : i32
      %dma_start3A_55 = tpu.memref_slice %arg5[%arg0, %add3A_38, %dma_start3A] : memref<2x10240x128xf32, #tpu.memory_space<hbm>> -> memref<1x128x128xf32, #tpu.memory_space<hbm>>
      %dma_start3A_56 = tpu.memref_squeeze %dma_start3A_55 : memref<1x128x128xf32, #tpu.memory_space<hbm>> -> memref<128x128xf32, #tpu.memory_space<hbm>>
      %dma_start3A_57 = arith.constant 0 : i32
      %dma_start3A_58 = tpu.memref_slice %arg5[%arg0, %add3A_38, %dma_start3A_57] : memref<2x10240x128xf32, #tpu.memory_space<hbm>> -> memref<1x128x128xf32, #tpu.memory_space<hbm>>
      %dma_start3A_59 = tpu.memref_squeeze %dma_start3A_58 : memref<1x128x128xf32, #tpu.memory_space<hbm>> -> memref<128x128xf32, #tpu.memory_space<hbm>>
      tpu.enqueue_dma source(%arg8 : memref<128x128xf32, #tpu.memory_space<vmem>>) target(%dma_start3A_59 : memref<128x128xf32, #tpu.memory_space<hbm>>) target_semaphore(%run_scoped3A : memref<!tpu.dma_semaphore, #tpu.memory_space<semaphore_mem>>)
      %dma_wait3A = arith.constant 0 : i32
      %dma_wait3A_60 = tpu.memref_slice %arg5[%arg0, %add3A_38, %dma_wait3A] : memref<2x10240x128xf32, #tpu.memory_space<hbm>> -> memref<1x128x128xf32, #tpu.memory_space<hbm>>
      %dma_wait3A_61 = tpu.memref_squeeze %dma_wait3A_60 : memref<1x128x128xf32, #tpu.memory_space<hbm>> -> memref<128x128xf32, #tpu.memory_space<hbm>>
      %dma_wait3A_62 = arith.constant 0 : i32
      %dma_wait3A_63 = tpu.memref_slice %arg5[%arg0, %add3A_38, %dma_wait3A_62] : memref<2x10240x128xf32, #tpu.memory_space<hbm>> -> memref<1x128x128xf32, #tpu.memory_space<hbm>>
      %dma_wait3A_64 = tpu.memref_squeeze %dma_wait3A_63 : memref<1x128x128xf32, #tpu.memory_space<hbm>> -> memref<128x128xf32, #tpu.memory_space<hbm>>
      tpu.wait_dma2 semaphore(%run_scoped3A : memref<!tpu.dma_semaphore, #tpu.memory_space<semaphore_mem>>) src(%arg8 : memref<128x128xf32, #tpu.memory_space<vmem>>) dst(%dma_wait3A_64 : memref<128x128xf32, #tpu.memory_space<hbm>>)
      tpu.yield
    }) : () -> ()
    %mul3A_39 = arith.constant 640 : i32
    %mul3A_40 = arith.muli %arg1, %mul3A_39 : i32
    %add3A_41 = arith.constant 128 : i32
    %add3A_42 = arith.addi %mul3A_40, %add3A_41 : i32
    "tpu.region"() ({
      %run_scoped3A = tpu.sem_alloc : memref<!tpu.dma_semaphore, #tpu.memory_space<semaphore_mem>>
      %dma_start3A = arith.constant 0 : i32
      %dma_start3A_55 = tpu.memref_slice %arg9[%add3A_42, %dma_start3A] : memref<10240x128xf32, #tpu.memory_space<vmem_shared>> -> memref<128x128xf32, #tpu.memory_space<vmem_shared>>
      %dma_start3A_56 = arith.constant 0 : i32
      %dma_start3A_57 = tpu.memref_slice %arg9[%add3A_42, %dma_start3A_56] : memref<10240x128xf32, #tpu.memory_space<vmem_shared>> -> memref<128x128xf32, #tpu.memory_space<vmem_shared>>
      tpu.enqueue_dma source(%dma_start3A_57 : memref<128x128xf32, #tpu.memory_space<vmem_shared>>) target(%arg8 : memref<128x128xf32, #tpu.memory_space<vmem>>) target_semaphore(%run_scoped3A : memref<!tpu.dma_semaphore, #tpu.memory_space<semaphore_mem>>)
      %dma_wait3A = arith.constant 0 : i32
      %dma_wait3A_58 = tpu.memref_slice %arg9[%add3A_42, %dma_wait3A] : memref<10240x128xf32, #tpu.memory_space<vmem_shared>> -> memref<128x128xf32, #tpu.memory_space<vmem_shared>>
      %dma_wait3A_59 = arith.constant 0 : i32
      %dma_wait3A_60 = tpu.memref_slice %arg9[%add3A_42, %dma_wait3A_59] : memref<10240x128xf32, #tpu.memory_space<vmem_shared>> -> memref<128x128xf32, #tpu.memory_space<vmem_shared>>
      tpu.wait_dma2 semaphore(%run_scoped3A : memref<!tpu.dma_semaphore, #tpu.memory_space<semaphore_mem>>) src(%dma_wait3A_60 : memref<128x128xf32, #tpu.memory_space<vmem_shared>>) dst(%arg8 : memref<128x128xf32, #tpu.memory_space<vmem>>)
      tpu.yield
    }) : () -> ()
    "tpu.region"() ({
      %run_scoped3A = tpu.sem_alloc : memref<!tpu.dma_semaphore, #tpu.memory_space<semaphore_mem>>
      %dma_start3A = arith.constant 0 : i32
      %dma_start3A_55 = tpu.memref_slice %arg5[%arg0, %add3A_42, %dma_start3A] : memref<2x10240x128xf32, #tpu.memory_space<hbm>> -> memref<1x128x128xf32, #tpu.memory_space<hbm>>
      %dma_start3A_56 = tpu.memref_squeeze %dma_start3A_55 : memref<1x128x128xf32, #tpu.memory_space<hbm>> -> memref<128x128xf32, #tpu.memory_space<hbm>>
      %dma_start3A_57 = arith.constant 0 : i32
      %dma_start3A_58 = tpu.memref_slice %arg5[%arg0, %add3A_42, %dma_start3A_57] : memref<2x10240x128xf32, #tpu.memory_space<hbm>> -> memref<1x128x128xf32, #tpu.memory_space<hbm>>
      %dma_start3A_59 = tpu.memref_squeeze %dma_start3A_58 : memref<1x128x128xf32, #tpu.memory_space<hbm>> -> memref<128x128xf32, #tpu.memory_space<hbm>>
      tpu.enqueue_dma source(%arg8 : memref<128x128xf32, #tpu.memory_space<vmem>>) target(%dma_start3A_59 : memref<128x128xf32, #tpu.memory_space<hbm>>) target_semaphore(%run_scoped3A : memref<!tpu.dma_semaphore, #tpu.memory_space<semaphore_mem>>)
      %dma_wait3A = arith.constant 0 : i32
      %dma_wait3A_60 = tpu.memref_slice %arg5[%arg0, %add3A_42, %dma_wait3A] : memref<2x10240x128xf32, #tpu.memory_space<hbm>> -> memref<1x128x128xf32, #tpu.memory_space<hbm>>
      %dma_wait3A_61 = tpu.memref_squeeze %dma_wait3A_60 : memref<1x128x128xf32, #tpu.memory_space<hbm>> -> memref<128x128xf32, #tpu.memory_space<hbm>>
      %dma_wait3A_62 = arith.constant 0 : i32
      %dma_wait3A_63 = tpu.memref_slice %arg5[%arg0, %add3A_42, %dma_wait3A_62] : memref<2x10240x128xf32, #tpu.memory_space<hbm>> -> memref<1x128x128xf32, #tpu.memory_space<hbm>>
      %dma_wait3A_64 = tpu.memref_squeeze %dma_wait3A_63 : memref<1x128x128xf32, #tpu.memory_space<hbm>> -> memref<128x128xf32, #tpu.memory_space<hbm>>
      tpu.wait_dma2 semaphore(%run_scoped3A : memref<!tpu.dma_semaphore, #tpu.memory_space<semaphore_mem>>) src(%arg8 : memref<128x128xf32, #tpu.memory_space<vmem>>) dst(%dma_wait3A_64 : memref<128x128xf32, #tpu.memory_space<hbm>>)
      tpu.yield
    }) : () -> ()
    %mul3A_43 = arith.constant 640 : i32
    %mul3A_44 = arith.muli %arg1, %mul3A_43 : i32
    %add3A_45 = arith.constant 256 : i32
    %add3A_46 = arith.addi %mul3A_44, %add3A_45 : i32
    "tpu.region"() ({
      %run_scoped3A = tpu.sem_alloc : memref<!tpu.dma_semaphore, #tpu.memory_space<semaphore_mem>>
      %dma_start3A = arith.constant 0 : i32
      %dma_start3A_55 = tpu.memref_slice %arg9[%add3A_46, %dma_start3A] : memref<10240x128xf32, #tpu.memory_space<vmem_shared>> -> memref<128x128xf32, #tpu.memory_space<vmem_shared>>
      %dma_start3A_56 = arith.constant 0 : i32
      %dma_start3A_57 = tpu.memref_slice %arg9[%add3A_46, %dma_start3A_56] : memref<10240x128xf32, #tpu.memory_space<vmem_shared>> -> memref<128x128xf32, #tpu.memory_space<vmem_shared>>
      tpu.enqueue_dma source(%dma_start3A_57 : memref<128x128xf32, #tpu.memory_space<vmem_shared>>) target(%arg8 : memref<128x128xf32, #tpu.memory_space<vmem>>) target_semaphore(%run_scoped3A : memref<!tpu.dma_semaphore, #tpu.memory_space<semaphore_mem>>)
      %dma_wait3A = arith.constant 0 : i32
      %dma_wait3A_58 = tpu.memref_slice %arg9[%add3A_46, %dma_wait3A] : memref<10240x128xf32, #tpu.memory_space<vmem_shared>> -> memref<128x128xf32, #tpu.memory_space<vmem_shared>>
      %dma_wait3A_59 = arith.constant 0 : i32
      %dma_wait3A_60 = tpu.memref_slice %arg9[%add3A_46, %dma_wait3A_59] : memref<10240x128xf32, #tpu.memory_space<vmem_shared>> -> memref<128x128xf32, #tpu.memory_space<vmem_shared>>
      tpu.wait_dma2 semaphore(%run_scoped3A : memref<!tpu.dma_semaphore, #tpu.memory_space<semaphore_mem>>) src(%dma_wait3A_60 : memref<128x128xf32, #tpu.memory_space<vmem_shared>>) dst(%arg8 : memref<128x128xf32, #tpu.memory_space<vmem>>)
      tpu.yield
    }) : () -> ()
    "tpu.region"() ({
      %run_scoped3A = tpu.sem_alloc : memref<!tpu.dma_semaphore, #tpu.memory_space<semaphore_mem>>
      %dma_start3A = arith.constant 0 : i32
      %dma_start3A_55 = tpu.memref_slice %arg5[%arg0, %add3A_46, %dma_start3A] : memref<2x10240x128xf32, #tpu.memory_space<hbm>> -> memref<1x128x128xf32, #tpu.memory_space<hbm>>
      %dma_start3A_56 = tpu.memref_squeeze %dma_start3A_55 : memref<1x128x128xf32, #tpu.memory_space<hbm>> -> memref<128x128xf32, #tpu.memory_space<hbm>>
      %dma_start3A_57 = arith.constant 0 : i32
      %dma_start3A_58 = tpu.memref_slice %arg5[%arg0, %add3A_46, %dma_start3A_57] : memref<2x10240x128xf32, #tpu.memory_space<hbm>> -> memref<1x128x128xf32, #tpu.memory_space<hbm>>
      %dma_start3A_59 = tpu.memref_squeeze %dma_start3A_58 : memref<1x128x128xf32, #tpu.memory_space<hbm>> -> memref<128x128xf32, #tpu.memory_space<hbm>>
      tpu.enqueue_dma source(%arg8 : memref<128x128xf32, #tpu.memory_space<vmem>>) target(%dma_start3A_59 : memref<128x128xf32, #tpu.memory_space<hbm>>) target_semaphore(%run_scoped3A : memref<!tpu.dma_semaphore, #tpu.memory_space<semaphore_mem>>)
      %dma_wait3A = arith.constant 0 : i32
      %dma_wait3A_60 = tpu.memref_slice %arg5[%arg0, %add3A_46, %dma_wait3A] : memref<2x10240x128xf32, #tpu.memory_space<hbm>> -> memref<1x128x128xf32, #tpu.memory_space<hbm>>
      %dma_wait3A_61 = tpu.memref_squeeze %dma_wait3A_60 : memref<1x128x128xf32, #tpu.memory_space<hbm>> -> memref<128x128xf32, #tpu.memory_space<hbm>>
      %dma_wait3A_62 = arith.constant 0 : i32
      %dma_wait3A_63 = tpu.memref_slice %arg5[%arg0, %add3A_46, %dma_wait3A_62] : memref<2x10240x128xf32, #tpu.memory_space<hbm>> -> memref<1x128x128xf32, #tpu.memory_space<hbm>>
      %dma_wait3A_64 = tpu.memref_squeeze %dma_wait3A_63 : memref<1x128x128xf32, #tpu.memory_space<hbm>> -> memref<128x128xf32, #tpu.memory_space<hbm>>
      tpu.wait_dma2 semaphore(%run_scoped3A : memref<!tpu.dma_semaphore, #tpu.memory_space<semaphore_mem>>) src(%arg8 : memref<128x128xf32, #tpu.memory_space<vmem>>) dst(%dma_wait3A_64 : memref<128x128xf32, #tpu.memory_space<hbm>>)
      tpu.yield
    }) : () -> ()
    %mul3A_47 = arith.constant 640 : i32
    %mul3A_48 = arith.muli %arg1, %mul3A_47 : i32
    %add3A_49 = arith.constant 384 : i32
    %add3A_50 = arith.addi %mul3A_48, %add3A_49 : i32
    "tpu.region"() ({
      %run_scoped3A = tpu.sem_alloc : memref<!tpu.dma_semaphore, #tpu.memory_space<semaphore_mem>>
      %dma_start3A = arith.constant 0 : i32
      %dma_start3A_55 = tpu.memref_slice %arg9[%add3A_50, %dma_start3A] : memref<10240x128xf32, #tpu.memory_space<vmem_shared>> -> memref<128x128xf32, #tpu.memory_space<vmem_shared>>
      %dma_start3A_56 = arith.constant 0 : i32
      %dma_start3A_57 = tpu.memref_slice %arg9[%add3A_50, %dma_start3A_56] : memref<10240x128xf32, #tpu.memory_space<vmem_shared>> -> memref<128x128xf32, #tpu.memory_space<vmem_shared>>
      tpu.enqueue_dma source(%dma_start3A_57 : memref<128x128xf32, #tpu.memory_space<vmem_shared>>) target(%arg8 : memref<128x128xf32, #tpu.memory_space<vmem>>) target_semaphore(%run_scoped3A : memref<!tpu.dma_semaphore, #tpu.memory_space<semaphore_mem>>)
      %dma_wait3A = arith.constant 0 : i32
      %dma_wait3A_58 = tpu.memref_slice %arg9[%add3A_50, %dma_wait3A] : memref<10240x128xf32, #tpu.memory_space<vmem_shared>> -> memref<128x128xf32, #tpu.memory_space<vmem_shared>>
      %dma_wait3A_59 = arith.constant 0 : i32
      %dma_wait3A_60 = tpu.memref_slice %arg9[%add3A_50, %dma_wait3A_59] : memref<10240x128xf32, #tpu.memory_space<vmem_shared>> -> memref<128x128xf32, #tpu.memory_space<vmem_shared>>
      tpu.wait_dma2 semaphore(%run_scoped3A : memref<!tpu.dma_semaphore, #tpu.memory_space<semaphore_mem>>) src(%dma_wait3A_60 : memref<128x128xf32, #tpu.memory_space<vmem_shared>>) dst(%arg8 : memref<128x128xf32, #tpu.memory_space<vmem>>)
      tpu.yield
    }) : () -> ()
    "tpu.region"() ({
      %run_scoped3A = tpu.sem_alloc : memref<!tpu.dma_semaphore, #tpu.memory_space<semaphore_mem>>
      %dma_start3A = arith.constant 0 : i32
      %dma_start3A_55 = tpu.memref_slice %arg5[%arg0, %add3A_50, %dma_start3A] : memref<2x10240x128xf32, #tpu.memory_space<hbm>> -> memref<1x128x128xf32, #tpu.memory_space<hbm>>
      %dma_start3A_56 = tpu.memref_squeeze %dma_start3A_55 : memref<1x128x128xf32, #tpu.memory_space<hbm>> -> memref<128x128xf32, #tpu.memory_space<hbm>>
      %dma_start3A_57 = arith.constant 0 : i32
      %dma_start3A_58 = tpu.memref_slice %arg5[%arg0, %add3A_50, %dma_start3A_57] : memref<2x10240x128xf32, #tpu.memory_space<hbm>> -> memref<1x128x128xf32, #tpu.memory_space<hbm>>
      %dma_start3A_59 = tpu.memref_squeeze %dma_start3A_58 : memref<1x128x128xf32, #tpu.memory_space<hbm>> -> memref<128x128xf32, #tpu.memory_space<hbm>>
      tpu.enqueue_dma source(%arg8 : memref<128x128xf32, #tpu.memory_space<vmem>>) target(%dma_start3A_59 : memref<128x128xf32, #tpu.memory_space<hbm>>) target_semaphore(%run_scoped3A : memref<!tpu.dma_semaphore, #tpu.memory_space<semaphore_mem>>)
      %dma_wait3A = arith.constant 0 : i32
      %dma_wait3A_60 = tpu.memref_slice %arg5[%arg0, %add3A_50, %dma_wait3A] : memref<2x10240x128xf32, #tpu.memory_space<hbm>> -> memref<1x128x128xf32, #tpu.memory_space<hbm>>
      %dma_wait3A_61 = tpu.memref_squeeze %dma_wait3A_60 : memref<1x128x128xf32, #tpu.memory_space<hbm>> -> memref<128x128xf32, #tpu.memory_space<hbm>>
      %dma_wait3A_62 = arith.constant 0 : i32
      %dma_wait3A_63 = tpu.memref_slice %arg5[%arg0, %add3A_50, %dma_wait3A_62] : memref<2x10240x128xf32, #tpu.memory_space<hbm>> -> memref<1x128x128xf32, #tpu.memory_space<hbm>>
      %dma_wait3A_64 = tpu.memref_squeeze %dma_wait3A_63 : memref<1x128x128xf32, #tpu.memory_space<hbm>> -> memref<128x128xf32, #tpu.memory_space<hbm>>
      tpu.wait_dma2 semaphore(%run_scoped3A : memref<!tpu.dma_semaphore, #tpu.memory_space<semaphore_mem>>) src(%arg8 : memref<128x128xf32, #tpu.memory_space<vmem>>) dst(%dma_wait3A_64 : memref<128x128xf32, #tpu.memory_space<hbm>>)
      tpu.yield
    }) : () -> ()
    %mul3A_51 = arith.constant 640 : i32
    %mul3A_52 = arith.muli %arg1, %mul3A_51 : i32
    %add3A_53 = arith.constant 512 : i32
    %add3A_54 = arith.addi %mul3A_52, %add3A_53 : i32
    "tpu.region"() ({
      %run_scoped3A = tpu.sem_alloc : memref<!tpu.dma_semaphore, #tpu.memory_space<semaphore_mem>>
      %dma_start3A = arith.constant 0 : i32
      %dma_start3A_55 = tpu.memref_slice %arg9[%add3A_54, %dma_start3A] : memref<10240x128xf32, #tpu.memory_space<vmem_shared>> -> memref<128x128xf32, #tpu.memory_space<vmem_shared>>
      %dma_start3A_56 = arith.constant 0 : i32
      %dma_start3A_57 = tpu.memref_slice %arg9[%add3A_54, %dma_start3A_56] : memref<10240x128xf32, #tpu.memory_space<vmem_shared>> -> memref<128x128xf32, #tpu.memory_space<vmem_shared>>
      tpu.enqueue_dma source(%dma_start3A_57 : memref<128x128xf32, #tpu.memory_space<vmem_shared>>) target(%arg8 : memref<128x128xf32, #tpu.memory_space<vmem>>) target_semaphore(%run_scoped3A : memref<!tpu.dma_semaphore, #tpu.memory_space<semaphore_mem>>)
      %dma_wait3A = arith.constant 0 : i32
      %dma_wait3A_58 = tpu.memref_slice %arg9[%add3A_54, %dma_wait3A] : memref<10240x128xf32, #tpu.memory_space<vmem_shared>> -> memref<128x128xf32, #tpu.memory_space<vmem_shared>>
      %dma_wait3A_59 = arith.constant 0 : i32
      %dma_wait3A_60 = tpu.memref_slice %arg9[%add3A_54, %dma_wait3A_59] : memref<10240x128xf32, #tpu.memory_space<vmem_shared>> -> memref<128x128xf32, #tpu.memory_space<vmem_shared>>
      tpu.wait_dma2 semaphore(%run_scoped3A : memref<!tpu.dma_semaphore, #tpu.memory_space<semaphore_mem>>) src(%dma_wait3A_60 : memref<128x128xf32, #tpu.memory_space<vmem_shared>>) dst(%arg8 : memref<128x128xf32, #tpu.memory_space<vmem>>)
      tpu.yield
    }) : () -> ()
    "tpu.region"() ({
      %run_scoped3A = tpu.sem_alloc : memref<!tpu.dma_semaphore, #tpu.memory_space<semaphore_mem>>
      %dma_start3A = arith.constant 0 : i32
      %dma_start3A_55 = tpu.memref_slice %arg5[%arg0, %add3A_54, %dma_start3A] : memref<2x10240x128xf32, #tpu.memory_space<hbm>> -> memref<1x128x128xf32, #tpu.memory_space<hbm>>
      %dma_start3A_56 = tpu.memref_squeeze %dma_start3A_55 : memref<1x128x128xf32, #tpu.memory_space<hbm>> -> memref<128x128xf32, #tpu.memory_space<hbm>>
      %dma_start3A_57 = arith.constant 0 : i32
      %dma_start3A_58 = tpu.memref_slice %arg5[%arg0, %add3A_54, %dma_start3A_57] : memref<2x10240x128xf32, #tpu.memory_space<hbm>> -> memref<1x128x128xf32, #tpu.memory_space<hbm>>
      %dma_start3A_59 = tpu.memref_squeeze %dma_start3A_58 : memref<1x128x128xf32, #tpu.memory_space<hbm>> -> memref<128x128xf32, #tpu.memory_space<hbm>>
      tpu.enqueue_dma source(%arg8 : memref<128x128xf32, #tpu.memory_space<vmem>>) target(%dma_start3A_59 : memref<128x128xf32, #tpu.memory_space<hbm>>) target_semaphore(%run_scoped3A : memref<!tpu.dma_semaphore, #tpu.memory_space<semaphore_mem>>)
      %dma_wait3A = arith.constant 0 : i32
      %dma_wait3A_60 = tpu.memref_slice %arg5[%arg0, %add3A_54, %dma_wait3A] : memref<2x10240x128xf32, #tpu.memory_space<hbm>> -> memref<1x128x128xf32, #tpu.memory_space<hbm>>
      %dma_wait3A_61 = tpu.memref_squeeze %dma_wait3A_60 : memref<1x128x128xf32, #tpu.memory_space<hbm>> -> memref<128x128xf32, #tpu.memory_space<hbm>>
      %dma_wait3A_62 = arith.constant 0 : i32
      %dma_wait3A_63 = tpu.memref_slice %arg5[%arg0, %add3A_54, %dma_wait3A_62] : memref<2x10240x128xf32, #tpu.memory_space<hbm>> -> memref<1x128x128xf32, #tpu.memory_space<hbm>>
      %dma_wait3A_64 = tpu.memref_squeeze %dma_wait3A_63 : memref<1x128x128xf32, #tpu.memory_space<hbm>> -> memref<128x128xf32, #tpu.memory_space<hbm>>
      tpu.wait_dma2 semaphore(%run_scoped3A : memref<!tpu.dma_semaphore, #tpu.memory_space<semaphore_mem>>) src(%arg8 : memref<128x128xf32, #tpu.memory_space<vmem>>) dst(%dma_wait3A_64 : memref<128x128xf32, #tpu.memory_space<hbm>>)
      tpu.yield
    }) : () -> ()
    return
  }
}

#map = affine_map<(d0, d1) -> (0, 0)>
#map1 = affine_map<(d0, d1) -> (0, 0, 0)>
module attributes {stable_mosaic.version = 14 : i64} {
  func.func @_sc_agg_body(%arg0: i32, %arg1: i32, %arg2: memref<10000x128xf32, #tpu.memory_space<hbm>>, %arg3: memref<32x80x125xi32, #tpu.memory_space<hbm>>, %arg4: memref<32x80x125xi32, #tpu.memory_space<hbm>>, %arg5: memref<2x10240x128xf32, #tpu.memory_space<hbm>>, %arg6: memref<80x125xi32, #tpu.memory_space<vmem>>, %arg7: memref<80x125xi32, #tpu.memory_space<vmem>>, %arg8: memref<128x128xf32, #tpu.memory_space<vmem>>, %arg9: memref<10240x128xf32, #tpu.memory_space<vmem_shared>>, %arg10: memref<!tpu.dma_semaphore, #tpu.memory_space<semaphore_mem>>) attributes {dimension_semantics = [#tpu.dimension_semantics<core_parallel>, #tpu.dimension_semantics<subcore_parallel>], iteration_bounds = array<i64: 2, 16>, scalar_prefetch = 0 : i64, scratch_operands = 5 : i64, tpu.core_type = #tpu.core_type<sc_vector_subcore>, window_params = [{transform_indices = #map}, {transform_indices = #map1}, {transform_indices = #map1}, {transform_indices = #map1}]} {
    %mul3A = arith.constant 2 : i32
    %mul3A_0 = arith.muli %arg1, %mul3A : i32
    %add3A = arith.addi %mul3A_0, %arg0 : i32
    %scan3A = arith.constant 0 : i32
    %scan3A_1 = arith.constant 0 : i32
    %scan3A_2 = arith.constant 128 : i32
    %scan3A_3 = arith.addi %scan3A_1, %scan3A_2 : i32
    %scan3A_4 = arith.constant 1 : i32
    %scan3A_5 = scf.for %scan3A_55 = %scan3A_1 to %scan3A_3 step %scan3A_4 iter_args(%scan3A_56 = %scan3A) -> (i32)  : i32 {
      %broadcast_in_dim3A = arith.constant 0.000000e+00 : f32
      %broadcast_in_dim3A_57 = vector.broadcast %broadcast_in_dim3A : f32 to vector<16xf32>
      %swap3A = arith.index_cast %scan3A_55 : i32 to index
      %swap3A_58 = arith.constant 0 : index
      %swap3A_59 = tpu.vector_load %arg8[%swap3A, %swap3A_58] {strides = array<i32>} : memref<128x128xf32, #tpu.memory_space<vmem>>, vector<1x16xf32>,
      %swap3A_60 = vector.shape_cast %swap3A_59 : vector<1x16xf32> to vector<16xf32>
      %swap3A_61 = vector.shape_cast %broadcast_in_dim3A_57 : vector<16xf32> to vector<1x16xf32>
      tpu.vector_store %arg8[%swap3A, %swap3A_58], %swap3A_61 {strides = array<i32>} : memref<128x128xf32, #tpu.memory_space<vmem>>, vector<1x16xf32>,
      %broadcast_in_dim3A_62 = arith.constant 0.000000e+00 : f32
      %broadcast_in_dim3A_63 = vector.broadcast %broadcast_in_dim3A_62 : f32 to vector<16xf32>
      %swap3A_64 = arith.index_cast %scan3A_55 : i32 to index
      %swap3A_65 = arith.constant 16 : index
      %swap3A_66 = tpu.vector_load %arg8[%swap3A_64, %swap3A_65] {strides = array<i32>} : memref<128x128xf32, #tpu.memory_space<vmem>>, vector<1x16xf32>,
      %swap3A_67 = vector.shape_cast %swap3A_66 : vector<1x16xf32> to vector<16xf32>
      %swap3A_68 = vector.shape_cast %broadcast_in_dim3A_63 : vector<16xf32> to vector<1x16xf32>
      tpu.vector_store %arg8[%swap3A_64, %swap3A_65], %swap3A_68 {strides = array<i32>} : memref<128x128xf32, #tpu.memory_space<vmem>>, vector<1x16xf32>,
      %broadcast_in_dim3A_69 = arith.constant 0.000000e+00 : f32
      %broadcast_in_dim3A_70 = vector.broadcast %broadcast_in_dim3A_69 : f32 to vector<16xf32>
      %swap3A_71 = arith.index_cast %scan3A_55 : i32 to index
      %swap3A_72 = arith.constant 32 : index
      %swap3A_73 = tpu.vector_load %arg8[%swap3A_71, %swap3A_72] {strides = array<i32>} : memref<128x128xf32, #tpu.memory_space<vmem>>, vector<1x16xf32>,
      %swap3A_74 = vector.shape_cast %swap3A_73 : vector<1x16xf32> to vector<16xf32>
      %swap3A_75 = vector.shape_cast %broadcast_in_dim3A_70 : vector<16xf32> to vector<1x16xf32>
      tpu.vector_store %arg8[%swap3A_71, %swap3A_72], %swap3A_75 {strides = array<i32>} : memref<128x128xf32, #tpu.memory_space<vmem>>, vector<1x16xf32>,
      %broadcast_in_dim3A_76 = arith.constant 0.000000e+00 : f32
      %broadcast_in_dim3A_77 = vector.broadcast %broadcast_in_dim3A_76 : f32 to vector<16xf32>
      %swap3A_78 = arith.index_cast %scan3A_55 : i32 to index
      %swap3A_79 = arith.constant 48 : index
      %swap3A_80 = tpu.vector_load %arg8[%swap3A_78, %swap3A_79] {strides = array<i32>} : memref<128x128xf32, #tpu.memory_space<vmem>>, vector<1x16xf32>,
      %swap3A_81 = vector.shape_cast %swap3A_80 : vector<1x16xf32> to vector<16xf32>
      %swap3A_82 = vector.shape_cast %broadcast_in_dim3A_77 : vector<16xf32> to vector<1x16xf32>
      tpu.vector_store %arg8[%swap3A_78, %swap3A_79], %swap3A_82 {strides = array<i32>} : memref<128x128xf32, #tpu.memory_space<vmem>>, vector<1x16xf32>,
      %broadcast_in_dim3A_83 = arith.constant 0.000000e+00 : f32
      %broadcast_in_dim3A_84 = vector.broadcast %broadcast_in_dim3A_83 : f32 to vector<16xf32>
      %swap3A_85 = arith.index_cast %scan3A_55 : i32 to index
      %swap3A_86 = arith.constant 64 : index
      %swap3A_87 = tpu.vector_load %arg8[%swap3A_85, %swap3A_86] {strides = array<i32>} : memref<128x128xf32, #tpu.memory_space<vmem>>, vector<1x16xf32>,
      %swap3A_88 = vector.shape_cast %swap3A_87 : vector<1x16xf32> to vector<16xf32>
      %swap3A_89 = vector.shape_cast %broadcast_in_dim3A_84 : vector<16xf32> to vector<1x16xf32>
      tpu.vector_store %arg8[%swap3A_85, %swap3A_86], %swap3A_89 {strides = array<i32>} : memref<128x128xf32, #tpu.memory_space<vmem>>, vector<1x16xf32>,
      %broadcast_in_dim3A_90 = arith.constant 0.000000e+00 : f32
      %broadcast_in_dim3A_91 = vector.broadcast %broadcast_in_dim3A_90 : f32 to vector<16xf32>
      %swap3A_92 = arith.index_cast %scan3A_55 : i32 to index
      %swap3A_93 = arith.constant 80 : index
      %swap3A_94 = tpu.vector_load %arg8[%swap3A_92, %swap3A_93] {strides = array<i32>} : memref<128x128xf32, #tpu.memory_space<vmem>>, vector<1x16xf32>,
      %swap3A_95 = vector.shape_cast %swap3A_94 : vector<1x16xf32> to vector<16xf32>
      %swap3A_96 = vector.shape_cast %broadcast_in_dim3A_91 : vector<16xf32> to vector<1x16xf32>
      tpu.vector_store %arg8[%swap3A_92, %swap3A_93], %swap3A_96 {strides = array<i32>} : memref<128x128xf32, #tpu.memory_space<vmem>>, vector<1x16xf32>,
      %broadcast_in_dim3A_97 = arith.constant 0.000000e+00 : f32
      %broadcast_in_dim3A_98 = vector.broadcast %broadcast_in_dim3A_97 : f32 to vector<16xf32>
      %swap3A_99 = arith.index_cast %scan3A_55 : i32 to index
      %swap3A_100 = arith.constant 96 : index
      %swap3A_101 = tpu.vector_load %arg8[%swap3A_99, %swap3A_100] {strides = array<i32>} : memref<128x128xf32, #tpu.memory_space<vmem>>, vector<1x16xf32>,
      %swap3A_102 = vector.shape_cast %swap3A_101 : vector<1x16xf32> to vector<16xf32>
      %swap3A_103 = vector.shape_cast %broadcast_in_dim3A_98 : vector<16xf32> to vector<1x16xf32>
      tpu.vector_store %arg8[%swap3A_99, %swap3A_100], %swap3A_103 {strides = array<i32>} : memref<128x128xf32, #tpu.memory_space<vmem>>, vector<1x16xf32>,
      %broadcast_in_dim3A_104 = arith.constant 0.000000e+00 : f32
      %broadcast_in_dim3A_105 = vector.broadcast %broadcast_in_dim3A_104 : f32 to vector<16xf32>
      %swap3A_106 = arith.index_cast %scan3A_55 : i32 to index
      %swap3A_107 = arith.constant 112 : index
      %swap3A_108 = tpu.vector_load %arg8[%swap3A_106, %swap3A_107] {strides = array<i32>} : memref<128x128xf32, #tpu.memory_space<vmem>>, vector<1x16xf32>,
      %swap3A_109 = vector.shape_cast %swap3A_108 : vector<1x16xf32> to vector<16xf32>
      %swap3A_110 = vector.shape_cast %broadcast_in_dim3A_105 : vector<16xf32> to vector<1x16xf32>
      tpu.vector_store %arg8[%swap3A_106, %swap3A_107], %swap3A_110 {strides = array<i32>} : memref<128x128xf32, #tpu.memory_space<vmem>>, vector<1x16xf32>,
      %scan3A_111 = arith.constant 0 : i32
      scf.yield %scan3A_111 : i32
    }
    %scan3A_6 = arith.constant 128 : i32
    %mul3A_7 = arith.constant 640 : i32
    %mul3A_8 = arith.muli %arg1, %mul3A_7 : i32
    %add3A_9 = arith.constant 0 : i32
    %add3A_10 = arith.addi %mul3A_8, %add3A_9 : i32
    "tpu.region"() ({
      %run_scoped3A = tpu.sem_alloc : memref<!tpu.dma_semaphore, #tpu.memory_space<semaphore_mem>>
      %dma_start3A = arith.constant 0 : i32
      %dma_start3A_55 = tpu.memref_slice %arg9[%add3A_10, %dma_start3A] : memref<10240x128xf32, #tpu.memory_space<vmem_shared>> -> memref<128x128xf32, #tpu.memory_space<vmem_shared>>
      %dma_start3A_56 = arith.constant 0 : i32
      %dma_start3A_57 = tpu.memref_slice %arg9[%add3A_10, %dma_start3A_56] : memref<10240x128xf32, #tpu.memory_space<vmem_shared>> -> memref<128x128xf32, #tpu.memory_space<vmem_shared>>
      tpu.enqueue_dma source(%arg8 : memref<128x128xf32, #tpu.memory_space<vmem>>) target(%dma_start3A_57 : memref<128x128xf32, #tpu.memory_space<vmem_shared>>) target_semaphore(%run_scoped3A : memref<!tpu.dma_semaphore, #tpu.memory_space<semaphore_mem>>)
      %dma_wait3A = arith.constant 0 : i32
      %dma_wait3A_58 = tpu.memref_slice %arg9[%add3A_10, %dma_wait3A] : memref<10240x128xf32, #tpu.memory_space<vmem_shared>> -> memref<128x128xf32, #tpu.memory_space<vmem_shared>>
      %dma_wait3A_59 = arith.constant 0 : i32
      %dma_wait3A_60 = tpu.memref_slice %arg9[%add3A_10, %dma_wait3A_59] : memref<10240x128xf32, #tpu.memory_space<vmem_shared>> -> memref<128x128xf32, #tpu.memory_space<vmem_shared>>
      tpu.wait_dma2 semaphore(%run_scoped3A : memref<!tpu.dma_semaphore, #tpu.memory_space<semaphore_mem>>) src(%arg8 : memref<128x128xf32, #tpu.memory_space<vmem>>) dst(%dma_wait3A_60 : memref<128x128xf32, #tpu.memory_space<vmem_shared>>)
      tpu.yield
    }) : () -> ()
    %mul3A_11 = arith.constant 640 : i32
    %mul3A_12 = arith.muli %arg1, %mul3A_11 : i32
    %add3A_13 = arith.constant 128 : i32
    %add3A_14 = arith.addi %mul3A_12, %add3A_13 : i32
    "tpu.region"() ({
      %run_scoped3A = tpu.sem_alloc : memref<!tpu.dma_semaphore, #tpu.memory_space<semaphore_mem>>
      %dma_start3A = arith.constant 0 : i32
      %dma_start3A_55 = tpu.memref_slice %arg9[%add3A_14, %dma_start3A] : memref<10240x128xf32, #tpu.memory_space<vmem_shared>> -> memref<128x128xf32, #tpu.memory_space<vmem_shared>>
      %dma_start3A_56 = arith.constant 0 : i32
      %dma_start3A_57 = tpu.memref_slice %arg9[%add3A_14, %dma_start3A_56] : memref<10240x128xf32, #tpu.memory_space<vmem_shared>> -> memref<128x128xf32, #tpu.memory_space<vmem_shared>>
      tpu.enqueue_dma source(%arg8 : memref<128x128xf32, #tpu.memory_space<vmem>>) target(%dma_start3A_57 : memref<128x128xf32, #tpu.memory_space<vmem_shared>>) target_semaphore(%run_scoped3A : memref<!tpu.dma_semaphore, #tpu.memory_space<semaphore_mem>>)
      %dma_wait3A = arith.constant 0 : i32
      %dma_wait3A_58 = tpu.memref_slice %arg9[%add3A_14, %dma_wait3A] : memref<10240x128xf32, #tpu.memory_space<vmem_shared>> -> memref<128x128xf32, #tpu.memory_space<vmem_shared>>
      %dma_wait3A_59 = arith.constant 0 : i32
      %dma_wait3A_60 = tpu.memref_slice %arg9[%add3A_14, %dma_wait3A_59] : memref<10240x128xf32, #tpu.memory_space<vmem_shared>> -> memref<128x128xf32, #tpu.memory_space<vmem_shared>>
      tpu.wait_dma2 semaphore(%run_scoped3A : memref<!tpu.dma_semaphore, #tpu.memory_space<semaphore_mem>>) src(%arg8 : memref<128x128xf32, #tpu.memory_space<vmem>>) dst(%dma_wait3A_60 : memref<128x128xf32, #tpu.memory_space<vmem_shared>>)
      tpu.yield
    }) : () -> ()
    %mul3A_15 = arith.constant 640 : i32
    %mul3A_16 = arith.muli %arg1, %mul3A_15 : i32
    %add3A_17 = arith.constant 256 : i32
    %add3A_18 = arith.addi %mul3A_16, %add3A_17 : i32
    "tpu.region"() ({
      %run_scoped3A = tpu.sem_alloc : memref<!tpu.dma_semaphore, #tpu.memory_space<semaphore_mem>>
      %dma_start3A = arith.constant 0 : i32
      %dma_start3A_55 = tpu.memref_slice %arg9[%add3A_18, %dma_start3A] : memref<10240x128xf32, #tpu.memory_space<vmem_shared>> -> memref<128x128xf32, #tpu.memory_space<vmem_shared>>
      %dma_start3A_56 = arith.constant 0 : i32
      %dma_start3A_57 = tpu.memref_slice %arg9[%add3A_18, %dma_start3A_56] : memref<10240x128xf32, #tpu.memory_space<vmem_shared>> -> memref<128x128xf32, #tpu.memory_space<vmem_shared>>
      tpu.enqueue_dma source(%arg8 : memref<128x128xf32, #tpu.memory_space<vmem>>) target(%dma_start3A_57 : memref<128x128xf32, #tpu.memory_space<vmem_shared>>) target_semaphore(%run_scoped3A : memref<!tpu.dma_semaphore, #tpu.memory_space<semaphore_mem>>)
      %dma_wait3A = arith.constant 0 : i32
      %dma_wait3A_58 = tpu.memref_slice %arg9[%add3A_18, %dma_wait3A] : memref<10240x128xf32, #tpu.memory_space<vmem_shared>> -> memref<128x128xf32, #tpu.memory_space<vmem_shared>>
      %dma_wait3A_59 = arith.constant 0 : i32
      %dma_wait3A_60 = tpu.memref_slice %arg9[%add3A_18, %dma_wait3A_59] : memref<10240x128xf32, #tpu.memory_space<vmem_shared>> -> memref<128x128xf32, #tpu.memory_space<vmem_shared>>
      tpu.wait_dma2 semaphore(%run_scoped3A : memref<!tpu.dma_semaphore, #tpu.memory_space<semaphore_mem>>) src(%arg8 : memref<128x128xf32, #tpu.memory_space<vmem>>) dst(%dma_wait3A_60 : memref<128x128xf32, #tpu.memory_space<vmem_shared>>)
      tpu.yield
    }) : () -> ()
    %mul3A_19 = arith.constant 640 : i32
    %mul3A_20 = arith.muli %arg1, %mul3A_19 : i32
    %add3A_21 = arith.constant 384 : i32
    %add3A_22 = arith.addi %mul3A_20, %add3A_21 : i32
    "tpu.region"() ({
      %run_scoped3A = tpu.sem_alloc : memref<!tpu.dma_semaphore, #tpu.memory_space<semaphore_mem>>
      %dma_start3A = arith.constant 0 : i32
      %dma_start3A_55 = tpu.memref_slice %arg9[%add3A_22, %dma_start3A] : memref<10240x128xf32, #tpu.memory_space<vmem_shared>> -> memref<128x128xf32, #tpu.memory_space<vmem_shared>>
      %dma_start3A_56 = arith.constant 0 : i32
      %dma_start3A_57 = tpu.memref_slice %arg9[%add3A_22, %dma_start3A_56] : memref<10240x128xf32, #tpu.memory_space<vmem_shared>> -> memref<128x128xf32, #tpu.memory_space<vmem_shared>>
      tpu.enqueue_dma source(%arg8 : memref<128x128xf32, #tpu.memory_space<vmem>>) target(%dma_start3A_57 : memref<128x128xf32, #tpu.memory_space<vmem_shared>>) target_semaphore(%run_scoped3A : memref<!tpu.dma_semaphore, #tpu.memory_space<semaphore_mem>>)
      %dma_wait3A = arith.constant 0 : i32
      %dma_wait3A_58 = tpu.memref_slice %arg9[%add3A_22, %dma_wait3A] : memref<10240x128xf32, #tpu.memory_space<vmem_shared>> -> memref<128x128xf32, #tpu.memory_space<vmem_shared>>
      %dma_wait3A_59 = arith.constant 0 : i32
      %dma_wait3A_60 = tpu.memref_slice %arg9[%add3A_22, %dma_wait3A_59] : memref<10240x128xf32, #tpu.memory_space<vmem_shared>> -> memref<128x128xf32, #tpu.memory_space<vmem_shared>>
      tpu.wait_dma2 semaphore(%run_scoped3A : memref<!tpu.dma_semaphore, #tpu.memory_space<semaphore_mem>>) src(%arg8 : memref<128x128xf32, #tpu.memory_space<vmem>>) dst(%dma_wait3A_60 : memref<128x128xf32, #tpu.memory_space<vmem_shared>>)
      tpu.yield
    }) : () -> ()
    %mul3A_23 = arith.constant 640 : i32
    %mul3A_24 = arith.muli %arg1, %mul3A_23 : i32
    %add3A_25 = arith.constant 512 : i32
    %add3A_26 = arith.addi %mul3A_24, %add3A_25 : i32
    "tpu.region"() ({
      %run_scoped3A = tpu.sem_alloc : memref<!tpu.dma_semaphore, #tpu.memory_space<semaphore_mem>>
      %dma_start3A = arith.constant 0 : i32
      %dma_start3A_55 = tpu.memref_slice %arg9[%add3A_26, %dma_start3A] : memref<10240x128xf32, #tpu.memory_space<vmem_shared>> -> memref<128x128xf32, #tpu.memory_space<vmem_shared>>
      %dma_start3A_56 = arith.constant 0 : i32
      %dma_start3A_57 = tpu.memref_slice %arg9[%add3A_26, %dma_start3A_56] : memref<10240x128xf32, #tpu.memory_space<vmem_shared>> -> memref<128x128xf32, #tpu.memory_space<vmem_shared>>
      tpu.enqueue_dma source(%arg8 : memref<128x128xf32, #tpu.memory_space<vmem>>) target(%dma_start3A_57 : memref<128x128xf32, #tpu.memory_space<vmem_shared>>) target_semaphore(%run_scoped3A : memref<!tpu.dma_semaphore, #tpu.memory_space<semaphore_mem>>)
      %dma_wait3A = arith.constant 0 : i32
      %dma_wait3A_58 = tpu.memref_slice %arg9[%add3A_26, %dma_wait3A] : memref<10240x128xf32, #tpu.memory_space<vmem_shared>> -> memref<128x128xf32, #tpu.memory_space<vmem_shared>>
      %dma_wait3A_59 = arith.constant 0 : i32
      %dma_wait3A_60 = tpu.memref_slice %arg9[%add3A_26, %dma_wait3A_59] : memref<10240x128xf32, #tpu.memory_space<vmem_shared>> -> memref<128x128xf32, #tpu.memory_space<vmem_shared>>
      tpu.wait_dma2 semaphore(%run_scoped3A : memref<!tpu.dma_semaphore, #tpu.memory_space<semaphore_mem>>) src(%arg8 : memref<128x128xf32, #tpu.memory_space<vmem>>) dst(%dma_wait3A_60 : memref<128x128xf32, #tpu.memory_space<vmem_shared>>)
      tpu.yield
    }) : () -> ()
    %barrier3A = arith.constant 0 : index
    tpu.barrier barrier_id(%barrier3A)
    "tpu.region"() ({
      %run_scoped3A = tpu.sem_alloc : memref<!tpu.dma_semaphore, #tpu.memory_space<semaphore_mem>>
      %dma_start3A = arith.constant 0 : i32
      %dma_start3A_55 = arith.constant 0 : i32
      %dma_start3A_56 = tpu.memref_slice %arg3[%add3A, %dma_start3A, %dma_start3A_55] : memref<32x80x125xi32, #tpu.memory_space<hbm>> -> memref<1x80x125xi32, #tpu.memory_space<hbm>>
      %dma_start3A_57 = tpu.memref_squeeze %dma_start3A_56 : memref<1x80x125xi32, #tpu.memory_space<hbm>> -> memref<80x125xi32, #tpu.memory_space<hbm>>
      %dma_start3A_58 = arith.constant 0 : i32
      %dma_start3A_59 = arith.constant 0 : i32
      %dma_start3A_60 = tpu.memref_slice %arg3[%add3A, %dma_start3A_58, %dma_start3A_59] : memref<32x80x125xi32, #tpu.memory_space<hbm>> -> memref<1x80x125xi32, #tpu.memory_space<hbm>>
      %dma_start3A_61 = tpu.memref_squeeze %dma_start3A_60 : memref<1x80x125xi32, #tpu.memory_space<hbm>> -> memref<80x125xi32, #tpu.memory_space<hbm>>
      tpu.enqueue_dma source(%dma_start3A_61 : memref<80x125xi32, #tpu.memory_space<hbm>>) target(%arg6 : memref<80x125xi32, #tpu.memory_space<vmem>>) target_semaphore(%run_scoped3A : memref<!tpu.dma_semaphore, #tpu.memory_space<semaphore_mem>>)
      %dma_wait3A = arith.constant 0 : i32
      %dma_wait3A_62 = arith.constant 0 : i32
      %dma_wait3A_63 = tpu.memref_slice %arg3[%add3A, %dma_wait3A, %dma_wait3A_62] : memref<32x80x125xi32, #tpu.memory_space<hbm>> -> memref<1x80x125xi32, #tpu.memory_space<hbm>>
      %dma_wait3A_64 = tpu.memref_squeeze %dma_wait3A_63 : memref<1x80x125xi32, #tpu.memory_space<hbm>> -> memref<80x125xi32, #tpu.memory_space<hbm>>
      %dma_wait3A_65 = arith.constant 0 : i32
      %dma_wait3A_66 = arith.constant 0 : i32
      %dma_wait3A_67 = tpu.memref_slice %arg3[%add3A, %dma_wait3A_65, %dma_wait3A_66] : memref<32x80x125xi32, #tpu.memory_space<hbm>> -> memref<1x80x125xi32, #tpu.memory_space<hbm>>
      %dma_wait3A_68 = tpu.memref_squeeze %dma_wait3A_67 : memref<1x80x125xi32, #tpu.memory_space<hbm>> -> memref<80x125xi32, #tpu.memory_space<hbm>>
      tpu.wait_dma2 semaphore(%run_scoped3A : memref<!tpu.dma_semaphore, #tpu.memory_space<semaphore_mem>>) src(%dma_wait3A_68 : memref<80x125xi32, #tpu.memory_space<hbm>>) dst(%arg6 : memref<80x125xi32, #tpu.memory_space<vmem>>)
      tpu.yield
    }) : () -> ()
    "tpu.region"() ({
      %run_scoped3A = tpu.sem_alloc : memref<!tpu.dma_semaphore, #tpu.memory_space<semaphore_mem>>
      %dma_start3A = arith.constant 0 : i32
      %dma_start3A_55 = arith.constant 0 : i32
      %dma_start3A_56 = tpu.memref_slice %arg4[%add3A, %dma_start3A, %dma_start3A_55] : memref<32x80x125xi32, #tpu.memory_space<hbm>> -> memref<1x80x125xi32, #tpu.memory_space<hbm>>
      %dma_start3A_57 = tpu.memref_squeeze %dma_start3A_56 : memref<1x80x125xi32, #tpu.memory_space<hbm>> -> memref<80x125xi32, #tpu.memory_space<hbm>>
      %dma_start3A_58 = arith.constant 0 : i32
      %dma_start3A_59 = arith.constant 0 : i32
      %dma_start3A_60 = tpu.memref_slice %arg4[%add3A, %dma_start3A_58, %dma_start3A_59] : memref<32x80x125xi32, #tpu.memory_space<hbm>> -> memref<1x80x125xi32, #tpu.memory_space<hbm>>
      %dma_start3A_61 = tpu.memref_squeeze %dma_start3A_60 : memref<1x80x125xi32, #tpu.memory_space<hbm>> -> memref<80x125xi32, #tpu.memory_space<hbm>>
      tpu.enqueue_dma source(%dma_start3A_61 : memref<80x125xi32, #tpu.memory_space<hbm>>) target(%arg7 : memref<80x125xi32, #tpu.memory_space<vmem>>) target_semaphore(%run_scoped3A : memref<!tpu.dma_semaphore, #tpu.memory_space<semaphore_mem>>)
      %dma_wait3A = arith.constant 0 : i32
      %dma_wait3A_62 = arith.constant 0 : i32
      %dma_wait3A_63 = tpu.memref_slice %arg4[%add3A, %dma_wait3A, %dma_wait3A_62] : memref<32x80x125xi32, #tpu.memory_space<hbm>> -> memref<1x80x125xi32, #tpu.memory_space<hbm>>
      %dma_wait3A_64 = tpu.memref_squeeze %dma_wait3A_63 : memref<1x80x125xi32, #tpu.memory_space<hbm>> -> memref<80x125xi32, #tpu.memory_space<hbm>>
      %dma_wait3A_65 = arith.constant 0 : i32
      %dma_wait3A_66 = arith.constant 0 : i32
      %dma_wait3A_67 = tpu.memref_slice %arg4[%add3A, %dma_wait3A_65, %dma_wait3A_66] : memref<32x80x125xi32, #tpu.memory_space<hbm>> -> memref<1x80x125xi32, #tpu.memory_space<hbm>>
      %dma_wait3A_68 = tpu.memref_squeeze %dma_wait3A_67 : memref<1x80x125xi32, #tpu.memory_space<hbm>> -> memref<80x125xi32, #tpu.memory_space<hbm>>
      tpu.wait_dma2 semaphore(%run_scoped3A : memref<!tpu.dma_semaphore, #tpu.memory_space<semaphore_mem>>) src(%dma_wait3A_68 : memref<80x125xi32, #tpu.memory_space<hbm>>) dst(%arg7 : memref<80x125xi32, #tpu.memory_space<vmem>>)
      tpu.yield
    }) : () -> ()
    %scan3A_27 = arith.constant 0 : i32
    %scan3A_28 = arith.constant 0 : i32
    %scan3A_29 = arith.constant 80 : i32
    %scan3A_30 = arith.addi %scan3A_28, %scan3A_29 : i32
    %scan3A_31 = arith.constant 1 : i32
    %scan3A_32 = scf.for %scan3A_55 = %scan3A_28 to %scan3A_30 step %scan3A_31 iter_args(%scan3A_56 = %scan3A_27) -> (i32)  : i32 {
      %dma_start3A = arith.constant 0 : i32
      %dma_start3A_57 = arith.constant 0 : i32
      %dma_start3A_58 = tpu.memref_slice %arg8[%dma_start3A, %dma_start3A_57] : memref<128x128xf32, #tpu.memory_space<vmem>> -> memref<125x128xf32, #tpu.memory_space<vmem>>
      %dma_start3A_59 = arith.constant 0 : i32
      %dma_start3A_60 = tpu.memref_slice %arg6[%scan3A_55, %dma_start3A_59] : memref<80x125xi32, #tpu.memory_space<vmem>> -> memref<1x125xi32, #tpu.memory_space<vmem>>
      %dma_start3A_61 = tpu.memref_squeeze %dma_start3A_60 : memref<1x125xi32, #tpu.memory_space<vmem>> -> memref<125xi32, #tpu.memory_space<vmem>>
      %dma_start3A_62 = arith.constant 0 : i32
      %dma_start3A_63 = arith.constant 0 : i32
      %dma_start3A_64 = tpu.memref_slice %arg2[%dma_start3A_62, %dma_start3A_63] : memref<10000x128xf32, #tpu.memory_space<hbm>> -> memref<10000x128xf32, #tpu.memory_space<hbm>>
      tpu.enqueue_indirect_dma source(%dma_start3A_64 : memref<10000x128xf32, #tpu.memory_space<hbm>>) target(%dma_start3A_58 : memref<125x128xf32, #tpu.memory_space<vmem>>) offsets(%dma_start3A_61 : memref<125xi32, #tpu.memory_space<vmem>>) semaphore(%arg10 : memref<!tpu.dma_semaphore, #tpu.memory_space<semaphore_mem>>)
      %dma_wait3A = arith.constant 0 : i32
      %dma_wait3A_65 = arith.constant 0 : i32
      %dma_wait3A_66 = tpu.memref_slice %arg8[%dma_wait3A, %dma_wait3A_65] : memref<128x128xf32, #tpu.memory_space<vmem>> -> memref<125x128xf32, #tpu.memory_space<vmem>>
      %dma_wait3A_67 = arith.constant 0 : i32
      %dma_wait3A_68 = tpu.memref_slice %arg6[%scan3A_55, %dma_wait3A_67] : memref<80x125xi32, #tpu.memory_space<vmem>> -> memref<1x125xi32, #tpu.memory_space<vmem>>
      %dma_wait3A_69 = tpu.memref_squeeze %dma_wait3A_68 : memref<1x125xi32, #tpu.memory_space<vmem>> -> memref<125xi32, #tpu.memory_space<vmem>>
      %dma_wait3A_70 = arith.constant 0 : i32
      %dma_wait3A_71 = arith.constant 0 : i32
      %dma_wait3A_72 = tpu.memref_slice %arg2[%dma_wait3A_70, %dma_wait3A_71] : memref<10000x128xf32, #tpu.memory_space<hbm>> -> memref<10000x128xf32, #tpu.memory_space<hbm>>
      tpu.wait_indirect_dma semaphore(%arg10 : memref<!tpu.dma_semaphore, #tpu.memory_space<semaphore_mem>>) src(%dma_wait3A_72 : memref<10000x128xf32, #tpu.memory_space<hbm>>) dst(%dma_wait3A_66 : memref<125x128xf32, #tpu.memory_space<vmem>>)
      "tpu.region"() ({
        %run_scoped3A = tpu.sem_alloc : memref<!tpu.dma_semaphore, #tpu.memory_space<semaphore_mem>>
        %dma_start3A_74 = arith.constant 0 : i32
        %dma_start3A_75 = arith.constant 0 : i32
        %dma_start3A_76 = tpu.memref_slice %arg8[%dma_start3A_74, %dma_start3A_75] : memref<128x128xf32, #tpu.memory_space<vmem>> -> memref<125x128xf32, #tpu.memory_space<vmem>>
        %dma_start3A_77 = arith.constant 0 : i32
        %dma_start3A_78 = tpu.memref_slice %arg7[%scan3A_55, %dma_start3A_77] : memref<80x125xi32, #tpu.memory_space<vmem>> -> memref<1x125xi32, #tpu.memory_space<vmem>>
        %dma_start3A_79 = tpu.memref_squeeze %dma_start3A_78 : memref<1x125xi32, #tpu.memory_space<vmem>> -> memref<125xi32, #tpu.memory_space<vmem>>
        %dma_start3A_80 = arith.constant 0 : i32
        %dma_start3A_81 = arith.constant 0 : i32
        %dma_start3A_82 = tpu.memref_slice %arg9[%dma_start3A_80, %dma_start3A_81] : memref<10240x128xf32, #tpu.memory_space<vmem_shared>> -> memref<10240x128xf32, #tpu.memory_space<vmem_shared>>
        tpu.enqueue_indirect_dma source(%dma_start3A_76 : memref<125x128xf32, #tpu.memory_space<vmem>>) target(%dma_start3A_82 : memref<10240x128xf32, #tpu.memory_space<vmem_shared>>) offsets(%dma_start3A_79 : memref<125xi32, #tpu.memory_space<vmem>>) semaphore(%run_scoped3A : memref<!tpu.dma_semaphore, #tpu.memory_space<semaphore_mem>>) {add = true}
        %dma_wait3A_83 = arith.constant 0 : i32
        %dma_wait3A_84 = arith.constant 0 : i32
        %dma_wait3A_85 = tpu.memref_slice %arg8[%dma_wait3A_83, %dma_wait3A_84] : memref<128x128xf32, #tpu.memory_space<vmem>> -> memref<125x128xf32, #tpu.memory_space<vmem>>
        %dma_wait3A_86 = arith.constant 0 : i32
        %dma_wait3A_87 = tpu.memref_slice %arg7[%scan3A_55, %dma_wait3A_86] : memref<80x125xi32, #tpu.memory_space<vmem>> -> memref<1x125xi32, #tpu.memory_space<vmem>>
        %dma_wait3A_88 = tpu.memref_squeeze %dma_wait3A_87 : memref<1x125xi32, #tpu.memory_space<vmem>> -> memref<125xi32, #tpu.memory_space<vmem>>
        %dma_wait3A_89 = arith.constant 0 : i32
        %dma_wait3A_90 = arith.constant 0 : i32
        %dma_wait3A_91 = tpu.memref_slice %arg9[%dma_wait3A_89, %dma_wait3A_90] : memref<10240x128xf32, #tpu.memory_space<vmem_shared>> -> memref<10240x128xf32, #tpu.memory_space<vmem_shared>>
        tpu.wait_indirect_dma semaphore(%run_scoped3A : memref<!tpu.dma_semaphore, #tpu.memory_space<semaphore_mem>>) src(%dma_wait3A_85 : memref<125x128xf32, #tpu.memory_space<vmem>>) dst(%dma_wait3A_91 : memref<10240x128xf32, #tpu.memory_space<vmem_shared>>)
        tpu.yield
      }) : () -> ()
      %scan3A_73 = arith.constant 0 : i32
      scf.yield %scan3A_73 : i32
    }
    %scan3A_33 = arith.constant 80 : i32
    %barrier3A_34 = arith.constant 0 : index
    tpu.barrier barrier_id(%barrier3A_34)
    %mul3A_35 = arith.constant 640 : i32
    %mul3A_36 = arith.muli %arg1, %mul3A_35 : i32
    %add3A_37 = arith.constant 0 : i32
    %add3A_38 = arith.addi %mul3A_36, %add3A_37 : i32
    "tpu.region"() ({
      %run_scoped3A = tpu.sem_alloc : memref<!tpu.dma_semaphore, #tpu.memory_space<semaphore_mem>>
      %dma_start3A = arith.constant 0 : i32
      %dma_start3A_55 = tpu.memref_slice %arg9[%add3A_38, %dma_start3A] : memref<10240x128xf32, #tpu.memory_space<vmem_shared>> -> memref<128x128xf32, #tpu.memory_space<vmem_shared>>
      %dma_start3A_56 = arith.constant 0 : i32
      %dma_start3A_57 = tpu.memref_slice %arg9[%add3A_38, %dma_start3A_56] : memref<10240x128xf32, #tpu.memory_space<vmem_shared>> -> memref<128x128xf32, #tpu.memory_space<vmem_shared>>
      tpu.enqueue_dma source(%dma_start3A_57 : memref<128x128xf32, #tpu.memory_space<vmem_shared>>) target(%arg8 : memref<128x128xf32, #tpu.memory_space<vmem>>) target_semaphore(%run_scoped3A : memref<!tpu.dma_semaphore, #tpu.memory_space<semaphore_mem>>)
      %dma_wait3A = arith.constant 0 : i32
      %dma_wait3A_58 = tpu.memref_slice %arg9[%add3A_38, %dma_wait3A] : memref<10240x128xf32, #tpu.memory_space<vmem_shared>> -> memref<128x128xf32, #tpu.memory_space<vmem_shared>>
      %dma_wait3A_59 = arith.constant 0 : i32
      %dma_wait3A_60 = tpu.memref_slice %arg9[%add3A_38, %dma_wait3A_59] : memref<10240x128xf32, #tpu.memory_space<vmem_shared>> -> memref<128x128xf32, #tpu.memory_space<vmem_shared>>
      tpu.wait_dma2 semaphore(%run_scoped3A : memref<!tpu.dma_semaphore, #tpu.memory_space<semaphore_mem>>) src(%dma_wait3A_60 : memref<128x128xf32, #tpu.memory_space<vmem_shared>>) dst(%arg8 : memref<128x128xf32, #tpu.memory_space<vmem>>)
      tpu.yield
    }) : () -> ()
    "tpu.region"() ({
      %run_scoped3A = tpu.sem_alloc : memref<!tpu.dma_semaphore, #tpu.memory_space<semaphore_mem>>
      %dma_start3A = arith.constant 0 : i32
      %dma_start3A_55 = tpu.memref_slice %arg5[%arg0, %add3A_38, %dma_start3A] : memref<2x10240x128xf32, #tpu.memory_space<hbm>> -> memref<1x128x128xf32, #tpu.memory_space<hbm>>
      %dma_start3A_56 = tpu.memref_squeeze %dma_start3A_55 : memref<1x128x128xf32, #tpu.memory_space<hbm>> -> memref<128x128xf32, #tpu.memory_space<hbm>>
      %dma_start3A_57 = arith.constant 0 : i32
      %dma_start3A_58 = tpu.memref_slice %arg5[%arg0, %add3A_38, %dma_start3A_57] : memref<2x10240x128xf32, #tpu.memory_space<hbm>> -> memref<1x128x128xf32, #tpu.memory_space<hbm>>
      %dma_start3A_59 = tpu.memref_squeeze %dma_start3A_58 : memref<1x128x128xf32, #tpu.memory_space<hbm>> -> memref<128x128xf32, #tpu.memory_space<hbm>>
      tpu.enqueue_dma source(%arg8 : memref<128x128xf32, #tpu.memory_space<vmem>>) target(%dma_start3A_59 : memref<128x128xf32, #tpu.memory_space<hbm>>) target_semaphore(%run_scoped3A : memref<!tpu.dma_semaphore, #tpu.memory_space<semaphore_mem>>)
      %dma_wait3A = arith.constant 0 : i32
      %dma_wait3A_60 = tpu.memref_slice %arg5[%arg0, %add3A_38, %dma_wait3A] : memref<2x10240x128xf32, #tpu.memory_space<hbm>> -> memref<1x128x128xf32, #tpu.memory_space<hbm>>
      %dma_wait3A_61 = tpu.memref_squeeze %dma_wait3A_60 : memref<1x128x128xf32, #tpu.memory_space<hbm>> -> memref<128x128xf32, #tpu.memory_space<hbm>>
      %dma_wait3A_62 = arith.constant 0 : i32
      %dma_wait3A_63 = tpu.memref_slice %arg5[%arg0, %add3A_38, %dma_wait3A_62] : memref<2x10240x128xf32, #tpu.memory_space<hbm>> -> memref<1x128x128xf32, #tpu.memory_space<hbm>>
      %dma_wait3A_64 = tpu.memref_squeeze %dma_wait3A_63 : memref<1x128x128xf32, #tpu.memory_space<hbm>> -> memref<128x128xf32, #tpu.memory_space<hbm>>
      tpu.wait_dma2 semaphore(%run_scoped3A : memref<!tpu.dma_semaphore, #tpu.memory_space<semaphore_mem>>) src(%arg8 : memref<128x128xf32, #tpu.memory_space<vmem>>) dst(%dma_wait3A_64 : memref<128x128xf32, #tpu.memory_space<hbm>>)
      tpu.yield
    }) : () -> ()
    %mul3A_39 = arith.constant 640 : i32
    %mul3A_40 = arith.muli %arg1, %mul3A_39 : i32
    %add3A_41 = arith.constant 128 : i32
    %add3A_42 = arith.addi %mul3A_40, %add3A_41 : i32
    "tpu.region"() ({
      %run_scoped3A = tpu.sem_alloc : memref<!tpu.dma_semaphore, #tpu.memory_space<semaphore_mem>>
      %dma_start3A = arith.constant 0 : i32
      %dma_start3A_55 = tpu.memref_slice %arg9[%add3A_42, %dma_start3A] : memref<10240x128xf32, #tpu.memory_space<vmem_shared>> -> memref<128x128xf32, #tpu.memory_space<vmem_shared>>
      %dma_start3A_56 = arith.constant 0 : i32
      %dma_start3A_57 = tpu.memref_slice %arg9[%add3A_42, %dma_start3A_56] : memref<10240x128xf32, #tpu.memory_space<vmem_shared>> -> memref<128x128xf32, #tpu.memory_space<vmem_shared>>
      tpu.enqueue_dma source(%dma_start3A_57 : memref<128x128xf32, #tpu.memory_space<vmem_shared>>) target(%arg8 : memref<128x128xf32, #tpu.memory_space<vmem>>) target_semaphore(%run_scoped3A : memref<!tpu.dma_semaphore, #tpu.memory_space<semaphore_mem>>)
      %dma_wait3A = arith.constant 0 : i32
      %dma_wait3A_58 = tpu.memref_slice %arg9[%add3A_42, %dma_wait3A] : memref<10240x128xf32, #tpu.memory_space<vmem_shared>> -> memref<128x128xf32, #tpu.memory_space<vmem_shared>>
      %dma_wait3A_59 = arith.constant 0 : i32
      %dma_wait3A_60 = tpu.memref_slice %arg9[%add3A_42, %dma_wait3A_59] : memref<10240x128xf32, #tpu.memory_space<vmem_shared>> -> memref<128x128xf32, #tpu.memory_space<vmem_shared>>
      tpu.wait_dma2 semaphore(%run_scoped3A : memref<!tpu.dma_semaphore, #tpu.memory_space<semaphore_mem>>) src(%dma_wait3A_60 : memref<128x128xf32, #tpu.memory_space<vmem_shared>>) dst(%arg8 : memref<128x128xf32, #tpu.memory_space<vmem>>)
      tpu.yield
    }) : () -> ()
    "tpu.region"() ({
      %run_scoped3A = tpu.sem_alloc : memref<!tpu.dma_semaphore, #tpu.memory_space<semaphore_mem>>
      %dma_start3A = arith.constant 0 : i32
      %dma_start3A_55 = tpu.memref_slice %arg5[%arg0, %add3A_42, %dma_start3A] : memref<2x10240x128xf32, #tpu.memory_space<hbm>> -> memref<1x128x128xf32, #tpu.memory_space<hbm>>
      %dma_start3A_56 = tpu.memref_squeeze %dma_start3A_55 : memref<1x128x128xf32, #tpu.memory_space<hbm>> -> memref<128x128xf32, #tpu.memory_space<hbm>>
      %dma_start3A_57 = arith.constant 0 : i32
      %dma_start3A_58 = tpu.memref_slice %arg5[%arg0, %add3A_42, %dma_start3A_57] : memref<2x10240x128xf32, #tpu.memory_space<hbm>> -> memref<1x128x128xf32, #tpu.memory_space<hbm>>
      %dma_start3A_59 = tpu.memref_squeeze %dma_start3A_58 : memref<1x128x128xf32, #tpu.memory_space<hbm>> -> memref<128x128xf32, #tpu.memory_space<hbm>>
      tpu.enqueue_dma source(%arg8 : memref<128x128xf32, #tpu.memory_space<vmem>>) target(%dma_start3A_59 : memref<128x128xf32, #tpu.memory_space<hbm>>) target_semaphore(%run_scoped3A : memref<!tpu.dma_semaphore, #tpu.memory_space<semaphore_mem>>)
      %dma_wait3A = arith.constant 0 : i32
      %dma_wait3A_60 = tpu.memref_slice %arg5[%arg0, %add3A_42, %dma_wait3A] : memref<2x10240x128xf32, #tpu.memory_space<hbm>> -> memref<1x128x128xf32, #tpu.memory_space<hbm>>
      %dma_wait3A_61 = tpu.memref_squeeze %dma_wait3A_60 : memref<1x128x128xf32, #tpu.memory_space<hbm>> -> memref<128x128xf32, #tpu.memory_space<hbm>>
      %dma_wait3A_62 = arith.constant 0 : i32
      %dma_wait3A_63 = tpu.memref_slice %arg5[%arg0, %add3A_42, %dma_wait3A_62] : memref<2x10240x128xf32, #tpu.memory_space<hbm>> -> memref<1x128x128xf32, #tpu.memory_space<hbm>>
      %dma_wait3A_64 = tpu.memref_squeeze %dma_wait3A_63 : memref<1x128x128xf32, #tpu.memory_space<hbm>> -> memref<128x128xf32, #tpu.memory_space<hbm>>
      tpu.wait_dma2 semaphore(%run_scoped3A : memref<!tpu.dma_semaphore, #tpu.memory_space<semaphore_mem>>) src(%arg8 : memref<128x128xf32, #tpu.memory_space<vmem>>) dst(%dma_wait3A_64 : memref<128x128xf32, #tpu.memory_space<hbm>>)
      tpu.yield
    }) : () -> ()
    %mul3A_43 = arith.constant 640 : i32
    %mul3A_44 = arith.muli %arg1, %mul3A_43 : i32
    %add3A_45 = arith.constant 256 : i32
    %add3A_46 = arith.addi %mul3A_44, %add3A_45 : i32
    "tpu.region"() ({
      %run_scoped3A = tpu.sem_alloc : memref<!tpu.dma_semaphore, #tpu.memory_space<semaphore_mem>>
      %dma_start3A = arith.constant 0 : i32
      %dma_start3A_55 = tpu.memref_slice %arg9[%add3A_46, %dma_start3A] : memref<10240x128xf32, #tpu.memory_space<vmem_shared>> -> memref<128x128xf32, #tpu.memory_space<vmem_shared>>
      %dma_start3A_56 = arith.constant 0 : i32
      %dma_start3A_57 = tpu.memref_slice %arg9[%add3A_46, %dma_start3A_56] : memref<10240x128xf32, #tpu.memory_space<vmem_shared>> -> memref<128x128xf32, #tpu.memory_space<vmem_shared>>
      tpu.enqueue_dma source(%dma_start3A_57 : memref<128x128xf32, #tpu.memory_space<vmem_shared>>) target(%arg8 : memref<128x128xf32, #tpu.memory_space<vmem>>) target_semaphore(%run_scoped3A : memref<!tpu.dma_semaphore, #tpu.memory_space<semaphore_mem>>)
      %dma_wait3A = arith.constant 0 : i32
      %dma_wait3A_58 = tpu.memref_slice %arg9[%add3A_46, %dma_wait3A] : memref<10240x128xf32, #tpu.memory_space<vmem_shared>> -> memref<128x128xf32, #tpu.memory_space<vmem_shared>>
      %dma_wait3A_59 = arith.constant 0 : i32
      %dma_wait3A_60 = tpu.memref_slice %arg9[%add3A_46, %dma_wait3A_59] : memref<10240x128xf32, #tpu.memory_space<vmem_shared>> -> memref<128x128xf32, #tpu.memory_space<vmem_shared>>
      tpu.wait_dma2 semaphore(%run_scoped3A : memref<!tpu.dma_semaphore, #tpu.memory_space<semaphore_mem>>) src(%dma_wait3A_60 : memref<128x128xf32, #tpu.memory_space<vmem_shared>>) dst(%arg8 : memref<128x128xf32, #tpu.memory_space<vmem>>)
      tpu.yield
    }) : () -> ()
    "tpu.region"() ({
      %run_scoped3A = tpu.sem_alloc : memref<!tpu.dma_semaphore, #tpu.memory_space<semaphore_mem>>
      %dma_start3A = arith.constant 0 : i32
      %dma_start3A_55 = tpu.memref_slice %arg5[%arg0, %add3A_46, %dma_start3A] : memref<2x10240x128xf32, #tpu.memory_space<hbm>> -> memref<1x128x128xf32, #tpu.memory_space<hbm>>
      %dma_start3A_56 = tpu.memref_squeeze %dma_start3A_55 : memref<1x128x128xf32, #tpu.memory_space<hbm>> -> memref<128x128xf32, #tpu.memory_space<hbm>>
      %dma_start3A_57 = arith.constant 0 : i32
      %dma_start3A_58 = tpu.memref_slice %arg5[%arg0, %add3A_46, %dma_start3A_57] : memref<2x10240x128xf32, #tpu.memory_space<hbm>> -> memref<1x128x128xf32, #tpu.memory_space<hbm>>
      %dma_start3A_59 = tpu.memref_squeeze %dma_start3A_58 : memref<1x128x128xf32, #tpu.memory_space<hbm>> -> memref<128x128xf32, #tpu.memory_space<hbm>>
      tpu.enqueue_dma source(%arg8 : memref<128x128xf32, #tpu.memory_space<vmem>>) target(%dma_start3A_59 : memref<128x128xf32, #tpu.memory_space<hbm>>) target_semaphore(%run_scoped3A : memref<!tpu.dma_semaphore, #tpu.memory_space<semaphore_mem>>)
      %dma_wait3A = arith.constant 0 : i32
      %dma_wait3A_60 = tpu.memref_slice %arg5[%arg0, %add3A_46, %dma_wait3A] : memref<2x10240x128xf32, #tpu.memory_space<hbm>> -> memref<1x128x128xf32, #tpu.memory_space<hbm>>
      %dma_wait3A_61 = tpu.memref_squeeze %dma_wait3A_60 : memref<1x128x128xf32, #tpu.memory_space<hbm>> -> memref<128x128xf32, #tpu.memory_space<hbm>>
      %dma_wait3A_62 = arith.constant 0 : i32
      %dma_wait3A_63 = tpu.memref_slice %arg5[%arg0, %add3A_46, %dma_wait3A_62] : memref<2x10240x128xf32, #tpu.memory_space<hbm>> -> memref<1x128x128xf32, #tpu.memory_space<hbm>>
      %dma_wait3A_64 = tpu.memref_squeeze %dma_wait3A_63 : memref<1x128x128xf32, #tpu.memory_space<hbm>> -> memref<128x128xf32, #tpu.memory_space<hbm>>
      tpu.wait_dma2 semaphore(%run_scoped3A : memref<!tpu.dma_semaphore, #tpu.memory_space<semaphore_mem>>) src(%arg8 : memref<128x128xf32, #tpu.memory_space<vmem>>) dst(%dma_wait3A_64 : memref<128x128xf32, #tpu.memory_space<hbm>>)
      tpu.yield
    }) : () -> ()
    %mul3A_47 = arith.constant 640 : i32
    %mul3A_48 = arith.muli %arg1, %mul3A_47 : i32
    %add3A_49 = arith.constant 384 : i32
    %add3A_50 = arith.addi %mul3A_48, %add3A_49 : i32
    "tpu.region"() ({
      %run_scoped3A = tpu.sem_alloc : memref<!tpu.dma_semaphore, #tpu.memory_space<semaphore_mem>>
      %dma_start3A = arith.constant 0 : i32
      %dma_start3A_55 = tpu.memref_slice %arg9[%add3A_50, %dma_start3A] : memref<10240x128xf32, #tpu.memory_space<vmem_shared>> -> memref<128x128xf32, #tpu.memory_space<vmem_shared>>
      %dma_start3A_56 = arith.constant 0 : i32
      %dma_start3A_57 = tpu.memref_slice %arg9[%add3A_50, %dma_start3A_56] : memref<10240x128xf32, #tpu.memory_space<vmem_shared>> -> memref<128x128xf32, #tpu.memory_space<vmem_shared>>
      tpu.enqueue_dma source(%dma_start3A_57 : memref<128x128xf32, #tpu.memory_space<vmem_shared>>) target(%arg8 : memref<128x128xf32, #tpu.memory_space<vmem>>) target_semaphore(%run_scoped3A : memref<!tpu.dma_semaphore, #tpu.memory_space<semaphore_mem>>)
      %dma_wait3A = arith.constant 0 : i32
      %dma_wait3A_58 = tpu.memref_slice %arg9[%add3A_50, %dma_wait3A] : memref<10240x128xf32, #tpu.memory_space<vmem_shared>> -> memref<128x128xf32, #tpu.memory_space<vmem_shared>>
      %dma_wait3A_59 = arith.constant 0 : i32
      %dma_wait3A_60 = tpu.memref_slice %arg9[%add3A_50, %dma_wait3A_59] : memref<10240x128xf32, #tpu.memory_space<vmem_shared>> -> memref<128x128xf32, #tpu.memory_space<vmem_shared>>
      tpu.wait_dma2 semaphore(%run_scoped3A : memref<!tpu.dma_semaphore, #tpu.memory_space<semaphore_mem>>) src(%dma_wait3A_60 : memref<128x128xf32, #tpu.memory_space<vmem_shared>>) dst(%arg8 : memref<128x128xf32, #tpu.memory_space<vmem>>)
      tpu.yield
    }) : () -> ()
    "tpu.region"() ({
      %run_scoped3A = tpu.sem_alloc : memref<!tpu.dma_semaphore, #tpu.memory_space<semaphore_mem>>
      %dma_start3A = arith.constant 0 : i32
      %dma_start3A_55 = tpu.memref_slice %arg5[%arg0, %add3A_50, %dma_start3A] : memref<2x10240x128xf32, #tpu.memory_space<hbm>> -> memref<1x128x128xf32, #tpu.memory_space<hbm>>
      %dma_start3A_56 = tpu.memref_squeeze %dma_start3A_55 : memref<1x128x128xf32, #tpu.memory_space<hbm>> -> memref<128x128xf32, #tpu.memory_space<hbm>>
      %dma_start3A_57 = arith.constant 0 : i32
      %dma_start3A_58 = tpu.memref_slice %arg5[%arg0, %add3A_50, %dma_start3A_57] : memref<2x10240x128xf32, #tpu.memory_space<hbm>> -> memref<1x128x128xf32, #tpu.memory_space<hbm>>
      %dma_start3A_59 = tpu.memref_squeeze %dma_start3A_58 : memref<1x128x128xf32, #tpu.memory_space<hbm>> -> memref<128x128xf32, #tpu.memory_space<hbm>>
      tpu.enqueue_dma source(%arg8 : memref<128x128xf32, #tpu.memory_space<vmem>>) target(%dma_start3A_59 : memref<128x128xf32, #tpu.memory_space<hbm>>) target_semaphore(%run_scoped3A : memref<!tpu.dma_semaphore, #tpu.memory_space<semaphore_mem>>)
      %dma_wait3A = arith.constant 0 : i32
      %dma_wait3A_60 = tpu.memref_slice %arg5[%arg0, %add3A_50, %dma_wait3A] : memref<2x10240x128xf32, #tpu.memory_space<hbm>> -> memref<1x128x128xf32, #tpu.memory_space<hbm>>
      %dma_wait3A_61 = tpu.memref_squeeze %dma_wait3A_60 : memref<1x128x128xf32, #tpu.memory_space<hbm>> -> memref<128x128xf32, #tpu.memory_space<hbm>>
      %dma_wait3A_62 = arith.constant 0 : i32
      %dma_wait3A_63 = tpu.memref_slice %arg5[%arg0, %add3A_50, %dma_wait3A_62] : memref<2x10240x128xf32, #tpu.memory_space<hbm>> -> memref<1x128x128xf32, #tpu.memory_space<hbm>>
      %dma_wait3A_64 = tpu.memref_squeeze %dma_wait3A_63 : memref<1x128x128xf32, #tpu.memory_space<hbm>> -> memref<128x128xf32, #tpu.memory_space<hbm>>
      tpu.wait_dma2 semaphore(%run_scoped3A : memref<!tpu.dma_semaphore, #tpu.memory_space<semaphore_mem>>) src(%arg8 : memref<128x128xf32, #tpu.memory_space<vmem>>) dst(%dma_wait3A_64 : memref<128x128xf32, #tpu.memory_space<hbm>>)
      tpu.yield
    }) : () -> ()
    %mul3A_51 = arith.constant 640 : i32
    %mul3A_52 = arith.muli %arg1, %mul3A_51 : i32
    %add3A_53 = arith.constant 512 : i32
    %add3A_54 = arith.addi %mul3A_52, %add3A_53 : i32
    "tpu.region"() ({
      %run_scoped3A = tpu.sem_alloc : memref<!tpu.dma_semaphore, #tpu.memory_space<semaphore_mem>>
      %dma_start3A = arith.constant 0 : i32
      %dma_start3A_55 = tpu.memref_slice %arg9[%add3A_54, %dma_start3A] : memref<10240x128xf32, #tpu.memory_space<vmem_shared>> -> memref<128x128xf32, #tpu.memory_space<vmem_shared>>
      %dma_start3A_56 = arith.constant 0 : i32
      %dma_start3A_57 = tpu.memref_slice %arg9[%add3A_54, %dma_start3A_56] : memref<10240x128xf32, #tpu.memory_space<vmem_shared>> -> memref<128x128xf32, #tpu.memory_space<vmem_shared>>
      tpu.enqueue_dma source(%dma_start3A_57 : memref<128x128xf32, #tpu.memory_space<vmem_shared>>) target(%arg8 : memref<128x128xf32, #tpu.memory_space<vmem>>) target_semaphore(%run_scoped3A : memref<!tpu.dma_semaphore, #tpu.memory_space<semaphore_mem>>)
      %dma_wait3A = arith.constant 0 : i32
      %dma_wait3A_58 = tpu.memref_slice %arg9[%add3A_54, %dma_wait3A] : memref<10240x128xf32, #tpu.memory_space<vmem_shared>> -> memref<128x128xf32, #tpu.memory_space<vmem_shared>>
      %dma_wait3A_59 = arith.constant 0 : i32
      %dma_wait3A_60 = tpu.memref_slice %arg9[%add3A_54, %dma_wait3A_59] : memref<10240x128xf32, #tpu.memory_space<vmem_shared>> -> memref<128x128xf32, #tpu.memory_space<vmem_shared>>
      tpu.wait_dma2 semaphore(%run_scoped3A : memref<!tpu.dma_semaphore, #tpu.memory_space<semaphore_mem>>) src(%dma_wait3A_60 : memref<128x128xf32, #tpu.memory_space<vmem_shared>>) dst(%arg8 : memref<128x128xf32, #tpu.memory_space<vmem>>)
      tpu.yield
    }) : () -> ()
    "tpu.region"() ({
      %run_scoped3A = tpu.sem_alloc : memref<!tpu.dma_semaphore, #tpu.memory_space<semaphore_mem>>
      %dma_start3A = arith.constant 0 : i32
      %dma_start3A_55 = tpu.memref_slice %arg5[%arg0, %add3A_54, %dma_start3A] : memref<2x10240x128xf32, #tpu.memory_space<hbm>> -> memref<1x128x128xf32, #tpu.memory_space<hbm>>
      %dma_start3A_56 = tpu.memref_squeeze %dma_start3A_55 : memref<1x128x128xf32, #tpu.memory_space<hbm>> -> memref<128x128xf32, #tpu.memory_space<hbm>>
      %dma_start3A_57 = arith.constant 0 : i32
      %dma_start3A_58 = tpu.memref_slice %arg5[%arg0, %add3A_54, %dma_start3A_57] : memref<2x10240x128xf32, #tpu.memory_space<hbm>> -> memref<1x128x128xf32, #tpu.memory_space<hbm>>
      %dma_start3A_59 = tpu.memref_squeeze %dma_start3A_58 : memref<1x128x128xf32, #tpu.memory_space<hbm>> -> memref<128x128xf32, #tpu.memory_space<hbm>>
      tpu.enqueue_dma source(%arg8 : memref<128x128xf32, #tpu.memory_space<vmem>>) target(%dma_start3A_59 : memref<128x128xf32, #tpu.memory_space<hbm>>) target_semaphore(%run_scoped3A : memref<!tpu.dma_semaphore, #tpu.memory_space<semaphore_mem>>)
      %dma_wait3A = arith.constant 0 : i32
      %dma_wait3A_60 = tpu.memref_slice %arg5[%arg0, %add3A_54, %dma_wait3A] : memref<2x10240x128xf32, #tpu.memory_space<hbm>> -> memref<1x128x128xf32, #tpu.memory_space<hbm>>
      %dma_wait3A_61 = tpu.memref_squeeze %dma_wait3A_60 : memref<1x128x128xf32, #tpu.memory_space<hbm>> -> memref<128x128xf32, #tpu.memory_space<hbm>>
      %dma_wait3A_62 = arith.constant 0 : i32
      %dma_wait3A_63 = tpu.memref_slice %arg5[%arg0, %add3A_54, %dma_wait3A_62] : memref<2x10240x128xf32, #tpu.memory_space<hbm>> -> memref<1x128x128xf32, #tpu.memory_space<hbm>>
      %dma_wait3A_64 = tpu.memref_squeeze %dma_wait3A_63 : memref<1x128x128xf32, #tpu.memory_space<hbm>> -> memref<128x128xf32, #tpu.memory_space<hbm>>
      tpu.wait_dma2 semaphore(%run_scoped3A : memref<!tpu.dma_semaphore, #tpu.memory_space<semaphore_mem>>) src(%arg8 : memref<128x128xf32, #tpu.memory_space<vmem>>) dst(%dma_wait3A_64 : memref<128x128xf32, #tpu.memory_space<hbm>>)
      tpu.yield
    }) : () -> ()
    return
  }
}

module attributes {stable_mosaic.version = 14 : i64} {
  func.func @_dense_body(%arg0: i32, %arg1: memref<1xf32, #tpu.memory_space<smem>>, %arg2: memref<1000x128xf32, #tpu.memory_space<vmem>>, %arg3: memref<2x1000x128xf32, #tpu.memory_space<vmem>>, %arg4: memref<128x128xf32, #tpu.memory_space<vmem>>, %arg5: memref<1x128xf32, #tpu.memory_space<vmem>>, %arg6: memref<1000x128xf32, #tpu.memory_space<vmem>>) attributes {dimension_semantics = [#tpu.dimension_semantics<arbitrary>], iteration_bounds = array<i64: 10>, scalar_prefetch = 0 : i64, scratch_operands = 0 : i64, tpu.core_type = #tpu.core_type<tc>, window_params = [{transform_indices = @transform_0, window_bounds = array<i64: 1>}, {transform_indices = @transform_1, window_bounds = array<i64: 1000, 128>}, {transform_indices = @transform_2, window_bounds = array<i64: 2, 1000, 128>}, {pipeline_mode = #tpu.pipeline_mode<synchronous>, transform_indices = @transform_3, window_bounds = array<i64: 128, 128>}, {pipeline_mode = #tpu.pipeline_mode<synchronous>, transform_indices = @transform_4, window_bounds = array<i64: 1, 128>}, {transform_indices = @transform_5, window_bounds = array<i64: 1000, 128>}]} {
    %get3A = arith.constant 0 : index
    %get3A_0 = memref.load %arg1[%get3A] : memref<1xf32, #tpu.memory_space<smem>>
    %get3A_1 = arith.constant 0 : index
    %get3A_2 = arith.constant 0 : index
    %get3A_3 = vector.load %arg2[%get3A_1, %get3A_2] : memref<1000x128xf32, #tpu.memory_space<vmem>>, vector<1000x128xf32>
    %mul3A = vector.broadcast %get3A_0 : f32 to vector<1000x128xf32>
    %mul3A_4 = arith.mulf %mul3A, %get3A_3 : vector<1000x128xf32>
    %get3A_5 = arith.constant 0 : index
    %get3A_6 = arith.constant 0 : index
    %get3A_7 = arith.constant 0 : index
    %get3A_8 = vector.load %arg3[%get3A_5, %get3A_6, %get3A_7] : memref<2x1000x128xf32, #tpu.memory_space<vmem>>, vector<2x1000x128xf32>
    %reduce_sum3A = arith.constant dense<0.000000e+00> : vector<1000x128xf32>
    %reduce_sum3A_9 = vector.multi_reduction <add>, %get3A_8, %reduce_sum3A [0] : vector<2x1000x128xf32> to vector<1000x128xf32>
    %add3A = arith.addf %mul3A_4, %reduce_sum3A_9 : vector<1000x128xf32>
    %get3A_10 = arith.constant 0 : index
    %get3A_11 = arith.constant 0 : index
    %get3A_12 = vector.load %arg4[%get3A_10, %get3A_11] : memref<128x128xf32, #tpu.memory_space<vmem>>, vector<128x128xf32>
    %dot_general3A = arith.constant dense<0.000000e+00> : vector<1000x128xf32>
    %dot_general3A_13 = tpu.matmul %add3A, %get3A_12, %dot_general3A {dimension_numbers = #tpu.dot_dimension_numbers<[1], [0], [0], [1], [0, 0, 1, 1], [], []>, transpose_lhs_hint = false} : vector<1000x128xf32>, vector<128x128xf32>, vector<1000x128xf32> -> vector<1000x128xf32>
    %get3A_14 = arith.constant 0 : index
    %get3A_15 = arith.constant 0 : index
    %get3A_16 = vector.load %arg5[%get3A_14, %get3A_15] : memref<1x128xf32, #tpu.memory_space<vmem>>, vector<1x128xf32>
    %add3A_17 = vector.broadcast %get3A_16 : vector<1x128xf32> to vector<1000x128xf32>
    %add3A_18 = arith.addf %dot_general3A_13, %add3A_17 : vector<1000x128xf32>
    %max3A = arith.constant 0.000000e+00 : f32
    %max3A_19 = vector.broadcast %max3A : f32 to vector<1000x128xf32>
    %max3A_20 = arith.maximumf %add3A_18, %max3A_19 : vector<1000x128xf32>
    %swap3A = arith.constant 0 : index
    %swap3A_21 = arith.constant 0 : index
    %swap3A_22 = vector.load %arg6[%swap3A, %swap3A_21] : memref<1000x128xf32, #tpu.memory_space<vmem>>, vector<1000x128xf32>
    tpu.vector_store %arg6[%swap3A, %swap3A_21], %max3A_20 {strides = array<i32>} : memref<1000x128xf32, #tpu.memory_space<vmem>>, vector<1000x128xf32>,
    return
  }
  func.func @transform_0(%arg0: i32) -> i32 {
    %c0_i32 = arith.constant 0 : i32
    %c0_i32_0 = arith.constant 0 : i32
    return %c0_i32 : i32
  }
  func.func @transform_1(%arg0: i32) -> (i32, i32) {
    %c0_i32 = arith.constant 0 : i32
    %c0_i32_0 = arith.constant 0 : i32
    return %arg0, %c0_i32 : i32, i32
  }
  func.func @transform_2(%arg0: i32) -> (i32, i32, i32) {
    %c0_i32 = arith.constant 0 : i32
    %c0_i32_0 = arith.constant 0 : i32
    %c0_i32_1 = arith.constant 0 : i32
    return %c0_i32, %arg0, %c0_i32_0 : i32, i32, i32
  }
  func.func @transform_3(%arg0: i32) -> (i32, i32) {
    %c0_i32 = arith.constant 0 : i32
    %c0_i32_0 = arith.constant 0 : i32
    %c0_i32_1 = arith.constant 0 : i32
    return %c0_i32, %c0_i32_0 : i32, i32
  }
  func.func @transform_4(%arg0: i32) -> (i32, i32) {
    %c0_i32 = arith.constant 0 : i32
    %c0_i32_0 = arith.constant 0 : i32
    %c0_i32_1 = arith.constant 0 : i32
    return %c0_i32, %c0_i32_0 : i32, i32
  }
  func.func @transform_5(%arg0: i32) -> (i32, i32) {
    %c0_i32 = arith.constant 0 : i32
    %c0_i32_0 = arith.constant 0 : i32
    return %arg0, %c0_i32 : i32, i32
  }
}

module attributes {stable_mosaic.version = 14 : i64} {
  func.func @_final_body(%arg0: i32, %arg1: memref<1xf32, #tpu.memory_space<smem>>, %arg2: memref<1000x128xf32, #tpu.memory_space<vmem>>, %arg3: memref<2x1000x128xf32, #tpu.memory_space<vmem>>, %arg4: memref<128x128xf32, #tpu.memory_space<vmem>>, %arg5: memref<1x128xf32, #tpu.memory_space<vmem>>, %arg6: memref<128x128xf32, #tpu.memory_space<vmem>>, %arg7: memref<1x128xf32, #tpu.memory_space<vmem>>, %arg8: memref<128x128xf32, #tpu.memory_space<vmem>>, %arg9: memref<1x128xf32, #tpu.memory_space<vmem>>, %arg10: memref<1x128xf32, #tpu.memory_space<vmem>>, %arg11: memref<1x128xf32, #tpu.memory_space<vmem>>) attributes {dimension_semantics = [#tpu.dimension_semantics<arbitrary>], iteration_bounds = array<i64: 10>, scalar_prefetch = 0 : i64, scratch_operands = 1 : i64, tpu.core_type = #tpu.core_type<tc>, window_params = [{transform_indices = @transform_0, window_bounds = array<i64: 1>}, {transform_indices = @transform_1, window_bounds = array<i64: 1000, 128>}, {transform_indices = @transform_2, window_bounds = array<i64: 2, 1000, 128>}, {pipeline_mode = #tpu.pipeline_mode<synchronous>, transform_indices = @transform_3, window_bounds = array<i64: 128, 128>}, {pipeline_mode = #tpu.pipeline_mode<synchronous>, transform_indices = @transform_4, window_bounds = array<i64: 1, 128>}, {pipeline_mode = #tpu.pipeline_mode<synchronous>, transform_indices = @transform_5, window_bounds = array<i64: 128, 128>}, {pipeline_mode = #tpu.pipeline_mode<synchronous>, transform_indices = @transform_6, window_bounds = array<i64: 1, 128>}, {pipeline_mode = #tpu.pipeline_mode<synchronous>, transform_indices = @transform_7, window_bounds = array<i64: 128, 128>}, {pipeline_mode = #tpu.pipeline_mode<synchronous>, transform_indices = @transform_8, window_bounds = array<i64: 1, 128>}, {pipeline_mode = #tpu.pipeline_mode<synchronous>, transform_indices = @transform_9, window_bounds = array<i64: 1, 128>}]} {
    %eq3A = arith.constant 0 : i32
    %eq3A_0 = arith.cmpi eq, %arg0, %eq3A : i32
    %convert_element_type3A = arith.extui %eq3A_0 : i1 to i32
    %cond3A = arith.constant 0 : i32
    %cond3A_1 = arith.cmpi ne, %convert_element_type3A, %cond3A : i32
    scf.if %cond3A_1 {
      %broadcast_in_dim3A_36 = arith.constant 0.000000e+00 : f32
      %broadcast_in_dim3A_37 = vector.broadcast %broadcast_in_dim3A_36 : f32 to vector<1x128xf32>
      %swap3A_38 = arith.constant 0 : index
      %swap3A_39 = arith.constant 0 : index
      %swap3A_40 = vector.load %arg11[%swap3A_38, %swap3A_39] : memref<1x128xf32, #tpu.memory_space<vmem>>, vector<1x128xf32>
      tpu.vector_store %arg11[%swap3A_38, %swap3A_39], %broadcast_in_dim3A_37 {strides = array<i32>} : memref<1x128xf32, #tpu.memory_space<vmem>>, vector<1x128xf32>,
    } else {
    }
    %get3A = arith.constant 0 : index
    %get3A_2 = memref.load %arg1[%get3A] : memref<1xf32, #tpu.memory_space<smem>>
    %get3A_3 = arith.constant 0 : index
    %get3A_4 = arith.constant 0 : index
    %get3A_5 = vector.load %arg2[%get3A_3, %get3A_4] : memref<1000x128xf32, #tpu.memory_space<vmem>>, vector<1000x128xf32>
    %mul3A = vector.broadcast %get3A_2 : f32 to vector<1000x128xf32>
    %mul3A_6 = arith.mulf %mul3A, %get3A_5 : vector<1000x128xf32>
    %get3A_7 = arith.constant 0 : index
    %get3A_8 = arith.constant 0 : index
    %get3A_9 = arith.constant 0 : index
    %get3A_10 = vector.load %arg3[%get3A_7, %get3A_8, %get3A_9] : memref<2x1000x128xf32, #tpu.memory_space<vmem>>, vector<2x1000x128xf32>
    %reduce_sum3A = arith.constant dense<0.000000e+00> : vector<1000x128xf32>
    %reduce_sum3A_11 = vector.multi_reduction <add>, %get3A_10, %reduce_sum3A [0] : vector<2x1000x128xf32> to vector<1000x128xf32>
    %add3A = arith.addf %mul3A_6, %reduce_sum3A_11 : vector<1000x128xf32>
    %get3A_12 = arith.constant 0 : index
    %get3A_13 = arith.constant 0 : index
    %get3A_14 = vector.load %arg4[%get3A_12, %get3A_13] : memref<128x128xf32, #tpu.memory_space<vmem>>, vector<128x128xf32>
    %dot_general3A = arith.constant dense<0.000000e+00> : vector<1000x128xf32>
    %dot_general3A_15 = tpu.matmul %add3A, %get3A_14, %dot_general3A {dimension_numbers = #tpu.dot_dimension_numbers<[1], [0], [0], [1], [0, 0, 1, 1], [], []>, transpose_lhs_hint = false} : vector<1000x128xf32>, vector<128x128xf32>, vector<1000x128xf32> -> vector<1000x128xf32>
    %get3A_16 = arith.constant 0 : index
    %get3A_17 = arith.constant 0 : index
    %get3A_18 = vector.load %arg5[%get3A_16, %get3A_17] : memref<1x128xf32, #tpu.memory_space<vmem>>, vector<1x128xf32>
    %add3A_19 = vector.broadcast %get3A_18 : vector<1x128xf32> to vector<1000x128xf32>
    %add3A_20 = arith.addf %dot_general3A_15, %add3A_19 : vector<1000x128xf32>
    %max3A = arith.constant 0.000000e+00 : f32
    %max3A_21 = vector.broadcast %max3A : f32 to vector<1000x128xf32>
    %max3A_22 = arith.maximumf %add3A_20, %max3A_21 : vector<1000x128xf32>
    %get3A_23 = arith.constant 0 : index
    %get3A_24 = arith.constant 0 : index
    %get3A_25 = vector.load %arg11[%get3A_23, %get3A_24] : memref<1x128xf32, #tpu.memory_space<vmem>>, vector<1x128xf32>
    %reduce_sum3A_26 = arith.constant dense<0.000000e+00> : vector<128xf32>
    %reduce_sum3A_27 = vector.multi_reduction <add>, %max3A_22, %reduce_sum3A_26 [0] : vector<1000x128xf32> to vector<128xf32>
    %broadcast_in_dim3A = vector.shape_cast %reduce_sum3A_27 : vector<128xf32> to vector<1x128xf32>
    %add3A_28 = arith.addf %get3A_25, %broadcast_in_dim3A : vector<1x128xf32>
    %swap3A = arith.constant 0 : index
    %swap3A_29 = arith.constant 0 : index
    %swap3A_30 = vector.load %arg11[%swap3A, %swap3A_29] : memref<1x128xf32, #tpu.memory_space<vmem>>, vector<1x128xf32>
    tpu.vector_store %arg11[%swap3A, %swap3A_29], %add3A_28 {strides = array<i32>} : memref<1x128xf32, #tpu.memory_space<vmem>>, vector<1x128xf32>,
    %eq3A_31 = arith.constant 9 : i32
    %eq3A_32 = arith.cmpi eq, %arg0, %eq3A_31 : i32
    %convert_element_type3A_33 = arith.extui %eq3A_32 : i1 to i32
    %cond3A_34 = arith.constant 0 : i32
    %cond3A_35 = arith.cmpi ne, %convert_element_type3A_33, %cond3A_34 : i32
    scf.if %cond3A_35 {
      %get3A_36 = arith.constant 0 : index
      %get3A_37 = arith.constant 0 : index
      %get3A_38 = vector.load %arg11[%get3A_36, %get3A_37] : memref<1x128xf32, #tpu.memory_space<vmem>>, vector<1x128xf32>
      %get3A_39 = arith.constant 0 : index
      %get3A_40 = arith.constant 0 : index
      %get3A_41 = vector.load %arg6[%get3A_39, %get3A_40] : memref<128x128xf32, #tpu.memory_space<vmem>>, vector<128x128xf32>
      %dot_general3A_42 = arith.constant dense<0.000000e+00> : vector<1x128xf32>
      %dot_general3A_43 = tpu.matmul %get3A_38, %get3A_41, %dot_general3A_42 {dimension_numbers = #tpu.dot_dimension_numbers<[1], [0], [0], [1], [0, 0, 1, 1], [], []>, transpose_lhs_hint = false} : vector<1x128xf32>, vector<128x128xf32>, vector<1x128xf32> -> vector<1x128xf32>
      %get3A_44 = arith.constant 0 : index
      %get3A_45 = arith.constant 0 : index
      %get3A_46 = vector.load %arg7[%get3A_44, %get3A_45] : memref<1x128xf32, #tpu.memory_space<vmem>>, vector<1x128xf32>
      %add3A_47 = arith.addf %dot_general3A_43, %get3A_46 : vector<1x128xf32>
      %max3A_48 = arith.constant 0.000000e+00 : f32
      %max3A_49 = vector.broadcast %max3A_48 : f32 to vector<1x128xf32>
      %max3A_50 = arith.maximumf %add3A_47, %max3A_49 : vector<1x128xf32>
      %get3A_51 = arith.constant 0 : index
      %get3A_52 = arith.constant 0 : index
      %get3A_53 = vector.load %arg8[%get3A_51, %get3A_52] : memref<128x128xf32, #tpu.memory_space<vmem>>, vector<128x128xf32>
      %dot_general3A_54 = arith.constant dense<0.000000e+00> : vector<1x128xf32>
      %dot_general3A_55 = tpu.matmul %max3A_50, %get3A_53, %dot_general3A_54 {dimension_numbers = #tpu.dot_dimension_numbers<[1], [0], [0], [1], [0, 0, 1, 1], [], []>, transpose_lhs_hint = false} : vector<1x128xf32>, vector<128x128xf32>, vector<1x128xf32> -> vector<1x128xf32>
      %get3A_56 = arith.constant 0 : index
      %get3A_57 = arith.constant 0 : index
      %get3A_58 = vector.load %arg9[%get3A_56, %get3A_57] : memref<1x128xf32, #tpu.memory_space<vmem>>, vector<1x128xf32>
      %add3A_59 = arith.addf %dot_general3A_55, %get3A_58 : vector<1x128xf32>
      %reduce_max3A = arith.constant dense<0xFF800000> : vector<1xf32>
      %reduce_max3A_60 = vector.multi_reduction <maximumf>, %add3A_59, %reduce_max3A [1] : vector<1x128xf32> to vector<1xf32>
      %broadcast_in_dim3A_61 = vector.shape_cast %reduce_max3A_60 : vector<1xf32> to vector<1x1xf32>
      %sub3A = vector.broadcast %broadcast_in_dim3A_61 : vector<1x1xf32> to vector<1x128xf32>
      %sub3A_62 = arith.subf %add3A_59, %sub3A : vector<1x128xf32>
      %exp3A = math.exp %sub3A_62 : vector<1x128xf32>
      %reduce_sum3A_63 = arith.constant dense<0.000000e+00> : vector<1xf32>
      %reduce_sum3A_64 = vector.multi_reduction <add>, %exp3A, %reduce_sum3A_63 [1] : vector<1x128xf32> to vector<1xf32>
      %broadcast_in_dim3A_65 = vector.shape_cast %reduce_sum3A_64 : vector<1xf32> to vector<1x1xf32>
      %div3A = vector.broadcast %broadcast_in_dim3A_65 : vector<1x1xf32> to vector<1x128xf32>
      %div3A_66 = arith.divf %exp3A, %div3A : vector<1x128xf32>
      %swap3A_67 = arith.constant 0 : index
      %swap3A_68 = arith.constant 0 : index
      %swap3A_69 = vector.load %arg10[%swap3A_67, %swap3A_68] : memref<1x128xf32, #tpu.memory_space<vmem>>, vector<1x128xf32>
      tpu.vector_store %arg10[%swap3A_67, %swap3A_68], %div3A_66 {strides = array<i32>} : memref<1x128xf32, #tpu.memory_space<vmem>>, vector<1x128xf32>,
    } else {
    }
    return
  }
  func.func @transform_0(%arg0: i32) -> i32 {
    %c0_i32 = arith.constant 0 : i32
    %c0_i32_0 = arith.constant 0 : i32
    return %c0_i32 : i32
  }
  func.func @transform_1(%arg0: i32) -> (i32, i32) {
    %c0_i32 = arith.constant 0 : i32
    %c0_i32_0 = arith.constant 0 : i32
    return %arg0, %c0_i32 : i32, i32
  }
  func.func @transform_2(%arg0: i32) -> (i32, i32, i32) {
    %c0_i32 = arith.constant 0 : i32
    %c0_i32_0 = arith.constant 0 : i32
    %c0_i32_1 = arith.constant 0 : i32
    return %c0_i32, %arg0, %c0_i32_0 : i32, i32, i32
  }
  func.func @transform_3(%arg0: i32) -> (i32, i32) {
    %c0_i32 = arith.constant 0 : i32
    %c0_i32_0 = arith.constant 0 : i32
    %c0_i32_1 = arith.constant 0 : i32
    return %c0_i32, %c0_i32_0 : i32, i32
  }
  func.func @transform_4(%arg0: i32) -> (i32, i32) {
    %c0_i32 = arith.constant 0 : i32
    %c0_i32_0 = arith.constant 0 : i32
    %c0_i32_1 = arith.constant 0 : i32
    return %c0_i32, %c0_i32_0 : i32, i32
  }
  func.func @transform_5(%arg0: i32) -> (i32, i32) {
    %c0_i32 = arith.constant 0 : i32
    %c0_i32_0 = arith.constant 0 : i32
    %c0_i32_1 = arith.constant 0 : i32
    return %c0_i32, %c0_i32_0 : i32, i32
  }
  func.func @transform_6(%arg0: i32) -> (i32, i32) {
    %c0_i32 = arith.constant 0 : i32
    %c0_i32_0 = arith.constant 0 : i32
    %c0_i32_1 = arith.constant 0 : i32
    return %c0_i32, %c0_i32_0 : i32, i32
  }
  func.func @transform_7(%arg0: i32) -> (i32, i32) {
    %c0_i32 = arith.constant 0 : i32
    %c0_i32_0 = arith.constant 0 : i32
    %c0_i32_1 = arith.constant 0 : i32
    return %c0_i32, %c0_i32_0 : i32, i32
  }
  func.func @transform_8(%arg0: i32) -> (i32, i32) {
    %c0_i32 = arith.constant 0 : i32
    %c0_i32_0 = arith.constant 0 : i32
    %c0_i32_1 = arith.constant 0 : i32
    return %c0_i32, %c0_i32_0 : i32, i32
  }
  func.func @transform_9(%arg0: i32) -> (i32, i32) {
    %c0_i32 = arith.constant 0 : i32
    %c0_i32_0 = arith.constant 0 : i32
    %c0_i32_1 = arith.constant 0 : i32
    return %c0_i32, %c0_i32_0 : i32, i32
  }
}

</mosaic_0001>

<sc_bundles>
// kernel: kernel.11.cloned.1.call-start
scs
__scs_entry_jumppad:
0x0: {  	(pc) =	sbr.rel $0x88, $3  }
0x1: {  	(tag) =	ssettag $0x0;
	lr =	simm.s32 $0x1  }
0x2: {  	[smem:$0x3F94] =	sst lr;
	_ =	strace $0xD0000000  }
0x3: {  	_ = 	snop  }
0x4: {  	_ = 	snop  }
0x5: {  	_ = 	snop  }
0x6: {  	_ = 	snop  }
0x7: {  	_ = 	snop  }
__scs_overlays_trampoline_lowered:
0x8: {  	[smem:$0x3FA3] =	sst s0  }
0x9: {  	[smem:$0x3FA4] =	sst s1  }
0xa: {  	[smem:$0x3FA5] =	sst s2  }
0xb: {  	[smem:$0x3FA6] =	sst s3  }
0xc: {  	[smem:$0x3FA7] =	sst s4  }
0xd: {  	[smem:$0x3FA8] =	sst s5  }
0xe: {  	[smem:$0x3FA9] =	sst s6  }
0xf: {  	[smem:$0x3FAA] =	sst s7  }
0x10: {  	[smem:$0x3FAB] =	sst s8  }
0x11: {  	[smem:$0x3FAC] =	sst s9;
	s0 =	simm.s32 @!p0 $0x0  }
0x12: {  	s1 =	sld [smem:$0x3F92];
	s0 =	simm.s32 @p0 $0x1  }
0x13: {  	[smem:$0x3FAD] =	sst s0;
	s0 =	simm.s32 @!p1 $0x0  }
0x14: {  	s2 =	sld [smem:$0x3F91];
	s0 =	simm.s32 @p1 $0x1  }
0x15: {  	[smem:$0x3FAE] =	sst s0;
	s0 =	simm.s32 @!p2 $0x0  }
0x16: {  	s3 =	sld [smem:$0x3FDB];
	s0 =	simm.s32 @p2 $0x1  }
0x17: {  	s4 =	simm.s32 $0x1BF5;
	[smem:$0x3FB0] =	sst s0  }
0x18: {  	s0 =	sld [smem:$0x3F93];
	_ =	swait.ge [sflag:s4], $0x0  }
0x19: {  	s7 =	sld [smem:$0x3F94]  }
0x1a: {  	s8 =	sadd.s32 $0xFFFFE003, lr  }
0x1b: {  	s9 =	sadd.s32 $0xFFFFFEF7, lr;
	s5 =	simm.s32 $0xFFFFFFFF;
	p2 =	slt.u32 s8, $0xFFFFF086  }
0x1c: {  	p1 =	slt.u32 s9, $0xF7A;
	s5 =	simm.s32 @!p2 $0x0  }
0x1d: {  	s5 =	simm.s32 @p1 $0x1;
	p0 =	seq.s32 s7, s2  }
0x1e: {  	s7 =	smul.u32 @!p0 $0xF7A, s2;
	p2 =	seq.s32 @!p0 s5, $0x0  }
0x1f: {  	s9 =	smul.u32 $0xF7A, s1;
	s8 =	simm.s32 @!p0 $0x1BF5;
	p2 =	por !p2, p0  }
0x20: {  	[sflag:s8] =	ssyncset.s32 @!p0 $0xFFFFF086;
	s6 =	sadd.s32 @!p0 s3, s7;
	s7 =	simm.s32 @!p0 $0x108  }
0x21: {  	s3 =	sadd.s32 s3, s9;
	s6 =	sadd.s32 @!p0 $0x88, s6;
	s7 =	simm.s32 @p2 $0x1082  }
0x22: {  	[simem:s7], [sflag:s8] =	dma.local @!p0 [hbm:s6], $0xF7A  }
0x23: {  	s9 =	sor.u32 $0xD0000000, s2;
	s6 =	simm.s32 $0x108;
	_ =	swait.ge @!p0 [sflag:s8], $0x0  }
0x24: {  	s3 =	sadd.s32 $0x88, s3;
	s6 =	simm.s32 @!p1 $0x1082;
	[sflag:s4] =	ssyncset.s32 $0xFFFFF086  }
0x25: {  	[simem:s6], [sflag:s4] =	dma.local [hbm:s3], $0xF7A  }
0x26: {  	[smem:$0x3F94] =	sst s1;
	(tag) =	ssettag s2;
	_ =	strace s9  }
0x27: {  	s1 =	sld [smem:$0x3FA4]  }
0x28: {  	s2 =	sld [smem:$0x3FA5]  }
0x29: {  	s4 =	sld [smem:$0x3FA7]  }
0x2a: {  	p0 =	seq.s32 s5, $0x0;
	s5 =	sld [smem:$0x3FA8]  }
0x2b: {  	s6 =	sld [smem:$0x3FA9]  }
0x2c: {  	s7 =	sld [smem:$0x3FAA]  }
0x2d: {  	s3 =	simm.s32 $0x108;
	s8 =	sld [smem:$0x3FAB]  }
0x2e: {  	s3 =	simm.s32 @!p0 $0x1082;
	s9 =	sld [smem:$0x3FAC]  }
0x2f: {  	lr =	sadd.s32 s0, s3;
	s0 =	sld [smem:$0x3FA3]  }
0x30: {  	s3 =	sld [smem:$0x3FA6]  }
0x31: {  	[smem:$0x3FAF] =	sst s10  }
0x32: {  	s10 =	sld [smem:$0x3FAD];
	_ =	sdelay $0x3  }
0x33: {  	p0 =	seq.s32 s10, $0x1;
	s10 =	sld [smem:$0x3FAF];
	_ =	sdelay $0x3  }
0x34: {  	[smem:$0x3FAF] =	sst s10  }
0x35: {  	s10 =	sld [smem:$0x3FAE];
	_ =	sdelay $0x3  }
0x36: {  	p1 =	seq.s32 s10, $0x1;
	s10 =	sld [smem:$0x3FAF];
	_ =	sdelay $0x3  }
0x37: {  	[smem:$0x3FAF] =	sst s10  }
0x38: {  	s10 =	sld [smem:$0x3FB0]  }
0x39: {  	_ = 	snop;
	(pc) =	sbr.ind lr, $3  }
0x3a: {  	_ = 	snop  }
0x3b: {  	_ = 	snop  }
0x3c: {  	p2 =	seq.s32 s10, $0x1;
	s10 =	sld [smem:$0x3FAF]  }
0x3d: {  	_ =	shalt  }
0x3e: {  	_ =	shalt  }
0x3f: {  	_ =	shalt  }
0x40: {  	_ =	shalt  }
0x41: {  	_ =	shalt  }
0x42: {  	_ =	shalt  }
0x43: {  	_ =	shalt  }
0x44: {  	_ =	shalt  }
0x45: {  	_ =	shalt  }
0x46: {  	_ =	shalt  }
0x47: {  	_ =	shalt  }
0x48: {  	_ =	shalt  }
0x49: {  	_ =	shalt  }
0x4a: {  	_ =	shalt  }
0x4b: {  	_ =	shalt  }
0x4c: {  	_ =	shalt  }
0x4d: {  	_ =	shalt  }
0x4e: {  	_ =	shalt  }
0x4f: {  	_ =	shalt  }
0x50: {  	_ =	shalt  }
0x51: {  	_ =	shalt  }
0x52: {  	_ =	shalt  }
0x53: {  	_ =	shalt  }
0x54: {  	_ =	shalt  }
0x55: {  	_ =	shalt  }
0x56: {  	_ =	shalt  }
0x57: {  	_ =	shalt  }
0x58: {  	_ =	shalt  }
0x59: {  	_ =	shalt  }
0x5a: {  	_ =	shalt  }
0x5b: {  	_ =	shalt  }
0x5c: {  	_ =	shalt  }
0x5d: {  	_ =	shalt  }
0x5e: {  	_ =	shalt  }
0x5f: {  	_ =	shalt  }
0x60: {  	_ =	shalt  }
0x61: {  	_ =	shalt  }
0x62: {  	_ =	shalt  }
0x63: {  	_ =	shalt  }
0x64: {  	_ =	shalt  }
0x65: {  	_ =	shalt  }
0x66: {  	_ =	shalt  }
0x67: {  	_ =	shalt  }
0x68: {  	_ =	shalt  }
0x69: {  	_ =	shalt  }
0x6a: {  	_ =	shalt  }
0x6b: {  	_ =	shalt  }
0x6c: {  	_ =	shalt  }
0x6d: {  	_ =	shalt  }
0x6e: {  	_ =	shalt  }
0x6f: {  	_ =	shalt  }
0x70: {  	_ =	shalt  }
0x71: {  	_ =	shalt  }
0x72: {  	_ =	shalt  }
0x73: {  	_ =	shalt  }
0x74: {  	_ =	shalt  }
0x75: {  	_ =	shalt  }
0x76: {  	_ =	shalt  }
0x77: {  	_ =	shalt  }
0x78: {  	_ =	shalt  }
0x79: {  	_ =	shalt  }
0x7a: {  	_ =	shalt  }
0x7b: {  	_ =	shalt  }
0x7c: {  	_ =	shalt  }
0x7d: {  	_ =	shalt  }
0x7e: {  	_ =	shalt  }
0x7f: {  	_ =	shalt  }
0x80: {  	_ =	shalt  }
0x81: {  	_ =	shalt  }
0x82: {  	_ =	shalt  }
0x83: {  	_ =	shalt  }
0x84: {  	_ =	shalt  }
0x85: {  	_ =	shalt  }
0x86: {  	_ =	shalt  }
0x87: {  	_ =	shalt  }
.Lfunc_end0:
.L_simem_size_0:
called_computation.1_lowered:
.L_overlay_start_0:
0x88: {  	s2 =	sld [smem:$0x3FD9]  }
0x89: {  	s3 =	sld [smem:$0x3FFE];
	_ =	sdelay $0x1  }
0x8a: {  	s1 =	srdreg.scid  }
0x8b: {  	s0 =	sand.u32 $0x1, s1  }
0x8c: {  	s16 =	sshll.u32 s0, $0xA;
	s2 =	sadd.s32 s3, s2  }
0x8d: {  	s2 =	sadd.s32 s2, s16  }
0x8e: {  	[smem:$0x3FBB] =	sst s2  }
0x8f: {  	_ = 	snop  }
0x90: {  	(tm) =	ssettm $0x1  }
0x91: {  	s17 =	sld [smem:$0x3FFB];
	_ =	sdelay $0x3  }
0x92: {  	_ =	strace s17  }
0x93: {  	s2 =	sld [smem:$0x3FFC];
	_ =	sdelay $0x3  }
0x94: {  	_ =	strace s2  }
0x95: {  	s2 =	sld [smem:$0x3FFD];
	_ =	sdelay $0x3  }
0x96: {  	_ =	strace s2  }
0x97: {  	_ =	strace $0x8FFFFFFF  }
0x98: {  	s18 =	sld [smem:$0x3FDB];
	_ =	sdelay $0x1  }
0x99: {  	s19 =	simm.s32 $_scs_section_size  }
0x9a: {  	s4 =	simm.s32 $_size__tile_overlayer_lowered;
	s5 =	simm.s32 $_tile_overlayer_lowered  }
0x9b: {  	s22 =	simm.s32 $0x1BFF;
	s21 =	sshll.u32 s5, $0x1;
	s2 =	sadd.s32 s19, s18  }
0x9c: {  	s6 =	simm.s32 $0x0;
	s20 =	sshll.u32 s4, $0x1;
	s4 =	sadd.s32 s21, s2  }
0x9d: {  	[timem:s6], [sflag:s22] =	dma.local [hbm:s4], s20  }
0x9e: {  	_ =	swait.ge [sflag:s22], s20  }
0x9f: {  	s3 =	ssub.s32 $0x0, s20;
	[sflag:s22] =	ssyncset.done $0x0  }
0xa0: {  	[sflag:s22] =	ssyncadd.s32 s3;
	_ =	sdelay $0x1  }
0xa1: {  	s23 =	simm.s32 $0x1B8B  }
0xa2: {  	_ =	swait.ge [sflag:s23], $0x1  }
0xa3: {  	[sflag:s23] =	ssyncset.done $0x0  }
0xa4: {  	s25 =	simm.s32 $0x1B8E;
	s24 =	sld [smem:$0x3FFE];
	[sflag:s23] =	ssyncadd.s32 $0xFFFFFFFF  }
0xa5: {  	s26 =	simm.s32 $execute0_lowered;
	[smem:$0x3FD2] =	sst s25  }
0xa6: {  	s4 =	sshll.u32 s26, $0x1;
	_ =	strace $0x80000049;
	[dreg:$0x1] =	wrdreg $0xFFFFFFFF  }
0xa7: {  	s28 =	simm.s32 $_size_execute0_lowered;
	s2 =	sadd.s32 s2, s4;
	[dreg:$0x0] =	wrdreg $0x0  }
0xa8: {  	s4 =	sshll.u32 s28, $0x1;
	[dreg:$0x2] =	wrdreg s2  }
0xa9: {  	[dreg:$0x3] =	wrdreg s4  }
0xaa: {  	[dreg:$0x4] =	wrdreg $0xC0  }
0xab: {  	_ =	task [dreg:s6], $0x5FFFF  }
0xac: {  	[dreg:$0x1] =	wrdreg $0xFFFFFFFF  }
0xad: {  	[dreg:$0x0] =	wrdreg $0x60  }
0xae: {  	[dreg:$0x2] =	wrdreg s24  }
0xaf: {  	[dreg:$0x3] =	wrdreg $0x90000  }
0xb0: {  	[dreg:$0x4] =	wrdreg $0x9  }
0xb1: {  	_ =	task.clear_ibuf [dreg:s6], $0x5FFFF;
	_ =	strace $0x90000049  }
0xb2: {  	s29 =	simm.s32 $0x9;
	_ =	strace $0x8000004B  }
0xb3: {  	_ =	swait.ge [sflag:s29], $0x1  }
0xb4: {  	[sflag:s29] =	ssyncadd.s32 $0xFFFFFFFF  }
0xb5: {  	_ =	strace $0x9000004B  }
0xb6: {  	_ =	sfence  }
0xb7: {  	s30 =	sld [smem:$0x0];
	_ =	sdelay $0x2  }
0xb8: {  	s31 =	sshll.u32 s1, $0xD;
	s1 =	sshrl.u32 s1, $0x2  }
0xb9: {  	s3 =	sand.u32 $0x4000, s31;
	s1 =	sadd.s32 s1, s30  }
0xba: {  	s0 =	sor.u32 s3, s0;
	s1 =	sshll.u32 s1, $0x11  }
0xbb: {  	s0 =	sor.u32 s1, s0  }
0xbc: {  	s0 =	sadd.s32 $0x8F2B, s0  }
0xbd: {  	[sflag:s0] =	ssyncadd.remote.s32 $0x1  }
0xbe: {  	_ =	sfence.sel $0xFFFF  }
0xbf: {  	[dreg:$0x0] =	wrdreg $0xFFFFFFFF;
	(pc) =	sbr.abs _section_cstart, $3  }
0xc0: {  	[dreg:$0x1] =	wrdreg $0xFFFFFFFF  }
0xc1: {  	_ =	task.clear_ibuf [dreg:s6], $0x2FFFF;
	_ =	strace $0x9FFFFFFF  }
0xc2: {  	(tm) =	ssettm $0x7FFFFFFF  }
0xc3: {  	_ =	shalt  }
tec
execute0_lowered:
.L_overlay_start_1:
0x0: {  	(tag) =	ssettag $0x1  }
0x1: {  	s5 =	rddreg [dreg:$0x0];
	s1 =	srdreg.scid  }
0x2: {  	s0 =	stileid.u32;
	s2 =	rddreg [dreg:$0x1]  }
0x3: {  	s3 =	simm.s32 $0x0;
	s21 =	simm.s32 $0x7D;
	s22 =	simm.s32 $0x1  }
0x4: {  	s23 =	simm.s32 $0x0;
	s7 =	sand.u32 $0x1, s1;
	s1 =	rddreg [dreg:$0x2]  }
0x5: {  	s4 =	sshll.u32 s0, $0x1;
	[smem:$0x7FF] =	sst s3;
	s8 =	smul.u32 $0x50000, s0  }
0x6: {  	s11 =	smul.u32 $0x14000, s0;
	s16 =	sadd.s32 $0x67000, s5;
	s4 =	sor.u32 s7, s4  }
0x7: {  	_ =	strace $0x8000004A;
	s9 =	ssub.s32 $0x2, s7;
	s19 =	smul.u32 $0x140000, s7  }
0x8: {  	s6 =	smul.u32 $0x500, s4;
	s4 =	sadd.s32 $0x16C00, s5;
	s29 =	sshrl.u32 s9, $0x1  }
0x9: {  	s30 =	sshrl.u32 s8, $0x2;
	s13 =	sadd.s32 $0x4000, s11;
	s14 =	sadd.s32 $0x8000, s11  }
0xa: {  	s15 =	sadd.s32 $0xC000, s11;
	s18 =	sadd.s32 $0x10000, s11;
	s17 =	ssub.s32 s9, s29  }
0xb: {  	s7 =	sadd.s32 s14, s2;
	s8 =	sadd.s32 s15, s2;
	s9 =	sadd.s32 s18, s2  }
0xc: {  	s20 =	sadd.s32 s11, s19;
	s14 =	sadd.s32 s19, s14;
	s15 =	sadd.s32 s19, s15  }
0xd: {  	s18 =	sadd.s32 s19, s18;
	s12 =	sadd.s32 s6, s5;
	s5 =	sadd.s32 s30, s2  }
0xe: {  	s6 =	sadd.s32 s13, s2;
	s13 =	sadd.s32 s19, s13;
	s31 =	sshrl.u32 s20, $0x3  }
0xf: {  	s14 =	sshrl.u32 s14, $0x3;
	s15 =	sshrl.u32 s15, $0x3;
	s18 =	sshrl.u32 s18, $0x3  }
0x10: {  	s17 =	smax.u32 s17, $0x1;
	s19 =	simm.s32 $0x2;
	s20 =	simm.s32 $0x2800  }
0x11: {  	s10 =	sadd.s32 $0x2C00, s12;
	s11 =	sadd.s32 $0xCC00, s12;
	s13 =	sshrl.u32 s13, $0x3  }
0x12: {  	s12 =	sadd.s32 s16, s31;
	s14 =	sadd.s32 s16, s14;
	s15 =	sadd.s32 s16, s15  }
0x13: {  	v0 =	vimm.f32 $0.0e+00;
	s13 =	sadd.s32 s16, s13;
	s16 =	sadd.s32 s16, s18;
	s18 =	simm.s32 $0x5000  }
.LBB2_1:
0x14: {  	s24 =	simm.s32 $0x0;
	s25 =	simm.s32 $0x200  }
.LBB2_2:
0x15: {  	p0 =	sne.s32 s25, $0xFE00;
	[tilespmem:s24+$0x5070] =	vst v0  }
0x16: {  	[tilespmem:s24+$0x5000] =	vst v0  }
0x17: {  	[tilespmem:s24+$0x5010] =	vst v0  }
.Ltmp0:
0x18: {  	[tilespmem:s24+$0x5020] =	vst v0;
	(pc) =	sbr.rel @p0 .LBB2_2-.Ltmp0, $4  }
0x19: {  	[tilespmem:s24+$0x5030] =	vst v0  }
0x1a: {  	[tilespmem:s24+$0x5040] =	vst v0  }
0x1b: {  	[tilespmem:s24+$0x5050] =	vst v0  }
0x1c: {  	[tilespmem:s24+$0x5060] =	vst v0;
	s24 =	sshra.s32 s25, $0x2;
	s25 =	sadd.s32 $0x200, s25  }
0x1d: {  	[tilespmem:s24+$0x5070] =	vst v0  }
0x1e: {  	[tilespmem:s24+$0x5000] =	vst v0  }
0x1f: {  	[tilespmem:s24+$0x5010] =	vst v0  }
0x20: {  	[tilespmem:s24+$0x5020] =	vst v0  }
0x21: {  	[tilespmem:s24+$0x5030] =	vst v0  }
0x22: {  	[tilespmem:s24+$0x5040] =	vst v0  }
0x23: {  	[tilespmem:s24+$0x5050] =	vst v0  }
0x24: {  	[tilespmem:s24+$0x5060] =	vst v0  }
0x25: {  	[spmem:s5] =	stream.linear.scatter [tilespmem:s18], [sflag:$0x2], $0x4000, $0x38;
	[tilespmem:$0x1D000] =	vst v63  }
0x26: {  	_ =	swait.ge [sflag:s19], $0x4000  }
0x27: {  	[sflag:s19] =	ssyncset.done $0x0  }
0x28: {  	[sflag:s19] =	ssyncadd.s32 $0xFFFFC000  }
0x29: {  	[spmem:s6] =	stream.linear.scatter [tilespmem:s18], [sflag:$0x2], $0x4000, $0x38;
	[tilespmem:$0x1D000] =	vst v63  }
0x2a: {  	_ =	swait.ge [sflag:s19], $0x4000  }
0x2b: {  	[sflag:s19] =	ssyncset.done $0x0  }
0x2c: {  	[sflag:s19] =	ssyncadd.s32 $0xFFFFC000  }
0x2d: {  	[spmem:s7] =	stream.linear.scatter [tilespmem:s18], [sflag:$0x2], $0x4000, $0x38;
	[tilespmem:$0x1D000] =	vst v63  }
0x2e: {  	_ =	swait.ge [sflag:s19], $0x4000  }
0x2f: {  	[sflag:s19] =	ssyncset.done $0x0  }
0x30: {  	[sflag:s19] =	ssyncadd.s32 $0xFFFFC000  }
0x31: {  	[spmem:s8] =	stream.linear.scatter [tilespmem:s18], [sflag:$0x2], $0x4000, $0x38;
	[tilespmem:$0x1D000] =	vst v63  }
0x32: {  	_ =	swait.ge [sflag:s19], $0x4000  }
0x33: {  	[sflag:s19] =	ssyncset.done $0x0  }
0x34: {  	[sflag:s19] =	ssyncadd.s32 $0xFFFFC000  }
0x35: {  	[spmem:s9] =	stream.linear.scatter [tilespmem:s18], [sflag:$0x2], $0x4000, $0x38;
	[tilespmem:$0x1D000] =	vst v63  }
0x36: {  	_ =	swait.ge [sflag:s19], $0x4000  }
0x37: {  	[sflag:s19] =	ssyncset.done $0x0  }
0x38: {  	[sflag:s19] =	ssyncadd.s32 $0xFFFFC000  }
0x39: {  	s29 =	simm.s32 $0x0;
	[bflag:$0x0] =	sbarrier.arrive $0xFFFF  }
0x3a: {  	[tilespmem:s29], [sflag:$0x2] =	stream.linear.gather [hbm4b:s10+s29], $0x2800, $0x38;
	[tilespmem:$0x1D000] =	vst v63  }
0x3b: {  	_ =	swait.ge [sflag:s19], $0x2800  }
0x3c: {  	[sflag:s19] =	ssyncset.done $0x0  }
0x3d: {  	[sflag:s19] =	ssyncadd.s32 $0xFFFFD800  }
0x3e: {  	[tilespmem:s20], [sflag:$0x2] =	stream.linear.gather [hbm4b:s11+s29], $0x2800, $0x38;
	[tilespmem:$0x1D000] =	vst v63  }
0x3f: {  	_ =	swait.ge [sflag:s19], $0x2800  }
0x40: {  	[sflag:s19] =	ssyncset.done $0x0  }
0x41: {  	s30 =	simm.s32 $0x0;
	[sflag:s19] =	ssyncadd.s32 $0xFFFFD800  }
0x42: {  	[tilespmem:s18], [sflag:$0x1] =	stream.indirect.gather [hbm4b:s4+s21], $0x80, s30, s21, $0xb8;
	[tilespmem:$0x1D000] =	vst v63  }
0x43: {  	_ =	swait.ge [sflag:s22], $0x3E80  }
0x44: {  	[sflag:s22] =	ssyncset.done $0x0  }
0x45: {  	s31 =	simm.s32 $0x2800;
	[sflag:s22] =	ssyncadd.s32 $0xFFFFC180  }
0x46: {  	[spmem:s2] =	stream.indirect.scatter.add.f32 [tilespmem:s18], [sflag:$0x2], $0x80, s31, s21, $0xb8;
	[tilespmem:$0x1D000] =	vst v63  }
0x47: {  	_ =	swait.ge [sflag:s19], $0x3E80  }
0x48: {  	s24 =	simm.s32 $0x200;
	s25 =	simm.s32 $0x400;
	[sflag:s19] =	ssyncset.done $0x0  }
.LBB2_4:
0x49: {  	s26 =	sshra.s32 s24, $0x2  }
0x4a: {  	[sflag:s19] =	ssyncadd.s32 $0xFFFFC180;
	s24 =	smov.u32 s25;
	s28 =	sadd.s32 $0x200, s25  }
0x4b: {  	[tilespmem:s18], [sflag:$0x1] =	stream.indirect.gather [hbm4b:s4+s21], $0x80, s26, s21, $0xb8;
	[tilespmem:$0x1D000] =	vst v63  }
0x4c: {  	p0 =	sne.s32 s25, $0x9E00;
	_ =	swait.ge [sflag:s22], $0x3E80  }
.Ltmp1:
0x4d: {  	[sflag:s22] =	ssyncset.done $0x0;
	(pc) =	sbr.rel @p0 .LBB2_4-.Ltmp1, $4  }
0x4e: {  	s25 =	sadd.s32 $0x2800, s26;
	[sflag:s22] =	ssyncadd.s32 $0xFFFFC180  }
0x4f: {  	[spmem:s2] =	stream.indirect.scatter.add.f32 [tilespmem:s18], [sflag:$0x2], $0x80, s25, s21, $0xb8;
	[tilespmem:$0x1D000] =	vst v63  }
0x50: {  	_ =	swait.ge [sflag:s19], $0x3E80  }
0x51: {  	s25 =	smov.u32 s28;
	[sflag:s19] =	ssyncset.done $0x0  }
0x52: {  	s24 =	sshra.s32 s24, $0x2;
	[sflag:s19] =	ssyncadd.s32 $0xFFFFC180  }
0x53: {  	[tilespmem:s18], [sflag:$0x1] =	stream.indirect.gather [hbm4b:s4+s21], $0x80, s24, s21, $0xb8;
	[tilespmem:$0x1D000] =	vst v63  }
0x54: {  	_ =	swait.ge [sflag:s22], $0x3E80  }
0x55: {  	[sflag:s22] =	ssyncset.done $0x0  }
0x56: {  	s24 =	sadd.s32 $0x2800, s24;
	[sflag:s22] =	ssyncadd.s32 $0xFFFFC180  }
0x57: {  	[spmem:s2] =	stream.indirect.scatter.add.f32 [tilespmem:s18], [sflag:$0x2], $0x80, s24, s21, $0xb8;
	[tilespmem:$0x1D000] =	vst v63  }
0x58: {  	_ =	swait.ge [sflag:s19], $0x3E80  }
0x59: {  	[sflag:s19] =	ssyncset.done $0x0  }
0x5a: {  	[sflag:s19] =	ssyncadd.s32 $0xFFFFC180  }
0x5b: {  	[bflag:$0x0] =	sbarrier.arrive $0xFFFF  }
0x5c: {  	[tilespmem:s18], [sflag:$0x2] =	stream.linear.gather [spmem:s5], $0x4000, $0x38;
	[tilespmem:$0x1D000] =	vst v63  }
0x5d: {  	_ =	swait.ge [sflag:s19], $0x4000  }
0x5e: {  	[sflag:s19] =	ssyncset.done $0x0  }
0x5f: {  	[sflag:s19] =	ssyncadd.s32 $0xFFFFC000  }
0x60: {  	[hbm4b:s12+s3] =	stream.linear.scatter [tilespmem:s18], [sflag:$0x2], $0x4000, $0x38;
	[tilespmem:$0x1D000] =	vst v63  }
0x61: {  	_ =	swait.ge [sflag:s19], $0x4000  }
0x62: {  	[sflag:s19] =	ssyncset.done $0x0  }
0x63: {  	[sflag:s19] =	ssyncadd.s32 $0xFFFFC000  }
0x64: {  	[tilespmem:s18], [sflag:$0x2] =	stream.linear.gather [spmem:s6], $0x4000, $0x38;
	[tilespmem:$0x1D000] =	vst v63  }
0x65: {  	_ =	swait.ge [sflag:s19], $0x4000  }
0x66: {  	[sflag:s19] =	ssyncset.done $0x0  }
0x67: {  	[sflag:s19] =	ssyncadd.s32 $0xFFFFC000  }
0x68: {  	[hbm4b:s13+s3] =	stream.linear.scatter [tilespmem:s18], [sflag:$0x2], $0x4000, $0x38;
	[tilespmem:$0x1D000] =	vst v63  }
0x69: {  	_ =	swait.ge [sflag:s19], $0x4000  }
0x6a: {  	[sflag:s19] =	ssyncset.done $0x0  }
0x6b: {  	[sflag:s19] =	ssyncadd.s32 $0xFFFFC000  }
0x6c: {  	[tilespmem:s18], [sflag:$0x2] =	stream.linear.gather [spmem:s7], $0x4000, $0x38;
	[tilespmem:$0x1D000] =	vst v63  }
0x6d: {  	_ =	swait.ge [sflag:s19], $0x4000  }
0x6e: {  	[sflag:s19] =	ssyncset.done $0x0  }
0x6f: {  	[sflag:s19] =	ssyncadd.s32 $0xFFFFC000  }
0x70: {  	[hbm4b:s14+s3] =	stream.linear.scatter [tilespmem:s18], [sflag:$0x2], $0x4000, $0x38;
	[tilespmem:$0x1D000] =	vst v63  }
0x71: {  	_ =	swait.ge [sflag:s19], $0x4000  }
0x72: {  	[sflag:s19] =	ssyncset.done $0x0  }
0x73: {  	[sflag:s19] =	ssyncadd.s32 $0xFFFFC000  }
0x74: {  	[tilespmem:s18], [sflag:$0x2] =	stream.linear.gather [spmem:s8], $0x4000, $0x38;
	[tilespmem:$0x1D000] =	vst v63  }
0x75: {  	_ =	swait.ge [sflag:s19], $0x4000  }
0x76: {  	[sflag:s19] =	ssyncset.done $0x0  }
0x77: {  	[sflag:s19] =	ssyncadd.s32 $0xFFFFC000  }
0x78: {  	[hbm4b:s15+s3] =	stream.linear.scatter [tilespmem:s18], [sflag:$0x2], $0x4000, $0x38;
	[tilespmem:$0x1D000] =	vst v63  }
0x79: {  	_ =	swait.ge [sflag:s19], $0x4000  }
0x7a: {  	[sflag:s19] =	ssyncset.done $0x0  }
0x7b: {  	[sflag:s19] =	ssyncadd.s32 $0xFFFFC000  }
0x7c: {  	[tilespmem:s18], [sflag:$0x2] =	stream.linear.gather [spmem:s9], $0x4000, $0x38;
	[tilespmem:$0x1D000] =	vst v63  }
0x7d: {  	s23 =	sadd.s32 $0x1, s23;
	_ =	swait.ge [sflag:s19], $0x4000  }
0x7e: {  	p0 =	sne.s32 s23, s17;
	[sflag:s19] =	ssyncset.done $0x0  }
.Ltmp2:
0x7f: {  	[sflag:s19] =	ssyncadd.s32 $0xFFFFC000;
	(pc) =	sbr.rel @p0 .LBB2_1-.Ltmp2, $4  }
0x80: {  	[hbm4b:s16+s3] =	stream.linear.scatter [tilespmem:s18], [sflag:$0x2], $0x4000, $0x38;
	[tilespmem:$0x1D000] =	vst v63  }
0x81: {  	_ =	swait.ge [sflag:s19], $0x4000  }
0x82: {  	[sflag:s19] =	ssyncset.done $0x0  }
0x83: {  	[sflag:s19] =	ssyncadd.s32 $0xFFFFC000  }
0x84: {  	_ =	sfence.sel $0x180000  }
0x85: {  	[bflag:$0x0] =	sbarrier.arrive $0xFFFF  }
0x86: {  	p0 =	sne.s32 s0, $0x0;
	_ =	strace $0x9000004A  }
0x87: {  	s0 =	sadd.s32 @!p0 $0x100000, s1;
	[bflag:$0x2] =	sbarrier.arrive $0xFFFF  }
0x88: {  	[sflag:s0] =	ssyncadd.tile.s32 @!p0 $0x1;
	_ =	shalt  }
.Lfunc_end2:
_tile_overlayer_lowered:
.L_overlay_start_2:
0x89: {  	(tag) =	ssettag $0x2  }
0x8a: {  	s0 =	rddreg [dreg:$0x0];
	s2 =	stileid.u32  }
0x8b: {  	s1 =	rddreg [dreg:$0x1];
	p0 =	sne.s32 s2, $0x0  }
0x8c: {  	s3 =	rddreg [dreg:$0x2];
	[bflag:$0x3] =	sbarrier.arrive $0xFFFF;
	s2 =	simm.s32 @!p0 $0x1C02  }
0x8d: {  	[timem:s3], [sflag:s2] =	dma.local @!p0 [hbm:s0], s1  }
0x8e: {  	s0 =	simm.s32 @!p0 $0x2  }
0x8f: {  	_ =	swait.ge @!p0 [sflag:s0], s1  }
0x90: {  	s1 =	ssub.s32 @!p0 $0x0, s1;
	[sflag:s0] =	ssyncset.done @!p0 $0x0  }
0x91: {  	[sflag:s0] =	ssyncadd.s32 @!p0 s1  }
0x92: {  	[bflag:$0x3] =	sbarrier.arrive $0xFFFF  }
0x93: {  	_ =	shalt  }

// kernel: kernel.14.cloned.1.call-start
scs
__scs_entry_jumppad:
0x0: {  	(pc) =	sbr.rel $0x88, $3  }
0x1: {  	(tag) =	ssettag $0x0;
	lr =	simm.s32 $0x1  }
0x2: {  	[smem:$0x3F94] =	sst lr;
	_ =	strace $0xD0000000  }
0x3: {  	_ = 	snop  }
0x4: {  	_ = 	snop  }
0x5: {  	_ = 	snop  }
0x6: {  	_ = 	snop  }
0x7: {  	_ = 	snop  }
__scs_overlays_trampoline_lowered:
0x8: {  	[smem:$0x3FA3] =	sst s0  }
0x9: {  	[smem:$0x3FA4] =	sst s1  }
0xa: {  	[smem:$0x3FA5] =	sst s2  }
0xb: {  	[smem:$0x3FA6] =	sst s3  }
0xc: {  	[smem:$0x3FA7] =	sst s4  }
0xd: {  	[smem:$0x3FA8] =	sst s5  }
0xe: {  	[smem:$0x3FA9] =	sst s6  }
0xf: {  	[smem:$0x3FAA] =	sst s7  }
0x10: {  	[smem:$0x3FAB] =	sst s8  }
0x11: {  	[smem:$0x3FAC] =	sst s9;
	s0 =	simm.s32 @!p0 $0x0  }
0x12: {  	s1 =	sld [smem:$0x3F92];
	s0 =	simm.s32 @p0 $0x1  }
0x13: {  	[smem:$0x3FAD] =	sst s0;
	s0 =	simm.s32 @!p1 $0x0  }
0x14: {  	s2 =	sld [smem:$0x3F91];
	s0 =	simm.s32 @p1 $0x1  }
0x15: {  	[smem:$0x3FAE] =	sst s0;
	s0 =	simm.s32 @!p2 $0x0  }
0x16: {  	s3 =	sld [smem:$0x3FDB];
	s0 =	simm.s32 @p2 $0x1  }
0x17: {  	s4 =	simm.s32 $0x1BF5;
	[smem:$0x3FB0] =	sst s0  }
0x18: {  	s0 =	sld [smem:$0x3F93];
	_ =	swait.ge [sflag:s4], $0x0  }
0x19: {  	s7 =	sld [smem:$0x3F94]  }
0x1a: {  	s8 =	sadd.s32 $0xFFFFE003, lr  }
0x1b: {  	s9 =	sadd.s32 $0xFFFFFEF7, lr;
	s5 =	simm.s32 $0xFFFFFFFF;
	p2 =	slt.u32 s8, $0xFFFFF086  }
0x1c: {  	p1 =	slt.u32 s9, $0xF7A;
	s5 =	simm.s32 @!p2 $0x0  }
0x1d: {  	s5 =	simm.s32 @p1 $0x1;
	p0 =	seq.s32 s7, s2  }
0x1e: {  	s7 =	smul.u32 @!p0 $0xF7A, s2;
	p2 =	seq.s32 @!p0 s5, $0x0  }
0x1f: {  	s9 =	smul.u32 $0xF7A, s1;
	s8 =	simm.s32 @!p0 $0x1BF5;
	p2 =	por !p2, p0  }
0x20: {  	[sflag:s8] =	ssyncset.s32 @!p0 $0xFFFFF086;
	s6 =	sadd.s32 @!p0 s3, s7;
	s7 =	simm.s32 @!p0 $0x108  }
0x21: {  	s3 =	sadd.s32 s3, s9;
	s6 =	sadd.s32 @!p0 $0x88, s6;
	s7 =	simm.s32 @p2 $0x1082  }
0x22: {  	[simem:s7], [sflag:s8] =	dma.local @!p0 [hbm:s6], $0xF7A  }
0x23: {  	s9 =	sor.u32 $0xD0000000, s2;
	s6 =	simm.s32 $0x108;
	_ =	swait.ge @!p0 [sflag:s8], $0x0  }
0x24: {  	s3 =	sadd.s32 $0x88, s3;
	s6 =	simm.s32 @!p1 $0x1082;
	[sflag:s4] =	ssyncset.s32 $0xFFFFF086  }
0x25: {  	[simem:s6], [sflag:s4] =	dma.local [hbm:s3], $0xF7A  }
0x26: {  	[smem:$0x3F94] =	sst s1;
	(tag) =	ssettag s2;
	_ =	strace s9  }
0x27: {  	s1 =	sld [smem:$0x3FA4]  }
0x28: {  	s2 =	sld [smem:$0x3FA5]  }
0x29: {  	s4 =	sld [smem:$0x3FA7]  }
0x2a: {  	p0 =	seq.s32 s5, $0x0;
	s5 =	sld [smem:$0x3FA8]  }
0x2b: {  	s6 =	sld [smem:$0x3FA9]  }
0x2c: {  	s7 =	sld [smem:$0x3FAA]  }
0x2d: {  	s3 =	simm.s32 $0x108;
	s8 =	sld [smem:$0x3FAB]  }
0x2e: {  	s3 =	simm.s32 @!p0 $0x1082;
	s9 =	sld [smem:$0x3FAC]  }
0x2f: {  	lr =	sadd.s32 s0, s3;
	s0 =	sld [smem:$0x3FA3]  }
0x30: {  	s3 =	sld [smem:$0x3FA6]  }
0x31: {  	[smem:$0x3FAF] =	sst s10  }
0x32: {  	s10 =	sld [smem:$0x3FAD];
	_ =	sdelay $0x3  }
0x33: {  	p0 =	seq.s32 s10, $0x1;
	s10 =	sld [smem:$0x3FAF];
	_ =	sdelay $0x3  }
0x34: {  	[smem:$0x3FAF] =	sst s10  }
0x35: {  	s10 =	sld [smem:$0x3FAE];
	_ =	sdelay $0x3  }
0x36: {  	p1 =	seq.s32 s10, $0x1;
	s10 =	sld [smem:$0x3FAF];
	_ =	sdelay $0x3  }
0x37: {  	[smem:$0x3FAF] =	sst s10  }
0x38: {  	s10 =	sld [smem:$0x3FB0]  }
0x39: {  	_ = 	snop;
	(pc) =	sbr.ind lr, $3  }
0x3a: {  	_ = 	snop  }
0x3b: {  	_ = 	snop  }
0x3c: {  	p2 =	seq.s32 s10, $0x1;
	s10 =	sld [smem:$0x3FAF]  }
0x3d: {  	_ =	shalt  }
0x3e: {  	_ =	shalt  }
0x3f: {  	_ =	shalt  }
0x40: {  	_ =	shalt  }
0x41: {  	_ =	shalt  }
0x42: {  	_ =	shalt  }
0x43: {  	_ =	shalt  }
0x44: {  	_ =	shalt  }
0x45: {  	_ =	shalt  }
0x46: {  	_ =	shalt  }
0x47: {  	_ =	shalt  }
0x48: {  	_ =	shalt  }
0x49: {  	_ =	shalt  }
0x4a: {  	_ =	shalt  }
0x4b: {  	_ =	shalt  }
0x4c: {  	_ =	shalt  }
0x4d: {  	_ =	shalt  }
0x4e: {  	_ =	shalt  }
0x4f: {  	_ =	shalt  }
0x50: {  	_ =	shalt  }
0x51: {  	_ =	shalt  }
0x52: {  	_ =	shalt  }
0x53: {  	_ =	shalt  }
0x54: {  	_ =	shalt  }
0x55: {  	_ =	shalt  }
0x56: {  	_ =	shalt  }
0x57: {  	_ =	shalt  }
0x58: {  	_ =	shalt  }
0x59: {  	_ =	shalt  }
0x5a: {  	_ =	shalt  }
0x5b: {  	_ =	shalt  }
0x5c: {  	_ =	shalt  }
0x5d: {  	_ =	shalt  }
0x5e: {  	_ =	shalt  }
0x5f: {  	_ =	shalt  }
0x60: {  	_ =	shalt  }
0x61: {  	_ =	shalt  }
0x62: {  	_ =	shalt  }
0x63: {  	_ =	shalt  }
0x64: {  	_ =	shalt  }
0x65: {  	_ =	shalt  }
0x66: {  	_ =	shalt  }
0x67: {  	_ =	shalt  }
0x68: {  	_ =	shalt  }
0x69: {  	_ =	shalt  }
0x6a: {  	_ =	shalt  }
0x6b: {  	_ =	shalt  }
0x6c: {  	_ =	shalt  }
0x6d: {  	_ =	shalt  }
0x6e: {  	_ =	shalt  }
0x6f: {  	_ =	shalt  }
0x70: {  	_ =	shalt  }
0x71: {  	_ =	shalt  }
0x72: {  	_ =	shalt  }
0x73: {  	_ =	shalt  }
0x74: {  	_ =	shalt  }
0x75: {  	_ =	shalt  }
0x76: {  	_ =	shalt  }
0x77: {  	_ =	shalt  }
0x78: {  	_ =	shalt  }
0x79: {  	_ =	shalt  }
0x7a: {  	_ =	shalt  }
0x7b: {  	_ =	shalt  }
0x7c: {  	_ =	shalt  }
0x7d: {  	_ =	shalt  }
0x7e: {  	_ =	shalt  }
0x7f: {  	_ =	shalt  }
0x80: {  	_ =	shalt  }
0x81: {  	_ =	shalt  }
0x82: {  	_ =	shalt  }
0x83: {  	_ =	shalt  }
0x84: {  	_ =	shalt  }
0x85: {  	_ =	shalt  }
0x86: {  	_ =	shalt  }
0x87: {  	_ =	shalt  }
.Lfunc_end0:
.L_simem_size_0:
called_computation.2_lowered:
.L_overlay_start_0:
0x88: {  	s2 =	sld [smem:$0x3FD9]  }
0x89: {  	s3 =	sld [smem:$0x3FFE];
	_ =	sdelay $0x1  }
0x8a: {  	s1 =	srdreg.scid  }
0x8b: {  	s0 =	sand.u32 $0x1, s1  }
0x8c: {  	s16 =	sshll.u32 s0, $0xA;
	s2 =	sadd.s32 s3, s2  }
0x8d: {  	s2 =	sadd.s32 s2, s16  }
0x8e: {  	[smem:$0x3FBB] =	sst s2  }
0x8f: {  	_ = 	snop  }
0x90: {  	(tm) =	ssettm $0x1  }
0x91: {  	s17 =	sld [smem:$0x3FFB];
	_ =	sdelay $0x3  }
0x92: {  	_ =	strace s17  }
0x93: {  	s2 =	sld [smem:$0x3FFC];
	_ =	sdelay $0x3  }
0x94: {  	_ =	strace s2  }
0x95: {  	s2 =	sld [smem:$0x3FFD];
	_ =	sdelay $0x3  }
0x96: {  	_ =	strace s2  }
0x97: {  	_ =	strace $0x8FFFFFFF  }
0x98: {  	s18 =	sld [smem:$0x3FDB];
	_ =	sdelay $0x1  }
0x99: {  	s19 =	simm.s32 $_scs_section_size  }
0x9a: {  	s4 =	simm.s32 $_size__tile_overlayer_lowered;
	s5 =	simm.s32 $_tile_overlayer_lowered  }
0x9b: {  	s22 =	simm.s32 $0x1BFF;
	s21 =	sshll.u32 s5, $0x1;
	s2 =	sadd.s32 s19, s18  }
0x9c: {  	s6 =	simm.s32 $0x0;
	s20 =	sshll.u32 s4, $0x1;
	s4 =	sadd.s32 s21, s2  }
0x9d: {  	[timem:s6], [sflag:s22] =	dma.local [hbm:s4], s20  }
0x9e: {  	_ =	swait.ge [sflag:s22], s20  }
0x9f: {  	s3 =	ssub.s32 $0x0, s20;
	[sflag:s22] =	ssyncset.done $0x0  }
0xa0: {  	[sflag:s22] =	ssyncadd.s32 s3;
	_ =	sdelay $0x1  }
0xa1: {  	s23 =	simm.s32 $0x1B8B  }
0xa2: {  	_ =	swait.ge [sflag:s23], $0x1  }
0xa3: {  	[sflag:s23] =	ssyncset.done $0x0  }
0xa4: {  	s25 =	simm.s32 $0x1B8E;
	s24 =	sld [smem:$0x3FFE];
	[sflag:s23] =	ssyncadd.s32 $0xFFFFFFFF  }
0xa5: {  	s26 =	simm.s32 $execute0_lowered;
	[smem:$0x3FD2] =	sst s25  }
0xa6: {  	s4 =	sshll.u32 s26, $0x1;
	_ =	strace $0x8000004C;
	[dreg:$0x1] =	wrdreg $0xFFFFFFFF  }
0xa7: {  	s28 =	simm.s32 $_size_execute0_lowered;
	s2 =	sadd.s32 s2, s4;
	[dreg:$0x0] =	wrdreg $0x0  }
0xa8: {  	s4 =	sshll.u32 s28, $0x1;
	[dreg:$0x2] =	wrdreg s2  }
0xa9: {  	[dreg:$0x3] =	wrdreg s4  }
0xaa: {  	[dreg:$0x4] =	wrdreg $0xC0  }
0xab: {  	_ =	task [dreg:s6], $0x5FFFF  }
0xac: {  	[dreg:$0x1] =	wrdreg $0xFFFFFFFF  }
0xad: {  	[dreg:$0x0] =	wrdreg $0x60  }
0xae: {  	[dreg:$0x2] =	wrdreg s24  }
0xaf: {  	[dreg:$0x3] =	wrdreg $0x90000  }
0xb0: {  	[dreg:$0x4] =	wrdreg $0x9  }
0xb1: {  	_ =	task.clear_ibuf [dreg:s6], $0x5FFFF;
	_ =	strace $0x9000004C  }
0xb2: {  	s29 =	simm.s32 $0x9;
	_ =	strace $0x8000004E  }
0xb3: {  	_ =	swait.ge [sflag:s29], $0x1  }
0xb4: {  	[sflag:s29] =	ssyncadd.s32 $0xFFFFFFFF  }
0xb5: {  	_ =	strace $0x9000004E  }
0xb6: {  	_ =	sfence  }
0xb7: {  	s30 =	sld [smem:$0x0];
	_ =	sdelay $0x2  }
0xb8: {  	s31 =	sshll.u32 s1, $0xD;
	s1 =	sshrl.u32 s1, $0x2  }
0xb9: {  	s3 =	sand.u32 $0x4000, s31;
	s1 =	sadd.s32 s1, s30  }
0xba: {  	s0 =	sor.u32 s3, s0;
	s1 =	sshll.u32 s1, $0x11  }
0xbb: {  	s0 =	sor.u32 s1, s0  }
0xbc: {  	s0 =	sadd.s32 $0x8F2B, s0  }
0xbd: {  	[sflag:s0] =	ssyncadd.remote.s32 $0x1  }
0xbe: {  	_ =	sfence.sel $0xFFFF  }
0xbf: {  	[dreg:$0x0] =	wrdreg $0xFFFFFFFF;
	(pc) =	sbr.abs _section_cstart, $3  }
0xc0: {  	[dreg:$0x1] =	wrdreg $0xFFFFFFFF  }
0xc1: {  	_ =	task.clear_ibuf [dreg:s6], $0x2FFFF;
	_ =	strace $0x9FFFFFFF  }
0xc2: {  	(tm) =	ssettm $0x7FFFFFFF  }
0xc3: {  	_ =	shalt  }
tec
execute0_lowered:
.L_overlay_start_1:
0x0: {  	(tag) =	ssettag $0x1  }
0x1: {  	s5 =	rddreg [dreg:$0x0];
	s1 =	srdreg.scid  }
0x2: {  	s0 =	stileid.u32;
	s2 =	rddreg [dreg:$0x1]  }
0x3: {  	s3 =	simm.s32 $0x0;
	s21 =	simm.s32 $0x7D;
	s22 =	simm.s32 $0x1  }
0x4: {  	s23 =	simm.s32 $0x0;
	s7 =	sand.u32 $0x1, s1;
	s1 =	rddreg [dreg:$0x2]  }
0x5: {  	s4 =	sshll.u32 s0, $0x1;
	[smem:$0x7FF] =	sst s3;
	s8 =	smul.u32 $0x50000, s0  }
0x6: {  	s11 =	smul.u32 $0x14000, s0;
	s16 =	sadd.s32 $0x67000, s5;
	s4 =	sor.u32 s7, s4  }
0x7: {  	_ =	strace $0x8000004D;
	s9 =	ssub.s32 $0x2, s7;
	s19 =	smul.u32 $0x140000, s7  }
0x8: {  	s6 =	smul.u32 $0x500, s4;
	s4 =	sadd.s32 $0x16C00, s5;
	s29 =	sshrl.u32 s9, $0x1  }
0x9: {  	s30 =	sshrl.u32 s8, $0x2;
	s13 =	sadd.s32 $0x4000, s11;
	s14 =	sadd.s32 $0x8000, s11  }
0xa: {  	s15 =	sadd.s32 $0xC000, s11;
	s18 =	sadd.s32 $0x10000, s11;
	s17 =	ssub.s32 s9, s29  }
0xb: {  	s7 =	sadd.s32 s14, s2;
	s8 =	sadd.s32 s15, s2;
	s9 =	sadd.s32 s18, s2  }
0xc: {  	s20 =	sadd.s32 s11, s19;
	s14 =	sadd.s32 s19, s14;
	s15 =	sadd.s32 s19, s15  }
0xd: {  	s18 =	sadd.s32 s19, s18;
	s12 =	sadd.s32 s6, s5;
	s5 =	sadd.s32 s30, s2  }
0xe: {  	s6 =	sadd.s32 s13, s2;
	s13 =	sadd.s32 s19, s13;
	s31 =	sshrl.u32 s20, $0x3  }
0xf: {  	s14 =	sshrl.u32 s14, $0x3;
	s15 =	sshrl.u32 s15, $0x3;
	s18 =	sshrl.u32 s18, $0x3  }
0x10: {  	s17 =	smax.u32 s17, $0x1;
	s19 =	simm.s32 $0x2;
	s20 =	simm.s32 $0x2800  }
0x11: {  	s10 =	sadd.s32 $0x2C00, s12;
	s11 =	sadd.s32 $0xCC00, s12;
	s13 =	sshrl.u32 s13, $0x3  }
0x12: {  	s12 =	sadd.s32 s16, s31;
	s14 =	sadd.s32 s16, s14;
	s15 =	sadd.s32 s16, s15  }
0x13: {  	v0 =	vimm.f32 $0.0e+00;
	s13 =	sadd.s32 s16, s13;
	s16 =	sadd.s32 s16, s18;
	s18 =	simm.s32 $0x5000  }
.LBB2_1:
0x14: {  	s24 =	simm.s32 $0x0;
	s25 =	simm.s32 $0x200  }
.LBB2_2:
0x15: {  	p0 =	sne.s32 s25, $0xFE00;
	[tilespmem:s24+$0x5070] =	vst v0  }
0x16: {  	[tilespmem:s24+$0x5000] =	vst v0  }
0x17: {  	[tilespmem:s24+$0x5010] =	vst v0  }
.Ltmp0:
0x18: {  	[tilespmem:s24+$0x5020] =	vst v0;
	(pc) =	sbr.rel @p0 .LBB2_2-.Ltmp0, $4  }
0x19: {  	[tilespmem:s24+$0x5030] =	vst v0  }
0x1a: {  	[tilespmem:s24+$0x5040] =	vst v0  }
0x1b: {  	[tilespmem:s24+$0x5050] =	vst v0  }
0x1c: {  	[tilespmem:s24+$0x5060] =	vst v0;
	s24 =	sshra.s32 s25, $0x2;
	s25 =	sadd.s32 $0x200, s25  }
0x1d: {  	[tilespmem:s24+$0x5070] =	vst v0  }
0x1e: {  	[tilespmem:s24+$0x5000] =	vst v0  }
0x1f: {  	[tilespmem:s24+$0x5010] =	vst v0  }
0x20: {  	[tilespmem:s24+$0x5020] =	vst v0  }
0x21: {  	[tilespmem:s24+$0x5030] =	vst v0  }
0x22: {  	[tilespmem:s24+$0x5040] =	vst v0  }
0x23: {  	[tilespmem:s24+$0x5050] =	vst v0  }
0x24: {  	[tilespmem:s24+$0x5060] =	vst v0  }
0x25: {  	[spmem:s5] =	stream.linear.scatter [tilespmem:s18], [sflag:$0x2], $0x4000, $0x38;
	[tilespmem:$0x1D000] =	vst v63  }
0x26: {  	_ =	swait.ge [sflag:s19], $0x4000  }
0x27: {  	[sflag:s19] =	ssyncset.done $0x0  }
0x28: {  	[sflag:s19] =	ssyncadd.s32 $0xFFFFC000  }
0x29: {  	[spmem:s6] =	stream.linear.scatter [tilespmem:s18], [sflag:$0x2], $0x4000, $0x38;
	[tilespmem:$0x1D000] =	vst v63  }
0x2a: {  	_ =	swait.ge [sflag:s19], $0x4000  }
0x2b: {  	[sflag:s19] =	ssyncset.done $0x0  }
0x2c: {  	[sflag:s19] =	ssyncadd.s32 $0xFFFFC000  }
0x2d: {  	[spmem:s7] =	stream.linear.scatter [tilespmem:s18], [sflag:$0x2], $0x4000, $0x38;
	[tilespmem:$0x1D000] =	vst v63  }
0x2e: {  	_ =	swait.ge [sflag:s19], $0x4000  }
0x2f: {  	[sflag:s19] =	ssyncset.done $0x0  }
0x30: {  	[sflag:s19] =	ssyncadd.s32 $0xFFFFC000  }
0x31: {  	[spmem:s8] =	stream.linear.scatter [tilespmem:s18], [sflag:$0x2], $0x4000, $0x38;
	[tilespmem:$0x1D000] =	vst v63  }
0x32: {  	_ =	swait.ge [sflag:s19], $0x4000  }
0x33: {  	[sflag:s19] =	ssyncset.done $0x0  }
0x34: {  	[sflag:s19] =	ssyncadd.s32 $0xFFFFC000  }
0x35: {  	[spmem:s9] =	stream.linear.scatter [tilespmem:s18], [sflag:$0x2], $0x4000, $0x38;
	[tilespmem:$0x1D000] =	vst v63  }
0x36: {  	_ =	swait.ge [sflag:s19], $0x4000  }
0x37: {  	[sflag:s19] =	ssyncset.done $0x0  }
0x38: {  	[sflag:s19] =	ssyncadd.s32 $0xFFFFC000  }
0x39: {  	s29 =	simm.s32 $0x0;
	[bflag:$0x0] =	sbarrier.arrive $0xFFFF  }
0x3a: {  	[tilespmem:s29], [sflag:$0x2] =	stream.linear.gather [hbm4b:s10+s29], $0x2800, $0x38;
	[tilespmem:$0x1D000] =	vst v63  }
0x3b: {  	_ =	swait.ge [sflag:s19], $0x2800  }
0x3c: {  	[sflag:s19] =	ssyncset.done $0x0  }
0x3d: {  	[sflag:s19] =	ssyncadd.s32 $0xFFFFD800  }
0x3e: {  	[tilespmem:s20], [sflag:$0x2] =	stream.linear.gather [hbm4b:s11+s29], $0x2800, $0x38;
	[tilespmem:$0x1D000] =	vst v63  }
0x3f: {  	_ =	swait.ge [sflag:s19], $0x2800  }
0x40: {  	[sflag:s19] =	ssyncset.done $0x0  }
0x41: {  	s30 =	simm.s32 $0x0;
	[sflag:s19] =	ssyncadd.s32 $0xFFFFD800  }
0x42: {  	[tilespmem:s18], [sflag:$0x1] =	stream.indirect.gather [hbm4b:s4+s21], $0x80, s30, s21, $0xb8;
	[tilespmem:$0x1D000] =	vst v63  }
0x43: {  	_ =	swait.ge [sflag:s22], $0x3E80  }
0x44: {  	[sflag:s22] =	ssyncset.done $0x0  }
0x45: {  	s31 =	simm.s32 $0x2800;
	[sflag:s22] =	ssyncadd.s32 $0xFFFFC180  }
0x46: {  	[spmem:s2] =	stream.indirect.scatter.add.f32 [tilespmem:s18], [sflag:$0x2], $0x80, s31, s21, $0xb8;
	[tilespmem:$0x1D000] =	vst v63  }
0x47: {  	_ =	swait.ge [sflag:s19], $0x3E80  }
0x48: {  	s24 =	simm.s32 $0x200;
	s25 =	simm.s32 $0x400;
	[sflag:s19] =	ssyncset.done $0x0  }
.LBB2_4:
0x49: {  	s26 =	sshra.s32 s24, $0x2  }
0x4a: {  	[sflag:s19] =	ssyncadd.s32 $0xFFFFC180;
	s24 =	smov.u32 s25;
	s28 =	sadd.s32 $0x200, s25  }
0x4b: {  	[tilespmem:s18], [sflag:$0x1] =	stream.indirect.gather [hbm4b:s4+s21], $0x80, s26, s21, $0xb8;
	[tilespmem:$0x1D000] =	vst v63  }
0x4c: {  	p0 =	sne.s32 s25, $0x9E00;
	_ =	swait.ge [sflag:s22], $0x3E80  }
.Ltmp1:
0x4d: {  	[sflag:s22] =	ssyncset.done $0x0;
	(pc) =	sbr.rel @p0 .LBB2_4-.Ltmp1, $4  }
0x4e: {  	s25 =	sadd.s32 $0x2800, s26;
	[sflag:s22] =	ssyncadd.s32 $0xFFFFC180  }
0x4f: {  	[spmem:s2] =	stream.indirect.scatter.add.f32 [tilespmem:s18], [sflag:$0x2], $0x80, s25, s21, $0xb8;
	[tilespmem:$0x1D000] =	vst v63  }
0x50: {  	_ =	swait.ge [sflag:s19], $0x3E80  }
0x51: {  	s25 =	smov.u32 s28;
	[sflag:s19] =	ssyncset.done $0x0  }
0x52: {  	s24 =	sshra.s32 s24, $0x2;
	[sflag:s19] =	ssyncadd.s32 $0xFFFFC180  }
0x53: {  	[tilespmem:s18], [sflag:$0x1] =	stream.indirect.gather [hbm4b:s4+s21], $0x80, s24, s21, $0xb8;
	[tilespmem:$0x1D000] =	vst v63  }
0x54: {  	_ =	swait.ge [sflag:s22], $0x3E80  }
0x55: {  	[sflag:s22] =	ssyncset.done $0x0  }
0x56: {  	s24 =	sadd.s32 $0x2800, s24;
	[sflag:s22] =	ssyncadd.s32 $0xFFFFC180  }
0x57: {  	[spmem:s2] =	stream.indirect.scatter.add.f32 [tilespmem:s18], [sflag:$0x2], $0x80, s24, s21, $0xb8;
	[tilespmem:$0x1D000] =	vst v63  }
0x58: {  	_ =	swait.ge [sflag:s19], $0x3E80  }
0x59: {  	[sflag:s19] =	ssyncset.done $0x0  }
0x5a: {  	[sflag:s19] =	ssyncadd.s32 $0xFFFFC180  }
0x5b: {  	[bflag:$0x0] =	sbarrier.arrive $0xFFFF  }
0x5c: {  	[tilespmem:s18], [sflag:$0x2] =	stream.linear.gather [spmem:s5], $0x4000, $0x38;
	[tilespmem:$0x1D000] =	vst v63  }
0x5d: {  	_ =	swait.ge [sflag:s19], $0x4000  }
0x5e: {  	[sflag:s19] =	ssyncset.done $0x0  }
0x5f: {  	[sflag:s19] =	ssyncadd.s32 $0xFFFFC000  }
0x60: {  	[hbm4b:s12+s3] =	stream.linear.scatter [tilespmem:s18], [sflag:$0x2], $0x4000, $0x38;
	[tilespmem:$0x1D000] =	vst v63  }
0x61: {  	_ =	swait.ge [sflag:s19], $0x4000  }
0x62: {  	[sflag:s19] =	ssyncset.done $0x0  }
0x63: {  	[sflag:s19] =	ssyncadd.s32 $0xFFFFC000  }
0x64: {  	[tilespmem:s18], [sflag:$0x2] =	stream.linear.gather [spmem:s6], $0x4000, $0x38;
	[tilespmem:$0x1D000] =	vst v63  }
0x65: {  	_ =	swait.ge [sflag:s19], $0x4000  }
0x66: {  	[sflag:s19] =	ssyncset.done $0x0  }
0x67: {  	[sflag:s19] =	ssyncadd.s32 $0xFFFFC000  }
0x68: {  	[hbm4b:s13+s3] =	stream.linear.scatter [tilespmem:s18], [sflag:$0x2], $0x4000, $0x38;
	[tilespmem:$0x1D000] =	vst v63  }
0x69: {  	_ =	swait.ge [sflag:s19], $0x4000  }
0x6a: {  	[sflag:s19] =	ssyncset.done $0x0  }
0x6b: {  	[sflag:s19] =	ssyncadd.s32 $0xFFFFC000  }
0x6c: {  	[tilespmem:s18], [sflag:$0x2] =	stream.linear.gather [spmem:s7], $0x4000, $0x38;
	[tilespmem:$0x1D000] =	vst v63  }
0x6d: {  	_ =	swait.ge [sflag:s19], $0x4000  }
0x6e: {  	[sflag:s19] =	ssyncset.done $0x0  }
0x6f: {  	[sflag:s19] =	ssyncadd.s32 $0xFFFFC000  }
0x70: {  	[hbm4b:s14+s3] =	stream.linear.scatter [tilespmem:s18], [sflag:$0x2], $0x4000, $0x38;
	[tilespmem:$0x1D000] =	vst v63  }
0x71: {  	_ =	swait.ge [sflag:s19], $0x4000  }
0x72: {  	[sflag:s19] =	ssyncset.done $0x0  }
0x73: {  	[sflag:s19] =	ssyncadd.s32 $0xFFFFC000  }
0x74: {  	[tilespmem:s18], [sflag:$0x2] =	stream.linear.gather [spmem:s8], $0x4000, $0x38;
	[tilespmem:$0x1D000] =	vst v63  }
0x75: {  	_ =	swait.ge [sflag:s19], $0x4000  }
0x76: {  	[sflag:s19] =	ssyncset.done $0x0  }
0x77: {  	[sflag:s19] =	ssyncadd.s32 $0xFFFFC000  }
0x78: {  	[hbm4b:s15+s3] =	stream.linear.scatter [tilespmem:s18], [sflag:$0x2], $0x4000, $0x38;
	[tilespmem:$0x1D000] =	vst v63  }
0x79: {  	_ =	swait.ge [sflag:s19], $0x4000  }
0x7a: {  	[sflag:s19] =	ssyncset.done $0x0  }
0x7b: {  	[sflag:s19] =	ssyncadd.s32 $0xFFFFC000  }
0x7c: {  	[tilespmem:s18], [sflag:$0x2] =	stream.linear.gather [spmem:s9], $0x4000, $0x38;
	[tilespmem:$0x1D000] =	vst v63  }
0x7d: {  	s23 =	sadd.s32 $0x1, s23;
	_ =	swait.ge [sflag:s19], $0x4000  }
0x7e: {  	p0 =	sne.s32 s23, s17;
	[sflag:s19] =	ssyncset.done $0x0  }
.Ltmp2:
0x7f: {  	[sflag:s19] =	ssyncadd.s32 $0xFFFFC000;
	(pc) =	sbr.rel @p0 .LBB2_1-.Ltmp2, $4  }
0x80: {  	[hbm4b:s16+s3] =	stream.linear.scatter [tilespmem:s18], [sflag:$0x2], $0x4000, $0x38;
	[tilespmem:$0x1D000] =	vst v63  }
0x81: {  	_ =	swait.ge [sflag:s19], $0x4000  }
0x82: {  	[sflag:s19] =	ssyncset.done $0x0  }
0x83: {  	[sflag:s19] =	ssyncadd.s32 $0xFFFFC000  }
0x84: {  	_ =	sfence.sel $0x180000  }
0x85: {  	[bflag:$0x0] =	sbarrier.arrive $0xFFFF  }
0x86: {  	p0 =	sne.s32 s0, $0x0;
	_ =	strace $0x9000004D  }
0x87: {  	s0 =	sadd.s32 @!p0 $0x100000, s1;
	[bflag:$0x2] =	sbarrier.arrive $0xFFFF  }
0x88: {  	[sflag:s0] =	ssyncadd.tile.s32 @!p0 $0x1;
	_ =	shalt  }
.Lfunc_end2:
_tile_overlayer_lowered:
.L_overlay_start_2:
0x89: {  	(tag) =	ssettag $0x2  }
0x8a: {  	s0 =	rddreg [dreg:$0x0];
	s2 =	stileid.u32  }
0x8b: {  	s1 =	rddreg [dreg:$0x1];
	p0 =	sne.s32 s2, $0x0  }
0x8c: {  	s3 =	rddreg [dreg:$0x2];
	[bflag:$0x3] =	sbarrier.arrive $0xFFFF;
	s2 =	simm.s32 @!p0 $0x1C02  }
0x8d: {  	[timem:s3], [sflag:s2] =	dma.local @!p0 [hbm:s0], s1  }
0x8e: {  	s0 =	simm.s32 @!p0 $0x2  }
0x8f: {  	_ =	swait.ge @!p0 [sflag:s0], s1  }
0x90: {  	s1 =	ssub.s32 @!p0 $0x0, s1;
	[sflag:s0] =	ssyncset.done @!p0 $0x0  }
0x91: {  	[sflag:s0] =	ssyncadd.s32 @!p0 s1  }
0x92: {  	[bflag:$0x3] =	sbarrier.arrive $0xFFFF  }
0x93: {  	_ =	shalt  }

// kernel: kernel.8.cloned.1.call-start
scs
__scs_entry_jumppad:
0x0: {  	(pc) =	sbr.rel $0x88, $3  }
0x1: {  	(tag) =	ssettag $0x0;
	lr =	simm.s32 $0x1  }
0x2: {  	[smem:$0x3F94] =	sst lr;
	_ =	strace $0xD0000000  }
0x3: {  	_ = 	snop  }
0x4: {  	_ = 	snop  }
0x5: {  	_ = 	snop  }
0x6: {  	_ = 	snop  }
0x7: {  	_ = 	snop  }
__scs_overlays_trampoline_lowered:
0x8: {  	[smem:$0x3FA3] =	sst s0  }
0x9: {  	[smem:$0x3FA4] =	sst s1  }
0xa: {  	[smem:$0x3FA5] =	sst s2  }
0xb: {  	[smem:$0x3FA6] =	sst s3  }
0xc: {  	[smem:$0x3FA7] =	sst s4  }
0xd: {  	[smem:$0x3FA8] =	sst s5  }
0xe: {  	[smem:$0x3FA9] =	sst s6  }
0xf: {  	[smem:$0x3FAA] =	sst s7  }
0x10: {  	[smem:$0x3FAB] =	sst s8  }
0x11: {  	[smem:$0x3FAC] =	sst s9;
	s0 =	simm.s32 @!p0 $0x0  }
0x12: {  	s1 =	sld [smem:$0x3F92];
	s0 =	simm.s32 @p0 $0x1  }
0x13: {  	[smem:$0x3FAD] =	sst s0;
	s0 =	simm.s32 @!p1 $0x0  }
0x14: {  	s2 =	sld [smem:$0x3F91];
	s0 =	simm.s32 @p1 $0x1  }
0x15: {  	[smem:$0x3FAE] =	sst s0;
	s0 =	simm.s32 @!p2 $0x0  }
0x16: {  	s3 =	sld [smem:$0x3FDB];
	s0 =	simm.s32 @p2 $0x1  }
0x17: {  	s4 =	simm.s32 $0x1BF5;
	[smem:$0x3FB0] =	sst s0  }
0x18: {  	s0 =	sld [smem:$0x3F93];
	_ =	swait.ge [sflag:s4], $0x0  }
0x19: {  	s7 =	sld [smem:$0x3F94]  }
0x1a: {  	s8 =	sadd.s32 $0xFFFFE003, lr  }
0x1b: {  	s9 =	sadd.s32 $0xFFFFFEF7, lr;
	s5 =	simm.s32 $0xFFFFFFFF;
	p2 =	slt.u32 s8, $0xFFFFF086  }
0x1c: {  	p1 =	slt.u32 s9, $0xF7A;
	s5 =	simm.s32 @!p2 $0x0  }
0x1d: {  	s5 =	simm.s32 @p1 $0x1;
	p0 =	seq.s32 s7, s2  }
0x1e: {  	s7 =	smul.u32 @!p0 $0xF7A, s2;
	p2 =	seq.s32 @!p0 s5, $0x0  }
0x1f: {  	s9 =	smul.u32 $0xF7A, s1;
	s8 =	simm.s32 @!p0 $0x1BF5;
	p2 =	por !p2, p0  }
0x20: {  	[sflag:s8] =	ssyncset.s32 @!p0 $0xFFFFF086;
	s6 =	sadd.s32 @!p0 s3, s7;
	s7 =	simm.s32 @!p0 $0x108  }
0x21: {  	s3 =	sadd.s32 s3, s9;
	s6 =	sadd.s32 @!p0 $0x88, s6;
	s7 =	simm.s32 @p2 $0x1082  }
0x22: {  	[simem:s7], [sflag:s8] =	dma.local @!p0 [hbm:s6], $0xF7A  }
0x23: {  	s9 =	sor.u32 $0xD0000000, s2;
	s6 =	simm.s32 $0x108;
	_ =	swait.ge @!p0 [sflag:s8], $0x0  }
0x24: {  	s3 =	sadd.s32 $0x88, s3;
	s6 =	simm.s32 @!p1 $0x1082;
	[sflag:s4] =	ssyncset.s32 $0xFFFFF086  }
0x25: {  	[simem:s6], [sflag:s4] =	dma.local [hbm:s3], $0xF7A  }
0x26: {  	[smem:$0x3F94] =	sst s1;
	(tag) =	ssettag s2;
	_ =	strace s9  }
0x27: {  	s1 =	sld [smem:$0x3FA4]  }
0x28: {  	s2 =	sld [smem:$0x3FA5]  }
0x29: {  	s4 =	sld [smem:$0x3FA7]  }
0x2a: {  	p0 =	seq.s32 s5, $0x0;
	s5 =	sld [smem:$0x3FA8]  }
0x2b: {  	s6 =	sld [smem:$0x3FA9]  }
0x2c: {  	s7 =	sld [smem:$0x3FAA]  }
0x2d: {  	s3 =	simm.s32 $0x108;
	s8 =	sld [smem:$0x3FAB]  }
0x2e: {  	s3 =	simm.s32 @!p0 $0x1082;
	s9 =	sld [smem:$0x3FAC]  }
0x2f: {  	lr =	sadd.s32 s0, s3;
	s0 =	sld [smem:$0x3FA3]  }
0x30: {  	s3 =	sld [smem:$0x3FA6]  }
0x31: {  	[smem:$0x3FAF] =	sst s10  }
0x32: {  	s10 =	sld [smem:$0x3FAD];
	_ =	sdelay $0x3  }
0x33: {  	p0 =	seq.s32 s10, $0x1;
	s10 =	sld [smem:$0x3FAF];
	_ =	sdelay $0x3  }
0x34: {  	[smem:$0x3FAF] =	sst s10  }
0x35: {  	s10 =	sld [smem:$0x3FAE];
	_ =	sdelay $0x3  }
0x36: {  	p1 =	seq.s32 s10, $0x1;
	s10 =	sld [smem:$0x3FAF];
	_ =	sdelay $0x3  }
0x37: {  	[smem:$0x3FAF] =	sst s10  }
0x38: {  	s10 =	sld [smem:$0x3FB0]  }
0x39: {  	_ = 	snop;
	(pc) =	sbr.ind lr, $3  }
0x3a: {  	_ = 	snop  }
0x3b: {  	_ = 	snop  }
0x3c: {  	p2 =	seq.s32 s10, $0x1;
	s10 =	sld [smem:$0x3FAF]  }
0x3d: {  	_ =	shalt  }
0x3e: {  	_ =	shalt  }
0x3f: {  	_ =	shalt  }
0x40: {  	_ =	shalt  }
0x41: {  	_ =	shalt  }
0x42: {  	_ =	shalt  }
0x43: {  	_ =	shalt  }
0x44: {  	_ =	shalt  }
0x45: {  	_ =	shalt  }
0x46: {  	_ =	shalt  }
0x47: {  	_ =	shalt  }
0x48: {  	_ =	shalt  }
0x49: {  	_ =	shalt  }
0x4a: {  	_ =	shalt  }
0x4b: {  	_ =	shalt  }
0x4c: {  	_ =	shalt  }
0x4d: {  	_ =	shalt  }
0x4e: {  	_ =	shalt  }
0x4f: {  	_ =	shalt  }
0x50: {  	_ =	shalt  }
0x51: {  	_ =	shalt  }
0x52: {  	_ =	shalt  }
0x53: {  	_ =	shalt  }
0x54: {  	_ =	shalt  }
0x55: {  	_ =	shalt  }
0x56: {  	_ =	shalt  }
0x57: {  	_ =	shalt  }
0x58: {  	_ =	shalt  }
0x59: {  	_ =	shalt  }
0x5a: {  	_ =	shalt  }
0x5b: {  	_ =	shalt  }
0x5c: {  	_ =	shalt  }
0x5d: {  	_ =	shalt  }
0x5e: {  	_ =	shalt  }
0x5f: {  	_ =	shalt  }
0x60: {  	_ =	shalt  }
0x61: {  	_ =	shalt  }
0x62: {  	_ =	shalt  }
0x63: {  	_ =	shalt  }
0x64: {  	_ =	shalt  }
0x65: {  	_ =	shalt  }
0x66: {  	_ =	shalt  }
0x67: {  	_ =	shalt  }
0x68: {  	_ =	shalt  }
0x69: {  	_ =	shalt  }
0x6a: {  	_ =	shalt  }
0x6b: {  	_ =	shalt  }
0x6c: {  	_ =	shalt  }
0x6d: {  	_ =	shalt  }
0x6e: {  	_ =	shalt  }
0x6f: {  	_ =	shalt  }
0x70: {  	_ =	shalt  }
0x71: {  	_ =	shalt  }
0x72: {  	_ =	shalt  }
0x73: {  	_ =	shalt  }
0x74: {  	_ =	shalt  }
0x75: {  	_ =	shalt  }
0x76: {  	_ =	shalt  }
0x77: {  	_ =	shalt  }
0x78: {  	_ =	shalt  }
0x79: {  	_ =	shalt  }
0x7a: {  	_ =	shalt  }
0x7b: {  	_ =	shalt  }
0x7c: {  	_ =	shalt  }
0x7d: {  	_ =	shalt  }
0x7e: {  	_ =	shalt  }
0x7f: {  	_ =	shalt  }
0x80: {  	_ =	shalt  }
0x81: {  	_ =	shalt  }
0x82: {  	_ =	shalt  }
0x83: {  	_ =	shalt  }
0x84: {  	_ =	shalt  }
0x85: {  	_ =	shalt  }
0x86: {  	_ =	shalt  }
0x87: {  	_ =	shalt  }
.Lfunc_end0:
.L_simem_size_0:
called_computation_lowered:
.L_overlay_start_0:
0x88: {  	s2 =	sld [smem:$0x3FD9]  }
0x89: {  	s3 =	sld [smem:$0x3FFE];
	_ =	sdelay $0x1  }
0x8a: {  	s1 =	srdreg.scid  }
0x8b: {  	s0 =	sand.u32 $0x1, s1  }
0x8c: {  	s17 =	sshll.u32 s0, $0xA;
	s2 =	sadd.s32 s3, s2  }
0x8d: {  	s2 =	sadd.s32 s2, s17  }
0x8e: {  	[smem:$0x3FBB] =	sst s2  }
0x8f: {  	_ = 	snop  }
0x90: {  	s2 =	sld [smem:$0x3FC9];
	(tm) =	ssettm $0x1  }
0x91: {  	s18 =	sld [smem:$0x3FFB];
	_ =	sdelay $0x3  }
0x92: {  	_ =	strace s18  }
0x93: {  	s3 =	sld [smem:$0x3FFC];
	_ =	sdelay $0x3  }
0x94: {  	_ =	strace s3  }
0x95: {  	s3 =	sld [smem:$0x3FFD];
	_ =	sdelay $0x3  }
0x96: {  	_ =	strace s3  }
0x97: {  	_ =	strace $0x8FFFFFFF  }
0x98: {  	s19 =	sld [smem:$0x3FDB];
	_ =	sdelay $0x1  }
0x99: {  	s4 =	simm.s32 $_scs_section_size  }
0x9a: {  	s5 =	simm.s32 $_size__tile_overlayer_lowered;
	s6 =	simm.s32 $_tile_overlayer_lowered  }
0x9b: {  	s22 =	simm.s32 $0x1BFF;
	s21 =	sshll.u32 s6, $0x1;
	s3 =	sadd.s32 s4, s19  }
0x9c: {  	s7 =	simm.s32 $0x0;
	s20 =	sshll.u32 s5, $0x1;
	s5 =	sadd.s32 s21, s3  }
0x9d: {  	[timem:s7], [sflag:s22] =	dma.local [hbm:s5], s20  }
0x9e: {  	_ =	swait.ge [sflag:s22], s20  }
0x9f: {  	s4 =	ssub.s32 $0x0, s20;
	[sflag:s22] =	ssyncset.done $0x0  }
0xa0: {  	[sflag:s22] =	ssyncadd.s32 s4;
	_ =	sdelay $0x1  }
0xa1: {  	s23 =	simm.s32 $0x1B8B  }
0xa2: {  	_ =	swait.ge [sflag:s23], $0x1  }
0xa3: {  	[sflag:s23] =	ssyncset.done $0x0  }
0xa4: {  	s25 =	simm.s32 $0x1B8E;
	s24 =	sld [smem:$0x3FFE];
	[sflag:s23] =	ssyncadd.s32 $0xFFFFFFFF  }
0xa5: {  	s26 =	simm.s32 $execute0_lowered;
	[smem:$0x3FD2] =	sst s25  }
0xa6: {  	s5 =	sshll.u32 s26, $0x1;
	_ =	strace $0x80000046;
	[dreg:$0x1] =	wrdreg $0xFFFFFFFF  }
0xa7: {  	s28 =	simm.s32 $_size_execute0_lowered;
	s3 =	sadd.s32 s3, s5;
	[dreg:$0x0] =	wrdreg $0x0  }
0xa8: {  	s5 =	sshll.u32 s28, $0x1;
	[dreg:$0x2] =	wrdreg s3  }
0xa9: {  	[dreg:$0x3] =	wrdreg s5  }
0xaa: {  	[dreg:$0x4] =	wrdreg $0xC0  }
0xab: {  	_ =	task [dreg:s7], $0x5FFFF  }
0xac: {  	[dreg:$0x1] =	wrdreg $0xFFFFFFFF  }
0xad: {  	[dreg:$0x0] =	wrdreg $0x60  }
0xae: {  	[dreg:$0x2] =	wrdreg s2  }
0xaf: {  	[dreg:$0x3] =	wrdreg s24  }
0xb0: {  	[dreg:$0x4] =	wrdreg $0x90000  }
0xb1: {  	[dreg:$0x5] =	wrdreg $0x9  }
0xb2: {  	_ =	task.clear_ibuf [dreg:s7], $0x6FFFF;
	_ =	strace $0x90000046  }
0xb3: {  	s29 =	simm.s32 $0x9;
	_ =	strace $0x80000048  }
0xb4: {  	_ =	swait.ge [sflag:s29], $0x1  }
0xb5: {  	[sflag:s29] =	ssyncadd.s32 $0xFFFFFFFF  }
0xb6: {  	_ =	strace $0x90000048  }
0xb7: {  	_ =	sfence  }
0xb8: {  	s30 =	sld [smem:$0x0];
	_ =	sdelay $0x2  }
0xb9: {  	s31 =	sshll.u32 s1, $0xD;
	s1 =	sshrl.u32 s1, $0x2  }
0xba: {  	s3 =	sand.u32 $0x4000, s31;
	s1 =	sadd.s32 s1, s30  }
0xbb: {  	s0 =	sor.u32 s3, s0;
	s1 =	sshll.u32 s1, $0x11  }
0xbc: {  	s0 =	sor.u32 s1, s0  }
0xbd: {  	s0 =	sadd.s32 $0x8F2B, s0  }
0xbe: {  	[sflag:s0] =	ssyncadd.remote.s32 $0x1  }
0xbf: {  	_ =	sfence.sel $0xFFFF  }
0xc0: {  	[dreg:$0x0] =	wrdreg $0xFFFFFFFF;
	(pc) =	sbr.abs _section_cstart, $3  }
0xc1: {  	[dreg:$0x1] =	wrdreg $0xFFFFFFFF  }
0xc2: {  	_ =	task.clear_ibuf [dreg:s7], $0x2FFFF;
	_ =	strace $0x9FFFFFFF  }
0xc3: {  	(tm) =	ssettm $0x7FFFFFFF  }
tec
execute0_lowered:
.L_overlay_start_1:
0x0: {  	(tag) =	ssettag $0x1  }
0x1: {  	s1 =	rddreg [dreg:$0x0];
	s2 =	srdreg.scid  }
0x2: {  	s0 =	stileid.u32;
	s5 =	rddreg [dreg:$0x1]  }
0x3: {  	s3 =	rddreg [dreg:$0x2];
	s4 =	simm.s32 $0x0;
	s21 =	simm.s32 $0x7D  }
0x4: {  	s22 =	simm.s32 $0x1;
	s23 =	simm.s32 $0x0;
	s7 =	sand.u32 $0x1, s2  }
0x5: {  	s28 =	sshll.u32 s0, $0x1;
	s2 =	rddreg [dreg:$0x3];
	s8 =	smul.u32 $0x50000, s0  }
0x6: {  	[smem:$0x7FF] =	sst s4;
	s11 =	smul.u32 $0x14000, s0;
	s16 =	sadd.s32 $0x16C00, s5  }
0x7: {  	s6 =	sor.u32 s7, s28;
	s9 =	ssub.s32 $0x2, s7;
	s19 =	smul.u32 $0x140000, s7  }
0x8: {  	_ =	strace $0x80000047;
	s6 =	smul.u32 $0x500, s6;
	s29 =	sshrl.u32 s9, $0x1  }
0x9: {  	s30 =	sshrl.u32 s8, $0x2;
	s13 =	sadd.s32 $0x4000, s11;
	s14 =	sadd.s32 $0x8000, s11  }
0xa: {  	s15 =	sadd.s32 $0xC000, s11;
	s18 =	sadd.s32 $0x10000, s11;
	s17 =	ssub.s32 s9, s29  }
0xb: {  	s7 =	sadd.s32 s14, s3;
	s8 =	sadd.s32 s15, s3;
	s9 =	sadd.s32 s18, s3  }
0xc: {  	s20 =	sadd.s32 s11, s19;
	s14 =	sadd.s32 s19, s14;
	s15 =	sadd.s32 s19, s15  }
0xd: {  	s18 =	sadd.s32 s19, s18;
	s12 =	sadd.s32 s6, s5;
	s5 =	sadd.s32 s30, s3  }
0xe: {  	s6 =	sadd.s32 s13, s3;
	s13 =	sadd.s32 s19, s13;
	s31 =	sshrl.u32 s20, $0x3  }
0xf: {  	s14 =	sshrl.u32 s14, $0x3;
	s15 =	sshrl.u32 s15, $0x3;
	s18 =	sshrl.u32 s18, $0x3  }
0x10: {  	s17 =	smax.u32 s17, $0x1;
	s19 =	simm.s32 $0x2;
	s20 =	simm.s32 $0x2800  }
0x11: {  	s10 =	sadd.s32 $0x2C00, s12;
	s11 =	sadd.s32 $0xCC00, s12;
	s13 =	sshrl.u32 s13, $0x3  }
0x12: {  	s12 =	sadd.s32 s16, s31;
	s14 =	sadd.s32 s16, s14;
	s15 =	sadd.s32 s16, s15  }
0x13: {  	v0 =	vimm.f32 $0.0e+00;
	s13 =	sadd.s32 s16, s13;
	s16 =	sadd.s32 s16, s18;
	s18 =	simm.s32 $0x5000  }
.LBB2_1:
0x14: {  	s24 =	simm.s32 $0x0;
	s25 =	simm.s32 $0x200  }
.LBB2_2:
0x15: {  	p0 =	sne.s32 s25, $0xFE00;
	[tilespmem:s24+$0x5070] =	vst v0  }
0x16: {  	[tilespmem:s24+$0x5000] =	vst v0  }
0x17: {  	[tilespmem:s24+$0x5010] =	vst v0  }
.Ltmp0:
0x18: {  	[tilespmem:s24+$0x5020] =	vst v0;
	(pc) =	sbr.rel @p0 .LBB2_2-.Ltmp0, $4  }
0x19: {  	[tilespmem:s24+$0x5030] =	vst v0  }
0x1a: {  	[tilespmem:s24+$0x5040] =	vst v0  }
0x1b: {  	[tilespmem:s24+$0x5050] =	vst v0  }
0x1c: {  	[tilespmem:s24+$0x5060] =	vst v0;
	s24 =	sshra.s32 s25, $0x2;
	s25 =	sadd.s32 $0x200, s25  }
0x1d: {  	[tilespmem:s24+$0x5070] =	vst v0  }
0x1e: {  	[tilespmem:s24+$0x5000] =	vst v0  }
0x1f: {  	[tilespmem:s24+$0x5010] =	vst v0  }
0x20: {  	[tilespmem:s24+$0x5020] =	vst v0  }
0x21: {  	[tilespmem:s24+$0x5030] =	vst v0  }
0x22: {  	[tilespmem:s24+$0x5040] =	vst v0  }
0x23: {  	[tilespmem:s24+$0x5050] =	vst v0  }
0x24: {  	[tilespmem:s24+$0x5060] =	vst v0  }
0x25: {  	[spmem:s5] =	stream.linear.scatter [tilespmem:s18], [sflag:$0x2], $0x4000, $0x38;
	[tilespmem:$0x1D000] =	vst v63  }
0x26: {  	_ =	swait.ge [sflag:s19], $0x4000  }
0x27: {  	[sflag:s19] =	ssyncset.done $0x0  }
0x28: {  	[sflag:s19] =	ssyncadd.s32 $0xFFFFC000  }
0x29: {  	[spmem:s6] =	stream.linear.scatter [tilespmem:s18], [sflag:$0x2], $0x4000, $0x38;
	[tilespmem:$0x1D000] =	vst v63  }
0x2a: {  	_ =	swait.ge [sflag:s19], $0x4000  }
0x2b: {  	[sflag:s19] =	ssyncset.done $0x0  }
0x2c: {  	[sflag:s19] =	ssyncadd.s32 $0xFFFFC000  }
0x2d: {  	[spmem:s7] =	stream.linear.scatter [tilespmem:s18], [sflag:$0x2], $0x4000, $0x38;
	[tilespmem:$0x1D000] =	vst v63  }
0x2e: {  	_ =	swait.ge [sflag:s19], $0x4000  }
0x2f: {  	[sflag:s19] =	ssyncset.done $0x0  }
0x30: {  	[sflag:s19] =	ssyncadd.s32 $0xFFFFC000  }
0x31: {  	[spmem:s8] =	stream.linear.scatter [tilespmem:s18], [sflag:$0x2], $0x4000, $0x38;
	[tilespmem:$0x1D000] =	vst v63  }
0x32: {  	_ =	swait.ge [sflag:s19], $0x4000  }
0x33: {  	[sflag:s19] =	ssyncset.done $0x0  }
0x34: {  	[sflag:s19] =	ssyncadd.s32 $0xFFFFC000  }
0x35: {  	[spmem:s9] =	stream.linear.scatter [tilespmem:s18], [sflag:$0x2], $0x4000, $0x38;
	[tilespmem:$0x1D000] =	vst v63  }
0x36: {  	_ =	swait.ge [sflag:s19], $0x4000  }
0x37: {  	[sflag:s19] =	ssyncset.done $0x0  }
0x38: {  	[sflag:s19] =	ssyncadd.s32 $0xFFFFC000  }
0x39: {  	s29 =	simm.s32 $0x0;
	[bflag:$0x0] =	sbarrier.arrive $0xFFFF  }
0x3a: {  	[tilespmem:s29], [sflag:$0x2] =	stream.linear.gather [hbm4b:s10+s29], $0x2800, $0x38;
	[tilespmem:$0x1D000] =	vst v63  }
0x3b: {  	_ =	swait.ge [sflag:s19], $0x2800  }
0x3c: {  	[sflag:s19] =	ssyncset.done $0x0  }
0x3d: {  	[sflag:s19] =	ssyncadd.s32 $0xFFFFD800  }
0x3e: {  	[tilespmem:s20], [sflag:$0x2] =	stream.linear.gather [hbm4b:s11+s29], $0x2800, $0x38;
	[tilespmem:$0x1D000] =	vst v63  }
0x3f: {  	_ =	swait.ge [sflag:s19], $0x2800  }
0x40: {  	[sflag:s19] =	ssyncset.done $0x0  }
0x41: {  	s30 =	simm.s32 $0x0;
	[sflag:s19] =	ssyncadd.s32 $0xFFFFD800  }
0x42: {  	[tilespmem:s18], [sflag:$0x1] =	stream.indirect.gather [hbm4b:s1+s21], $0x80, s30, s21, $0xb8;
	[tilespmem:$0x1D000] =	vst v63  }
0x43: {  	_ =	swait.ge [sflag:s22], $0x3E80  }
0x44: {  	[sflag:s22] =	ssyncset.done $0x0  }
0x45: {  	s31 =	simm.s32 $0x2800;
	[sflag:s22] =	ssyncadd.s32 $0xFFFFC180  }
0x46: {  	[spmem:s3] =	stream.indirect.scatter.add.f32 [tilespmem:s18], [sflag:$0x2], $0x80, s31, s21, $0xb8;
	[tilespmem:$0x1D000] =	vst v63  }
0x47: {  	_ =	swait.ge [sflag:s19], $0x3E80  }
0x48: {  	s24 =	simm.s32 $0x200;
	s25 =	simm.s32 $0x400;
	[sflag:s19] =	ssyncset.done $0x0  }
.LBB2_4:
0x49: {  	s26 =	sshra.s32 s24, $0x2  }
0x4a: {  	[sflag:s19] =	ssyncadd.s32 $0xFFFFC180;
	s24 =	smov.u32 s25;
	s28 =	sadd.s32 $0x200, s25  }
0x4b: {  	[tilespmem:s18], [sflag:$0x1] =	stream.indirect.gather [hbm4b:s1+s21], $0x80, s26, s21, $0xb8;
	[tilespmem:$0x1D000] =	vst v63  }
0x4c: {  	p0 =	sne.s32 s25, $0x9E00;
	_ =	swait.ge [sflag:s22], $0x3E80  }
.Ltmp1:
0x4d: {  	[sflag:s22] =	ssyncset.done $0x0;
	(pc) =	sbr.rel @p0 .LBB2_4-.Ltmp1, $4  }
0x4e: {  	s25 =	sadd.s32 $0x2800, s26;
	[sflag:s22] =	ssyncadd.s32 $0xFFFFC180  }
0x4f: {  	[spmem:s3] =	stream.indirect.scatter.add.f32 [tilespmem:s18], [sflag:$0x2], $0x80, s25, s21, $0xb8;
	[tilespmem:$0x1D000] =	vst v63  }
0x50: {  	_ =	swait.ge [sflag:s19], $0x3E80  }
0x51: {  	s25 =	smov.u32 s28;
	[sflag:s19] =	ssyncset.done $0x0  }
0x52: {  	s24 =	sshra.s32 s24, $0x2;
	[sflag:s19] =	ssyncadd.s32 $0xFFFFC180  }
0x53: {  	[tilespmem:s18], [sflag:$0x1] =	stream.indirect.gather [hbm4b:s1+s21], $0x80, s24, s21, $0xb8;
	[tilespmem:$0x1D000] =	vst v63  }
0x54: {  	_ =	swait.ge [sflag:s22], $0x3E80  }
0x55: {  	[sflag:s22] =	ssyncset.done $0x0  }
0x56: {  	s24 =	sadd.s32 $0x2800, s24;
	[sflag:s22] =	ssyncadd.s32 $0xFFFFC180  }
0x57: {  	[spmem:s3] =	stream.indirect.scatter.add.f32 [tilespmem:s18], [sflag:$0x2], $0x80, s24, s21, $0xb8;
	[tilespmem:$0x1D000] =	vst v63  }
0x58: {  	_ =	swait.ge [sflag:s19], $0x3E80  }
0x59: {  	[sflag:s19] =	ssyncset.done $0x0  }
0x5a: {  	[sflag:s19] =	ssyncadd.s32 $0xFFFFC180  }
0x5b: {  	[bflag:$0x0] =	sbarrier.arrive $0xFFFF  }
0x5c: {  	[tilespmem:s18], [sflag:$0x2] =	stream.linear.gather [spmem:s5], $0x4000, $0x38;
	[tilespmem:$0x1D000] =	vst v63  }
0x5d: {  	_ =	swait.ge [sflag:s19], $0x4000  }
0x5e: {  	[sflag:s19] =	ssyncset.done $0x0  }
0x5f: {  	[sflag:s19] =	ssyncadd.s32 $0xFFFFC000  }
0x60: {  	[hbm4b:s12+s4] =	stream.linear.scatter [tilespmem:s18], [sflag:$0x2], $0x4000, $0x38;
	[tilespmem:$0x1D000] =	vst v63  }
0x61: {  	_ =	swait.ge [sflag:s19], $0x4000  }
0x62: {  	[sflag:s19] =	ssyncset.done $0x0  }
0x63: {  	[sflag:s19] =	ssyncadd.s32 $0xFFFFC000  }
0x64: {  	[tilespmem:s18], [sflag:$0x2] =	stream.linear.gather [spmem:s6], $0x4000, $0x38;
	[tilespmem:$0x1D000] =	vst v63  }
0x65: {  	_ =	swait.ge [sflag:s19], $0x4000  }
0x66: {  	[sflag:s19] =	ssyncset.done $0x0  }
0x67: {  	[sflag:s19] =	ssyncadd.s32 $0xFFFFC000  }
0x68: {  	[hbm4b:s13+s4] =	stream.linear.scatter [tilespmem:s18], [sflag:$0x2], $0x4000, $0x38;
	[tilespmem:$0x1D000] =	vst v63  }
0x69: {  	_ =	swait.ge [sflag:s19], $0x4000  }
0x6a: {  	[sflag:s19] =	ssyncset.done $0x0  }
0x6b: {  	[sflag:s19] =	ssyncadd.s32 $0xFFFFC000  }
0x6c: {  	[tilespmem:s18], [sflag:$0x2] =	stream.linear.gather [spmem:s7], $0x4000, $0x38;
	[tilespmem:$0x1D000] =	vst v63  }
0x6d: {  	_ =	swait.ge [sflag:s19], $0x4000  }
0x6e: {  	[sflag:s19] =	ssyncset.done $0x0  }
0x6f: {  	[sflag:s19] =	ssyncadd.s32 $0xFFFFC000  }
0x70: {  	[hbm4b:s14+s4] =	stream.linear.scatter [tilespmem:s18], [sflag:$0x2], $0x4000, $0x38;
	[tilespmem:$0x1D000] =	vst v63  }
0x71: {  	_ =	swait.ge [sflag:s19], $0x4000  }
0x72: {  	[sflag:s19] =	ssyncset.done $0x0  }
0x73: {  	[sflag:s19] =	ssyncadd.s32 $0xFFFFC000  }
0x74: {  	[tilespmem:s18], [sflag:$0x2] =	stream.linear.gather [spmem:s8], $0x4000, $0x38;
	[tilespmem:$0x1D000] =	vst v63  }
0x75: {  	_ =	swait.ge [sflag:s19], $0x4000  }
0x76: {  	[sflag:s19] =	ssyncset.done $0x0  }
0x77: {  	[sflag:s19] =	ssyncadd.s32 $0xFFFFC000  }
0x78: {  	[hbm4b:s15+s4] =	stream.linear.scatter [tilespmem:s18], [sflag:$0x2], $0x4000, $0x38;
	[tilespmem:$0x1D000] =	vst v63  }
0x79: {  	_ =	swait.ge [sflag:s19], $0x4000  }
0x7a: {  	[sflag:s19] =	ssyncset.done $0x0  }
0x7b: {  	[sflag:s19] =	ssyncadd.s32 $0xFFFFC000  }
0x7c: {  	[tilespmem:s18], [sflag:$0x2] =	stream.linear.gather [spmem:s9], $0x4000, $0x38;
	[tilespmem:$0x1D000] =	vst v63  }
0x7d: {  	s23 =	sadd.s32 $0x1, s23;
	_ =	swait.ge [sflag:s19], $0x4000  }
0x7e: {  	p0 =	sne.s32 s23, s17;
	[sflag:s19] =	ssyncset.done $0x0  }
.Ltmp2:
0x7f: {  	[sflag:s19] =	ssyncadd.s32 $0xFFFFC000;
	(pc) =	sbr.rel @p0 .LBB2_1-.Ltmp2, $4  }
0x80: {  	[hbm4b:s16+s4] =	stream.linear.scatter [tilespmem:s18], [sflag:$0x2], $0x4000, $0x38;
	[tilespmem:$0x1D000] =	vst v63  }
0x81: {  	_ =	swait.ge [sflag:s19], $0x4000  }
0x82: {  	[sflag:s19] =	ssyncset.done $0x0  }
0x83: {  	[sflag:s19] =	ssyncadd.s32 $0xFFFFC000  }
0x84: {  	_ =	sfence.sel $0x180000  }
0x85: {  	[bflag:$0x0] =	sbarrier.arrive $0xFFFF  }
0x86: {  	p0 =	sne.s32 s0, $0x0;
	_ =	strace $0x90000047  }
0x87: {  	s0 =	sadd.s32 @!p0 $0x100000, s2;
	[bflag:$0x2] =	sbarrier.arrive $0xFFFF  }
0x88: {  	[sflag:s0] =	ssyncadd.tile.s32 @!p0 $0x1;
	_ =	shalt  }
.Lfunc_end2:
_tile_overlayer_lowered:
.L_overlay_start_2:
0x89: {  	(tag) =	ssettag $0x2  }
0x8a: {  	s0 =	rddreg [dreg:$0x0];
	s2 =	stileid.u32  }
0x8b: {  	s1 =	rddreg [dreg:$0x1];
	p0 =	sne.s32 s2, $0x0  }
0x8c: {  	s3 =	rddreg [dreg:$0x2];
	[bflag:$0x3] =	sbarrier.arrive $0xFFFF;
	s2 =	simm.s32 @!p0 $0x1C02  }
0x8d: {  	[timem:s3], [sflag:s2] =	dma.local @!p0 [hbm:s0], s1  }
0x8e: {  	s0 =	simm.s32 @!p0 $0x2  }
0x8f: {  	_ =	swait.ge @!p0 [sflag:s0], s1  }
0x90: {  	s1 =	ssub.s32 @!p0 $0x0, s1;
	[sflag:s0] =	ssyncset.done @!p0 $0x0  }
0x91: {  	[sflag:s0] =	ssyncadd.s32 @!p0 s1  }
0x92: {  	[bflag:$0x3] =	sbarrier.arrive $0xFFFF  }
0x93: {  	_ =	shalt  }

</sc_bundles>
